<compile_context>
chip_gen: v7x
topology: tpu7x:2x2x1
jax: 0.10.2.dev20260603
libtpu: 0.0.44.dev20260713+nightly
codegen_flags: <defaults>
</compile_context>

<pallas_src>
import functools

import jax
import jax.numpy as jnp
from jax import lax
from jax.experimental import pallas as pl
from jax.experimental.pallas import tpu as pltpu
from jax.experimental.pallas import tpu_sc as plsc

N = 10000
E = 320000
D = 128
NC = 2
NS = 16
NW = NC * NS
EPW = 10240
EP = NW * EPW
NP = 10112
ZROWS = NP // NS
C = 64
NCH = EPW // C
G = 5
NGRP = NCH // G

_mesh = plsc.VectorSubcoreMesh(
    core_axis_name="c", subcore_axis_name="s", num_cores=NC, num_subcores=NS
)


@functools.partial(
    pl.kernel,
    out_type=jax.ShapeDtypeStruct((NC, NP, D), jnp.float32),
    mesh=_mesh,
    scratch_types=[
        pltpu.VMEM((G, C), jnp.int32),
        pltpu.VMEM((G, C), jnp.int32),
        pltpu.VMEM((G, C), jnp.int32),
        pltpu.VMEM((C, D), jnp.float32),
        pltpu.VMEM((C, D), jnp.float32),
        pltpu.VMEM((C, D), jnp.float32),
        pltpu.VMEM((C, D), jnp.float32),
        pltpu.VMEM((C, D), jnp.float32),
        pltpu.VMEM((16,), jnp.int32),
        pltpu.VMEM_SHARED((NP, D), jnp.float32),
        pltpu.SemaphoreType.DMA,
        pltpu.SemaphoreType.DMA,
        pltpu.SemaphoreType.DMA,
        pltpu.SemaphoreType.DMA,
        pltpu.SemaphoreType.DMA,
        pltpu.SemaphoreType.DMA,
        pltpu.SemaphoreType.DMA,
        pltpu.SemaphoreType.DMA,
        pltpu.SemaphoreType.DMA,
        pltpu.SemaphoreType.DMA,
    ],
)
def _sc_pass(y_hbm, srcg_hbm, srcd_hbm, dstp_hbm, zeros_hbm, ones_hbm,
             mode_hbm, p_hbm, idx_s, idx_da, idx_db, b0, b1, b2, b3, b4,
             mode_v, acc, s0, s1, s2, s3, s4, t0, t1, t2, t3, t4):
    c = lax.axis_index("c")
    s = lax.axis_index("s")
    wid = s * NC + c
    bufs = (b0, b1, b2, b3, b4)
    gsems = (s0, s1, s2, s3, s4)
    ssems = (t0, t1, t2, t3, t4)
    pltpu.sync_copy(mode_hbm, mode_v)
    pltpu.sync_copy(zeros_hbm.at[pl.ds(s * ZROWS, ZROWS)],
                    acc.at[pl.ds(s * ZROWS, ZROWS)])
    plsc.subcore_barrier()
    m = mode_v[...][0]

    def deg_loop(ihbm):
        pltpu.sync_copy(ones_hbm, b0)

        def grp(g, carry):
            pltpu.sync_copy(ihbm.at[wid, g], idx_da)
            for j in range(G):
                pltpu.sync_copy(b0, acc.at[idx_da.at[j]], add=True)
            return carry

        lax.fori_loop(0, NGRP, grp, 0)

    @pl.when(m == 0)
    def _():
        deg_loop(srcd_hbm)

    @pl.when(m == 1)
    def _():
        deg_loop(dstp_hbm)

    def _wait_g(i, k):
        pltpu.make_async_copy(y_hbm.at[idx_s.at[k]], bufs[i], gsems[i]).wait()

    def _wait_s(i):
        pltpu.make_async_copy(bufs[i], acc.at[idx_da.at[0]], ssems[i]).wait()

    @pl.when(m >= 2)
    def _():
        def one_group(gg, idx_d, first):
            pltpu.sync_copy(srcg_hbm.at[wid, gg], idx_s)
            pltpu.sync_copy(dstp_hbm.at[wid, gg], idx_d)
            for i in range(G):
                if first:
                    @pl.when(gg > 0)
                    def _():
                        _wait_s(i)
                else:
                    _wait_s(i)
                pltpu.async_copy(y_hbm.at[idx_s.at[i]], bufs[i], gsems[i])
            for i in range(G):
                _wait_g(i, i)
                pltpu.async_copy(bufs[i], acc.at[idx_d.at[i]],
                                 ssems[i], add=True)

        def super_grp(j, carry):
            one_group(j * 2, idx_da, True)
            one_group(j * 2 + 1, idx_db, False)
            return carry

        lax.fori_loop(0, NGRP // 2, super_grp, 0)
        for i in range(G):
            _wait_s(i)

    plsc.subcore_barrier()
    for j in range((ZROWS + C - 1) // C):
        rows = min(C, ZROWS - j * C)
        off = s * ZROWS + j * C
        pltpu.sync_copy(acc.at[pl.ds(off, rows)], b0.at[pl.ds(0, rows)])
        pltpu.sync_copy(b0.at[pl.ds(0, rows)], p_hbm.at[c, pl.ds(off, rows)])


_BR = 1000
_GRID = N // _BR


def _tc_body(p_ref, x_ref, ns_ref, nd_ref, b_ref, w_ref, fl_ref,
             y_ref, nso_ref, ndo_ref):
    f_degs = fl_ref[0, 0]
    f_degd = fl_ref[0, 1]
    f_x = fl_ref[0, 2]
    f_relu = fl_ref[0, 3]
    f_ns = fl_ref[0, 4]
    p0 = p_ref[0]
    p1 = p_ref[1]
    d = p0[:, 0:1] + p1[:, 0:1]
    norm = jnp.where(d > 0, lax.rsqrt(jnp.maximum(d, 1.0)), 0.0)
    ns = jnp.where(f_degs > 0, norm, ns_ref[...])
    nd = jnp.where(f_degd > 0, norm, nd_ref[...])
    nso_ref[...] = ns
    ndo_ref[...] = nd
    h = (p0 + p1) * nd + b_ref[...]
    h = jnp.where(f_relu > 0, jnp.maximum(h, 0.0), h)
    mm = jnp.where(f_x > 0, x_ref[...], h)
    y_ref[...] = jnp.dot(mm, w_ref[...],
                         preferred_element_type=jnp.float32) * (
        jnp.where(f_ns > 0, ns, 1.0))


_spec_rows = pl.BlockSpec((_BR, D), lambda i: (i, 0))
_spec_p = pl.BlockSpec((NC, _BR, D), lambda i: (0, i, 0))
_spec_norm = pl.BlockSpec((_BR, 1), lambda i: (i, 0))
_spec_w = pl.BlockSpec((D, D), lambda i: (0, 0))
_spec_b = pl.BlockSpec((1, D), lambda i: (0, 0))
_spec_fl = pl.BlockSpec((1, 8), lambda i: (0, 0))

_tc_step = pl.pallas_call(
    _tc_body, grid=(_GRID,),
    out_shape=(jax.ShapeDtypeStruct((N, D), jnp.float32),
               jax.ShapeDtypeStruct((N, 1), jnp.float32),
               jax.ShapeDtypeStruct((N, 1), jnp.float32)),
    in_specs=[_spec_p, _spec_rows, _spec_norm, _spec_norm, _spec_b,
              _spec_w, _spec_fl],
    out_specs=(_spec_rows, _spec_norm, _spec_norm),
)


def kernel(x, edge_index, W1, b1, W2, b2, W3, b3):
    src = edge_index[0].astype(jnp.int32)
    dst = edge_index[1].astype(jnp.int32)
    pad = EP - E
    src_g = jnp.concatenate([src, jnp.zeros((pad,), jnp.int32)]).reshape(NW, NGRP, G, C)
    src_d = jnp.concatenate([src, jnp.full((pad,), N, jnp.int32)]).reshape(NW, NGRP, G, C)
    dst_p = jnp.concatenate([dst, jnp.full((pad,), N, jnp.int32)]).reshape(NW, NGRP, G, C)
    zerosD = jnp.zeros((NP, D), jnp.float32)
    onesCD = jnp.ones((C, D), jnp.float32)
    zb = jnp.zeros((1, D), jnp.float32)
    eye = jnp.eye(D, dtype=jnp.float32)

    modes = jnp.repeat(jnp.arange(5, dtype=jnp.int32), 16).reshape(5, 16)
    Ws = jnp.stack([eye, W1, W2, W3, eye])
    bs = jnp.stack([zb, zb, b1.reshape(1, D), b2.reshape(1, D),
                    b3.reshape(1, D)])
    fls = jnp.array([
        [1, 0, 0, 0, 0, 0, 0, 0],
        [0, 1, 1, 0, 1, 0, 0, 0],
        [0, 0, 0, 1, 1, 0, 0, 0],
        [0, 0, 0, 1, 1, 0, 0, 0],
        [0, 0, 0, 0, 0, 0, 0, 0],
    ], jnp.float32).reshape(5, 1, 8)

    def step(carry, mwbf):
        yc, ns_c, nd_c = carry
        mode, W, b, fl = mwbf
        p = _sc_pass(yc, src_g, src_d, dst_p, zerosD, onesCD, mode)
        y2, ns2, nd2 = _tc_step(p, x, ns_c, nd_c, b, W, fl)
        return (y2, ns2, nd2), None

    carry0 = (x, jnp.zeros((N, 1), jnp.float32), jnp.zeros((N, 1), jnp.float32))
    (y, _, _), _ = lax.scan(step, carry0, (modes, Ws, bs, fls))
    return y

# --- scband reference (transcript-rebuilt; emitter-appended) ---
"""Pipeline reference for scband-gcn-32220844655369 (READ-ONLY COPY).

The authoritative reference and input builder live on the scoring server;
editing this copy changes nothing except your own understanding.
"""

import jax, jax.numpy as jnp
import numpy as np

N_NODES = 10000
N_EDGES = 320000
D_IN = 128
D_HID = 128
D_OUT = 128


def setup_inputs(seed: int = 0) -> dict:
    key = jax.random.key(seed)
    ks = jax.random.split(key, 10)
    x = jax.random.normal(ks[0], (N_NODES, D_IN), dtype=jnp.float32)
    edge_index = jax.random.randint(ks[1], (2, N_EDGES), 0, N_NODES, dtype=jnp.int64)
    s1 = 1.0 / np.sqrt(D_IN)
    s2 = 1.0 / np.sqrt(D_HID)
    W1 = jax.random.uniform(ks[2], (D_IN, D_HID), dtype=jnp.float32, minval=-s1, maxval=s1)
    b1 = jnp.zeros((D_HID,), dtype=jnp.float32)
    W2 = jax.random.uniform(ks[3], (D_HID, D_HID), dtype=jnp.float32, minval=-s2, maxval=s2)
    b2 = jnp.zeros((D_HID,), dtype=jnp.float32)
    W3 = jax.random.uniform(ks[4], (D_HID, D_OUT), dtype=jnp.float32, minval=-s2, maxval=s2)
    b3 = jnp.zeros((D_OUT,), dtype=jnp.float32)
    return {"x": x, "edge_index": edge_index, "W1": W1, "b1": b1, "W2": W2, "b2": b2, "W3": W3, "b3": b3}


def _graph_conv(h, src, dst, W, b, n_nodes):
    # DGL GraphConv with norm='both': D_out^{-1/2} on src, D_in^{-1/2} on dst
    ones = jnp.ones((src.shape[0],), dtype=h.dtype)
    deg_out = jnp.zeros((n_nodes,), dtype=h.dtype).at[src].add(ones)
    deg_in = jnp.zeros((n_nodes,), dtype=h.dtype).at[dst].add(ones)
    norm_s = jnp.where(deg_out > 0, jax.lax.rsqrt(jnp.maximum(deg_out, 1.0)), 0.0)
    norm_d = jnp.where(deg_in > 0, jax.lax.rsqrt(jnp.maximum(deg_in, 1.0)), 0.0)
    h = h * norm_s[:, None]
    h = h @ W
    msg = jnp.take(h, src, axis=0)            # gather over edges
    agg = jnp.zeros((n_nodes, h.shape[1]), dtype=h.dtype).at[dst].add(msg)  # scatter-add
    agg = agg * norm_d[:, None]
    return agg + b


def reference(x, edge_index, W1, b1, W2, b2, W3, b3):
    src = edge_index[0]
    dst = edge_index[1]
    n = x.shape[0]
    # dropout is identity in eval mode
    h = _graph_conv(x, src, dst, W1, b1, n)
    h = jax.nn.relu(h)
    h = _graph_conv(h, src, dst, W2, b2, n)
    h = jax.nn.relu(h)
    h = _graph_conv(h, src, dst, W3, b3, n)
    return h

if __name__ == "__main__":
    import jax
    _d = setup_inputs()
    print(jax.jit(kernel)(*tuple(_d.values())))

</pallas_src>

<mosaic_0001>
#map = affine_map<(d0, d1) -> (0, 0)>
#map1 = affine_map<(d0, d1) -> (0, 0, 0, 0)>
#map2 = affine_map<(d0, d1) -> (0)>
#map3 = affine_map<(d0, d1) -> (0, 0, 0)>
module attributes {stable_mosaic.version = 14 : i64} {
  func.func @_sc_pass(%arg0: i32, %arg1: i32, %arg2: memref<10000x128xf32, #tpu.memory_space<hbm>>, %arg3: memref<32x32x5x64xi32, #tpu.memory_space<hbm>>, %arg4: memref<32x32x5x64xi32, #tpu.memory_space<hbm>>, %arg5: memref<32x32x5x64xi32, #tpu.memory_space<hbm>>, %arg6: memref<10112x128xf32, #tpu.memory_space<hbm>>, %arg7: memref<64x128xf32, #tpu.memory_space<hbm>>, %arg8: memref<16xi32, #tpu.memory_space<hbm>>, %arg9: memref<2x10112x128xf32, #tpu.memory_space<hbm>>, %arg10: memref<5x64xi32, #tpu.memory_space<vmem>>, %arg11: memref<5x64xi32, #tpu.memory_space<vmem>>, %arg12: memref<5x64xi32, #tpu.memory_space<vmem>>, %arg13: memref<64x128xf32, #tpu.memory_space<vmem>>, %arg14: memref<64x128xf32, #tpu.memory_space<vmem>>, %arg15: memref<64x128xf32, #tpu.memory_space<vmem>>, %arg16: memref<64x128xf32, #tpu.memory_space<vmem>>, %arg17: memref<64x128xf32, #tpu.memory_space<vmem>>, %arg18: memref<16xi32, #tpu.memory_space<vmem>>, %arg19: memref<10112x128xf32, #tpu.memory_space<vmem_shared>>, %arg20: memref<!tpu.dma_semaphore, #tpu.memory_space<semaphore_mem>>, %arg21: memref<!tpu.dma_semaphore, #tpu.memory_space<semaphore_mem>>, %arg22: memref<!tpu.dma_semaphore, #tpu.memory_space<semaphore_mem>>, %arg23: memref<!tpu.dma_semaphore, #tpu.memory_space<semaphore_mem>>, %arg24: memref<!tpu.dma_semaphore, #tpu.memory_space<semaphore_mem>>, %arg25: memref<!tpu.dma_semaphore, #tpu.memory_space<semaphore_mem>>, %arg26: memref<!tpu.dma_semaphore, #tpu.memory_space<semaphore_mem>>, %arg27: memref<!tpu.dma_semaphore, #tpu.memory_space<semaphore_mem>>, %arg28: memref<!tpu.dma_semaphore, #tpu.memory_space<semaphore_mem>>, %arg29: memref<!tpu.dma_semaphore, #tpu.memory_space<semaphore_mem>>) attributes {dimension_semantics = [#tpu.dimension_semantics<core_parallel>, #tpu.dimension_semantics<subcore_parallel>], iteration_bounds = array<i64: 2, 16>, scalar_prefetch = 0 : i64, scratch_operands = 20 : i64, tpu.core_type = #tpu.core_type<sc_vector_subcore>, window_params = [{transform_indices = #map}, {transform_indices = #map1}, {transform_indices = #map1}, {transform_indices = #map1}, {transform_indices = #map}, {transform_indices = #map}, {transform_indices = #map2}, {transform_indices = #map3}]} {
    %mul3A = arith.constant 2 : i32
    %mul3A_0 = arith.muli %arg1, %mul3A : i32
    %add3A = arith.addi %mul3A_0, %arg0 : i32
    "tpu.region"() ({
      %run_scoped3A = tpu.sem_alloc : memref<!tpu.dma_semaphore, #tpu.memory_space<semaphore_mem>>
      tpu.enqueue_dma source(%arg8 : memref<16xi32, #tpu.memory_space<hbm>>) target(%arg18 : memref<16xi32, #tpu.memory_space<vmem>>) target_semaphore(%run_scoped3A : memref<!tpu.dma_semaphore, #tpu.memory_space<semaphore_mem>>)
      tpu.wait_dma2 semaphore(%run_scoped3A : memref<!tpu.dma_semaphore, #tpu.memory_space<semaphore_mem>>) src(%arg8 : memref<16xi32, #tpu.memory_space<hbm>>) dst(%arg18 : memref<16xi32, #tpu.memory_space<vmem>>)
      tpu.yield
    }) : () -> ()
    %mul3A_1 = arith.constant 632 : i32
    %mul3A_2 = arith.muli %arg1, %mul3A_1 : i32
    %mul3A_3 = arith.constant 632 : i32
    %mul3A_4 = arith.muli %arg1, %mul3A_3 : i32
    "tpu.region"() ({
      %run_scoped3A = tpu.sem_alloc : memref<!tpu.dma_semaphore, #tpu.memory_space<semaphore_mem>>
      %dma_start3A = arith.constant 0 : i32
      %dma_start3A_59 = tpu.memref_slice %arg19[%mul3A_4, %dma_start3A] : memref<10112x128xf32, #tpu.memory_space<vmem_shared>> -> memref<632x128xf32, #tpu.memory_space<vmem_shared>>
      %dma_start3A_60 = arith.constant 0 : i32
      %dma_start3A_61 = tpu.memref_slice %arg6[%mul3A_2, %dma_start3A_60] : memref<10112x128xf32, #tpu.memory_space<hbm>> -> memref<632x128xf32, #tpu.memory_space<hbm>>
      tpu.enqueue_dma source(%dma_start3A_61 : memref<632x128xf32, #tpu.memory_space<hbm>>) target(%dma_start3A_59 : memref<632x128xf32, #tpu.memory_space<vmem_shared>>) target_semaphore(%run_scoped3A : memref<!tpu.dma_semaphore, #tpu.memory_space<semaphore_mem>>)
      %dma_wait3A = arith.constant 0 : i32
      %dma_wait3A_62 = tpu.memref_slice %arg19[%mul3A_4, %dma_wait3A] : memref<10112x128xf32, #tpu.memory_space<vmem_shared>> -> memref<632x128xf32, #tpu.memory_space<vmem_shared>>
      %dma_wait3A_63 = arith.constant 0 : i32
      %dma_wait3A_64 = tpu.memref_slice %arg6[%mul3A_2, %dma_wait3A_63] : memref<10112x128xf32, #tpu.memory_space<hbm>> -> memref<632x128xf32, #tpu.memory_space<hbm>>
      tpu.wait_dma2 semaphore(%run_scoped3A : memref<!tpu.dma_semaphore, #tpu.memory_space<semaphore_mem>>) src(%dma_wait3A_64 : memref<632x128xf32, #tpu.memory_space<hbm>>) dst(%dma_wait3A_62 : memref<632x128xf32, #tpu.memory_space<vmem_shared>>)
      tpu.yield
    }) : () -> ()
    %barrier3A = arith.constant 0 : index
    tpu.barrier barrier_id(%barrier3A)
    %get3A = arith.constant 0 : index
    %get3A_5 = tpu.vector_load %arg18[%get3A] {strides = array<i32>} : memref<16xi32, #tpu.memory_space<vmem>>, vector<16xi32>,
    %get3A_6 = vector.shape_cast %get3A_5 : vector<16xi32> to vector<16xi32>
    %slice3A = vector.extract_strided_slice %get3A_6 {offsets = [0], sizes = [1], strides = [1]} : vector<16xi32> to vector<1xi32>
    %squeeze3A = vector.extract %slice3A[0] : i32 from vector<1xi32>
    %eq3A = arith.constant 0 : i32
    %eq3A_7 = arith.cmpi eq, %squeeze3A, %eq3A : i32
    %convert_element_type3A = arith.extui %eq3A_7 : i1 to i32
    %cond3A = arith.constant 0 : i32
    %cond3A_8 = arith.cmpi ne, %convert_element_type3A, %cond3A : i32
    scf.if %cond3A_8 {
      "tpu.region"() ({
        %run_scoped3A = tpu.sem_alloc : memref<!tpu.dma_semaphore, #tpu.memory_space<semaphore_mem>>
        tpu.enqueue_dma source(%arg7 : memref<64x128xf32, #tpu.memory_space<hbm>>) target(%arg13 : memref<64x128xf32, #tpu.memory_space<vmem>>) target_semaphore(%run_scoped3A : memref<!tpu.dma_semaphore, #tpu.memory_space<semaphore_mem>>)
        tpu.wait_dma2 semaphore(%run_scoped3A : memref<!tpu.dma_semaphore, #tpu.memory_space<semaphore_mem>>) src(%arg7 : memref<64x128xf32, #tpu.memory_space<hbm>>) dst(%arg13 : memref<64x128xf32, #tpu.memory_space<vmem>>)
        tpu.yield
      }) : () -> ()
      %scan3A = arith.constant 0 : i32
      %scan3A_59 = arith.constant 0 : i32
      %scan3A_60 = arith.constant 32 : i32
      %scan3A_61 = arith.addi %scan3A_59, %scan3A_60 : i32
      %scan3A_62 = arith.constant 1 : i32
      scf.for %scan3A_64 = %scan3A_59 to %scan3A_61 step %scan3A_62  : i32 {
        "tpu.region"() ({
          %run_scoped3A_69 = tpu.sem_alloc : memref<!tpu.dma_semaphore, #tpu.memory_space<semaphore_mem>>
          %dma_start3A = arith.constant 0 : i32
          %dma_start3A_70 = arith.constant 0 : i32
          %dma_start3A_71 = tpu.memref_slice %arg4[%add3A, %scan3A_64, %dma_start3A, %dma_start3A_70] : memref<32x32x5x64xi32, #tpu.memory_space<hbm>> -> memref<1x1x5x64xi32, #tpu.memory_space<hbm>>
          %dma_start3A_72 = tpu.memref_squeeze %dma_start3A_71 : memref<1x1x5x64xi32, #tpu.memory_space<hbm>> -> memref<5x64xi32, #tpu.memory_space<hbm>>
          %dma_start3A_73 = arith.constant 0 : i32
          %dma_start3A_74 = arith.constant 0 : i32
          %dma_start3A_75 = tpu.memref_slice %arg4[%add3A, %scan3A_64, %dma_start3A_73, %dma_start3A_74] : memref<32x32x5x64xi32, #tpu.memory_space<hbm>> -> memref<1x1x5x64xi32, #tpu.memory_space<hbm>>
          %dma_start3A_76 = tpu.memref_squeeze %dma_start3A_75 : memref<1x1x5x64xi32, #tpu.memory_space<hbm>> -> memref<5x64xi32, #tpu.memory_space<hbm>>
          tpu.enqueue_dma source(%dma_start3A_76 : memref<5x64xi32, #tpu.memory_space<hbm>>) target(%arg11 : memref<5x64xi32, #tpu.memory_space<vmem>>) target_semaphore(%run_scoped3A_69 : memref<!tpu.dma_semaphore, #tpu.memory_space<semaphore_mem>>)
          %dma_wait3A = arith.constant 0 : i32
          %dma_wait3A_77 = arith.constant 0 : i32
          %dma_wait3A_78 = tpu.memref_slice %arg4[%add3A, %scan3A_64, %dma_wait3A, %dma_wait3A_77] : memref<32x32x5x64xi32, #tpu.memory_space<hbm>> -> memref<1x1x5x64xi32, #tpu.memory_space<hbm>>
          %dma_wait3A_79 = tpu.memref_squeeze %dma_wait3A_78 : memref<1x1x5x64xi32, #tpu.memory_space<hbm>> -> memref<5x64xi32, #tpu.memory_space<hbm>>
          %dma_wait3A_80 = arith.constant 0 : i32
          %dma_wait3A_81 = arith.constant 0 : i32
          %dma_wait3A_82 = tpu.memref_slice %arg4[%add3A, %scan3A_64, %dma_wait3A_80, %dma_wait3A_81] : memref<32x32x5x64xi32, #tpu.memory_space<hbm>> -> memref<1x1x5x64xi32, #tpu.memory_space<hbm>>
          %dma_wait3A_83 = tpu.memref_squeeze %dma_wait3A_82 : memref<1x1x5x64xi32, #tpu.memory_space<hbm>> -> memref<5x64xi32, #tpu.memory_space<hbm>>
          tpu.wait_dma2 semaphore(%run_scoped3A_69 : memref<!tpu.dma_semaphore, #tpu.memory_space<semaphore_mem>>) src(%dma_wait3A_83 : memref<5x64xi32, #tpu.memory_space<hbm>>) dst(%arg11 : memref<5x64xi32, #tpu.memory_space<vmem>>)
          tpu.yield
        }) : () -> ()
        %run_scoped3A = arith.constant 0 : i32
        "tpu.region"() ({
          %run_scoped3A_69 = tpu.sem_alloc : memref<!tpu.dma_semaphore, #tpu.memory_space<semaphore_mem>>
          %dma_start3A = arith.constant 0 : i32
          %dma_start3A_70 = tpu.memref_slice %arg11[%run_scoped3A, %dma_start3A] : memref<5x64xi32, #tpu.memory_space<vmem>> -> memref<1x64xi32, #tpu.memory_space<vmem>>
          %dma_start3A_71 = tpu.memref_squeeze %dma_start3A_70 : memref<1x64xi32, #tpu.memory_space<vmem>> -> memref<64xi32, #tpu.memory_space<vmem>>
          %dma_start3A_72 = arith.constant 0 : i32
          %dma_start3A_73 = arith.constant 0 : i32
          %dma_start3A_74 = tpu.memref_slice %arg19[%dma_start3A_72, %dma_start3A_73] : memref<10112x128xf32, #tpu.memory_space<vmem_shared>> -> memref<10112x128xf32, #tpu.memory_space<vmem_shared>>
          tpu.enqueue_indirect_dma source(%arg13 : memref<64x128xf32, #tpu.memory_space<vmem>>) target(%dma_start3A_74 : memref<10112x128xf32, #tpu.memory_space<vmem_shared>>) offsets(%dma_start3A_71 : memref<64xi32, #tpu.memory_space<vmem>>) semaphore(%run_scoped3A_69 : memref<!tpu.dma_semaphore, #tpu.memory_space<semaphore_mem>>) {add = true}
          %dma_wait3A = arith.constant 0 : i32
          %dma_wait3A_75 = tpu.memref_slice %arg11[%run_scoped3A, %dma_wait3A] : memref<5x64xi32, #tpu.memory_space<vmem>> -> memref<1x64xi32, #tpu.memory_space<vmem>>
          %dma_wait3A_76 = tpu.memref_squeeze %dma_wait3A_75 : memref<1x64xi32, #tpu.memory_space<vmem>> -> memref<64xi32, #tpu.memory_space<vmem>>
          %dma_wait3A_77 = arith.constant 0 : i32
          %dma_wait3A_78 = arith.constant 0 : i32
          %dma_wait3A_79 = tpu.memref_slice %arg19[%dma_wait3A_77, %dma_wait3A_78] : memref<10112x128xf32, #tpu.memory_space<vmem_shared>> -> memref<10112x128xf32, #tpu.memory_space<vmem_shared>>
          tpu.wait_indirect_dma semaphore(%run_scoped3A_69 : memref<!tpu.dma_semaphore, #tpu.memory_space<semaphore_mem>>) src(%arg13 : memref<64x128xf32, #tpu.memory_space<vmem>>) dst(%dma_wait3A_79 : memref<10112x128xf32, #tpu.memory_space<vmem_shared>>)
          tpu.yield
        }) : () -> ()
        %run_scoped3A_65 = arith.constant 1 : i32
        "tpu.region"() ({
          %run_scoped3A_69 = tpu.sem_alloc : memref<!tpu.dma_semaphore, #tpu.memory_space<semaphore_mem>>
          %dma_start3A = arith.constant 0 : i32
          %dma_start3A_70 = tpu.memref_slice %arg11[%run_scoped3A_65, %dma_start3A] : memref<5x64xi32, #tpu.memory_space<vmem>> -> memref<1x64xi32, #tpu.memory_space<vmem>>
          %dma_start3A_71 = tpu.memref_squeeze %dma_start3A_70 : memref<1x64xi32, #tpu.memory_space<vmem>> -> memref<64xi32, #tpu.memory_space<vmem>>
          %dma_start3A_72 = arith.constant 0 : i32
          %dma_start3A_73 = arith.constant 0 : i32
          %dma_start3A_74 = tpu.memref_slice %arg19[%dma_start3A_72, %dma_start3A_73] : memref<10112x128xf32, #tpu.memory_space<vmem_shared>> -> memref<10112x128xf32, #tpu.memory_space<vmem_shared>>
          tpu.enqueue_indirect_dma source(%arg13 : memref<64x128xf32, #tpu.memory_space<vmem>>) target(%dma_start3A_74 : memref<10112x128xf32, #tpu.memory_space<vmem_shared>>) offsets(%dma_start3A_71 : memref<64xi32, #tpu.memory_space<vmem>>) semaphore(%run_scoped3A_69 : memref<!tpu.dma_semaphore, #tpu.memory_space<semaphore_mem>>) {add = true}
          %dma_wait3A = arith.constant 0 : i32
          %dma_wait3A_75 = tpu.memref_slice %arg11[%run_scoped3A_65, %dma_wait3A] : memref<5x64xi32, #tpu.memory_space<vmem>> -> memref<1x64xi32, #tpu.memory_space<vmem>>
          %dma_wait3A_76 = tpu.memref_squeeze %dma_wait3A_75 : memref<1x64xi32, #tpu.memory_space<vmem>> -> memref<64xi32, #tpu.memory_space<vmem>>
          %dma_wait3A_77 = arith.constant 0 : i32
          %dma_wait3A_78 = arith.constant 0 : i32
          %dma_wait3A_79 = tpu.memref_slice %arg19[%dma_wait3A_77, %dma_wait3A_78] : memref<10112x128xf32, #tpu.memory_space<vmem_shared>> -> memref<10112x128xf32, #tpu.memory_space<vmem_shared>>
          tpu.wait_indirect_dma semaphore(%run_scoped3A_69 : memref<!tpu.dma_semaphore, #tpu.memory_space<semaphore_mem>>) src(%arg13 : memref<64x128xf32, #tpu.memory_space<vmem>>) dst(%dma_wait3A_79 : memref<10112x128xf32, #tpu.memory_space<vmem_shared>>)
          tpu.yield
        }) : () -> ()
        %run_scoped3A_66 = arith.constant 2 : i32
        "tpu.region"() ({
          %run_scoped3A_69 = tpu.sem_alloc : memref<!tpu.dma_semaphore, #tpu.memory_space<semaphore_mem>>
          %dma_start3A = arith.constant 0 : i32
          %dma_start3A_70 = tpu.memref_slice %arg11[%run_scoped3A_66, %dma_start3A] : memref<5x64xi32, #tpu.memory_space<vmem>> -> memref<1x64xi32, #tpu.memory_space<vmem>>
          %dma_start3A_71 = tpu.memref_squeeze %dma_start3A_70 : memref<1x64xi32, #tpu.memory_space<vmem>> -> memref<64xi32, #tpu.memory_space<vmem>>
          %dma_start3A_72 = arith.constant 0 : i32
          %dma_start3A_73 = arith.constant 0 : i32
          %dma_start3A_74 = tpu.memref_slice %arg19[%dma_start3A_72, %dma_start3A_73] : memref<10112x128xf32, #tpu.memory_space<vmem_shared>> -> memref<10112x128xf32, #tpu.memory_space<vmem_shared>>
          tpu.enqueue_indirect_dma source(%arg13 : memref<64x128xf32, #tpu.memory_space<vmem>>) target(%dma_start3A_74 : memref<10112x128xf32, #tpu.memory_space<vmem_shared>>) offsets(%dma_start3A_71 : memref<64xi32, #tpu.memory_space<vmem>>) semaphore(%run_scoped3A_69 : memref<!tpu.dma_semaphore, #tpu.memory_space<semaphore_mem>>) {add = true}
          %dma_wait3A = arith.constant 0 : i32
          %dma_wait3A_75 = tpu.memref_slice %arg11[%run_scoped3A_66, %dma_wait3A] : memref<5x64xi32, #tpu.memory_space<vmem>> -> memref<1x64xi32, #tpu.memory_space<vmem>>
          %dma_wait3A_76 = tpu.memref_squeeze %dma_wait3A_75 : memref<1x64xi32, #tpu.memory_space<vmem>> -> memref<64xi32, #tpu.memory_space<vmem>>
          %dma_wait3A_77 = arith.constant 0 : i32
          %dma_wait3A_78 = arith.constant 0 : i32
          %dma_wait3A_79 = tpu.memref_slice %arg19[%dma_wait3A_77, %dma_wait3A_78] : memref<10112x128xf32, #tpu.memory_space<vmem_shared>> -> memref<10112x128xf32, #tpu.memory_space<vmem_shared>>
          tpu.wait_indirect_dma semaphore(%run_scoped3A_69 : memref<!tpu.dma_semaphore, #tpu.memory_space<semaphore_mem>>) src(%arg13 : memref<64x128xf32, #tpu.memory_space<vmem>>) dst(%dma_wait3A_79 : memref<10112x128xf32, #tpu.memory_space<vmem_shared>>)
          tpu.yield
        }) : () -> ()
        %run_scoped3A_67 = arith.constant 3 : i32
        "tpu.region"() ({
          %run_scoped3A_69 = tpu.sem_alloc : memref<!tpu.dma_semaphore, #tpu.memory_space<semaphore_mem>>
          %dma_start3A = arith.constant 0 : i32
          %dma_start3A_70 = tpu.memref_slice %arg11[%run_scoped3A_67, %dma_start3A] : memref<5x64xi32, #tpu.memory_space<vmem>> -> memref<1x64xi32, #tpu.memory_space<vmem>>
          %dma_start3A_71 = tpu.memref_squeeze %dma_start3A_70 : memref<1x64xi32, #tpu.memory_space<vmem>> -> memref<64xi32, #tpu.memory_space<vmem>>
          %dma_start3A_72 = arith.constant 0 : i32
          %dma_start3A_73 = arith.constant 0 : i32
          %dma_start3A_74 = tpu.memref_slice %arg19[%dma_start3A_72, %dma_start3A_73] : memref<10112x128xf32, #tpu.memory_space<vmem_shared>> -> memref<10112x128xf32, #tpu.memory_space<vmem_shared>>
          tpu.enqueue_indirect_dma source(%arg13 : memref<64x128xf32, #tpu.memory_space<vmem>>) target(%dma_start3A_74 : memref<10112x128xf32, #tpu.memory_space<vmem_shared>>) offsets(%dma_start3A_71 : memref<64xi32, #tpu.memory_space<vmem>>) semaphore(%run_scoped3A_69 : memref<!tpu.dma_semaphore, #tpu.memory_space<semaphore_mem>>) {add = true}
          %dma_wait3A = arith.constant 0 : i32
          %dma_wait3A_75 = tpu.memref_slice %arg11[%run_scoped3A_67, %dma_wait3A] : memref<5x64xi32, #tpu.memory_space<vmem>> -> memref<1x64xi32, #tpu.memory_space<vmem>>
          %dma_wait3A_76 = tpu.memref_squeeze %dma_wait3A_75 : memref<1x64xi32, #tpu.memory_space<vmem>> -> memref<64xi32, #tpu.memory_space<vmem>>
          %dma_wait3A_77 = arith.constant 0 : i32
          %dma_wait3A_78 = arith.constant 0 : i32
          %dma_wait3A_79 = tpu.memref_slice %arg19[%dma_wait3A_77, %dma_wait3A_78] : memref<10112x128xf32, #tpu.memory_space<vmem_shared>> -> memref<10112x128xf32, #tpu.memory_space<vmem_shared>>
          tpu.wait_indirect_dma semaphore(%run_scoped3A_69 : memref<!tpu.dma_semaphore, #tpu.memory_space<semaphore_mem>>) src(%arg13 : memref<64x128xf32, #tpu.memory_space<vmem>>) dst(%dma_wait3A_79 : memref<10112x128xf32, #tpu.memory_space<vmem_shared>>)
          tpu.yield
        }) : () -> ()
        %run_scoped3A_68 = arith.constant 4 : i32
        "tpu.region"() ({
          %run_scoped3A_69 = tpu.sem_alloc : memref<!tpu.dma_semaphore, #tpu.memory_space<semaphore_mem>>
          %dma_start3A = arith.constant 0 : i32
          %dma_start3A_70 = tpu.memref_slice %arg11[%run_scoped3A_68, %dma_start3A] : memref<5x64xi32, #tpu.memory_space<vmem>> -> memref<1x64xi32, #tpu.memory_space<vmem>>
          %dma_start3A_71 = tpu.memref_squeeze %dma_start3A_70 : memref<1x64xi32, #tpu.memory_space<vmem>> -> memref<64xi32, #tpu.memory_space<vmem>>
          %dma_start3A_72 = arith.constant 0 : i32
          %dma_start3A_73 = arith.constant 0 : i32
          %dma_start3A_74 = tpu.memref_slice %arg19[%dma_start3A_72, %dma_start3A_73] : memref<10112x128xf32, #tpu.memory_space<vmem_shared>> -> memref<10112x128xf32, #tpu.memory_space<vmem_shared>>
          tpu.enqueue_indirect_dma source(%arg13 : memref<64x128xf32, #tpu.memory_space<vmem>>) target(%dma_start3A_74 : memref<10112x128xf32, #tpu.memory_space<vmem_shared>>) offsets(%dma_start3A_71 : memref<64xi32, #tpu.memory_space<vmem>>) semaphore(%run_scoped3A_69 : memref<!tpu.dma_semaphore, #tpu.memory_space<semaphore_mem>>) {add = true}
          %dma_wait3A = arith.constant 0 : i32
          %dma_wait3A_75 = tpu.memref_slice %arg11[%run_scoped3A_68, %dma_wait3A] : memref<5x64xi32, #tpu.memory_space<vmem>> -> memref<1x64xi32, #tpu.memory_space<vmem>>
          %dma_wait3A_76 = tpu.memref_squeeze %dma_wait3A_75 : memref<1x64xi32, #tpu.memory_space<vmem>> -> memref<64xi32, #tpu.memory_space<vmem>>
          %dma_wait3A_77 = arith.constant 0 : i32
          %dma_wait3A_78 = arith.constant 0 : i32
          %dma_wait3A_79 = tpu.memref_slice %arg19[%dma_wait3A_77, %dma_wait3A_78] : memref<10112x128xf32, #tpu.memory_space<vmem_shared>> -> memref<10112x128xf32, #tpu.memory_space<vmem_shared>>
          tpu.wait_indirect_dma semaphore(%run_scoped3A_69 : memref<!tpu.dma_semaphore, #tpu.memory_space<semaphore_mem>>) src(%arg13 : memref<64x128xf32, #tpu.memory_space<vmem>>) dst(%dma_wait3A_79 : memref<10112x128xf32, #tpu.memory_space<vmem_shared>>)
          tpu.yield
        }) : () -> ()
      }
      %scan3A_63 = arith.constant 32 : i32
    } else {
    }
    %eq3A_9 = arith.constant 1 : i32
    %eq3A_10 = arith.cmpi eq, %squeeze3A, %eq3A_9 : i32
    %convert_element_type3A_11 = arith.extui %eq3A_10 : i1 to i32
    %cond3A_12 = arith.constant 0 : i32
    %cond3A_13 = arith.cmpi ne, %convert_element_type3A_11, %cond3A_12 : i32
    scf.if %cond3A_13 {
      "tpu.region"() ({
        %run_scoped3A = tpu.sem_alloc : memref<!tpu.dma_semaphore, #tpu.memory_space<semaphore_mem>>
        tpu.enqueue_dma source(%arg7 : memref<64x128xf32, #tpu.memory_space<hbm>>) target(%arg13 : memref<64x128xf32, #tpu.memory_space<vmem>>) target_semaphore(%run_scoped3A : memref<!tpu.dma_semaphore, #tpu.memory_space<semaphore_mem>>)
        tpu.wait_dma2 semaphore(%run_scoped3A : memref<!tpu.dma_semaphore, #tpu.memory_space<semaphore_mem>>) src(%arg7 : memref<64x128xf32, #tpu.memory_space<hbm>>) dst(%arg13 : memref<64x128xf32, #tpu.memory_space<vmem>>)
        tpu.yield
      }) : () -> ()
      %scan3A = arith.constant 0 : i32
      %scan3A_59 = arith.constant 0 : i32
      %scan3A_60 = arith.constant 32 : i32
      %scan3A_61 = arith.addi %scan3A_59, %scan3A_60 : i32
      %scan3A_62 = arith.constant 1 : i32
      scf.for %scan3A_64 = %scan3A_59 to %scan3A_61 step %scan3A_62  : i32 {
        "tpu.region"() ({
          %run_scoped3A_69 = tpu.sem_alloc : memref<!tpu.dma_semaphore, #tpu.memory_space<semaphore_mem>>
          %dma_start3A = arith.constant 0 : i32
          %dma_start3A_70 = arith.constant 0 : i32
          %dma_start3A_71 = tpu.memref_slice %arg5[%add3A, %scan3A_64, %dma_start3A, %dma_start3A_70] : memref<32x32x5x64xi32, #tpu.memory_space<hbm>> -> memref<1x1x5x64xi32, #tpu.memory_space<hbm>>
          %dma_start3A_72 = tpu.memref_squeeze %dma_start3A_71 : memref<1x1x5x64xi32, #tpu.memory_space<hbm>> -> memref<5x64xi32, #tpu.memory_space<hbm>>
          %dma_start3A_73 = arith.constant 0 : i32
          %dma_start3A_74 = arith.constant 0 : i32
          %dma_start3A_75 = tpu.memref_slice %arg5[%add3A, %scan3A_64, %dma_start3A_73, %dma_start3A_74] : memref<32x32x5x64xi32, #tpu.memory_space<hbm>> -> memref<1x1x5x64xi32, #tpu.memory_space<hbm>>
          %dma_start3A_76 = tpu.memref_squeeze %dma_start3A_75 : memref<1x1x5x64xi32, #tpu.memory_space<hbm>> -> memref<5x64xi32, #tpu.memory_space<hbm>>
          tpu.enqueue_dma source(%dma_start3A_76 : memref<5x64xi32, #tpu.memory_space<hbm>>) target(%arg11 : memref<5x64xi32, #tpu.memory_space<vmem>>) target_semaphore(%run_scoped3A_69 : memref<!tpu.dma_semaphore, #tpu.memory_space<semaphore_mem>>)
          %dma_wait3A = arith.constant 0 : i32
          %dma_wait3A_77 = arith.constant 0 : i32
          %dma_wait3A_78 = tpu.memref_slice %arg5[%add3A, %scan3A_64, %dma_wait3A, %dma_wait3A_77] : memref<32x32x5x64xi32, #tpu.memory_space<hbm>> -> memref<1x1x5x64xi32, #tpu.memory_space<hbm>>
          %dma_wait3A_79 = tpu.memref_squeeze %dma_wait3A_78 : memref<1x1x5x64xi32, #tpu.memory_space<hbm>> -> memref<5x64xi32, #tpu.memory_space<hbm>>
          %dma_wait3A_80 = arith.constant 0 : i32
          %dma_wait3A_81 = arith.constant 0 : i32
          %dma_wait3A_82 = tpu.memref_slice %arg5[%add3A, %scan3A_64, %dma_wait3A_80, %dma_wait3A_81] : memref<32x32x5x64xi32, #tpu.memory_space<hbm>> -> memref<1x1x5x64xi32, #tpu.memory_space<hbm>>
          %dma_wait3A_83 = tpu.memref_squeeze %dma_wait3A_82 : memref<1x1x5x64xi32, #tpu.memory_space<hbm>> -> memref<5x64xi32, #tpu.memory_space<hbm>>
          tpu.wait_dma2 semaphore(%run_scoped3A_69 : memref<!tpu.dma_semaphore, #tpu.memory_space<semaphore_mem>>) src(%dma_wait3A_83 : memref<5x64xi32, #tpu.memory_space<hbm>>) dst(%arg11 : memref<5x64xi32, #tpu.memory_space<vmem>>)
          tpu.yield
        }) : () -> ()
        %run_scoped3A = arith.constant 0 : i32
        "tpu.region"() ({
          %run_scoped3A_69 = tpu.sem_alloc : memref<!tpu.dma_semaphore, #tpu.memory_space<semaphore_mem>>
          %dma_start3A = arith.constant 0 : i32
          %dma_start3A_70 = tpu.memref_slice %arg11[%run_scoped3A, %dma_start3A] : memref<5x64xi32, #tpu.memory_space<vmem>> -> memref<1x64xi32, #tpu.memory_space<vmem>>
          %dma_start3A_71 = tpu.memref_squeeze %dma_start3A_70 : memref<1x64xi32, #tpu.memory_space<vmem>> -> memref<64xi32, #tpu.memory_space<vmem>>
          %dma_start3A_72 = arith.constant 0 : i32
          %dma_start3A_73 = arith.constant 0 : i32
          %dma_start3A_74 = tpu.memref_slice %arg19[%dma_start3A_72, %dma_start3A_73] : memref<10112x128xf32, #tpu.memory_space<vmem_shared>> -> memref<10112x128xf32, #tpu.memory_space<vmem_shared>>
          tpu.enqueue_indirect_dma source(%arg13 : memref<64x128xf32, #tpu.memory_space<vmem>>) target(%dma_start3A_74 : memref<10112x128xf32, #tpu.memory_space<vmem_shared>>) offsets(%dma_start3A_71 : memref<64xi32, #tpu.memory_space<vmem>>) semaphore(%run_scoped3A_69 : memref<!tpu.dma_semaphore, #tpu.memory_space<semaphore_mem>>) {add = true}
          %dma_wait3A = arith.constant 0 : i32
          %dma_wait3A_75 = tpu.memref_slice %arg11[%run_scoped3A, %dma_wait3A] : memref<5x64xi32, #tpu.memory_space<vmem>> -> memref<1x64xi32, #tpu.memory_space<vmem>>
          %dma_wait3A_76 = tpu.memref_squeeze %dma_wait3A_75 : memref<1x64xi32, #tpu.memory_space<vmem>> -> memref<64xi32, #tpu.memory_space<vmem>>
          %dma_wait3A_77 = arith.constant 0 : i32
          %dma_wait3A_78 = arith.constant 0 : i32
          %dma_wait3A_79 = tpu.memref_slice %arg19[%dma_wait3A_77, %dma_wait3A_78] : memref<10112x128xf32, #tpu.memory_space<vmem_shared>> -> memref<10112x128xf32, #tpu.memory_space<vmem_shared>>
          tpu.wait_indirect_dma semaphore(%run_scoped3A_69 : memref<!tpu.dma_semaphore, #tpu.memory_space<semaphore_mem>>) src(%arg13 : memref<64x128xf32, #tpu.memory_space<vmem>>) dst(%dma_wait3A_79 : memref<10112x128xf32, #tpu.memory_space<vmem_shared>>)
          tpu.yield
        }) : () -> ()
        %run_scoped3A_65 = arith.constant 1 : i32
        "tpu.region"() ({
          %run_scoped3A_69 = tpu.sem_alloc : memref<!tpu.dma_semaphore, #tpu.memory_space<semaphore_mem>>
          %dma_start3A = arith.constant 0 : i32
          %dma_start3A_70 = tpu.memref_slice %arg11[%run_scoped3A_65, %dma_start3A] : memref<5x64xi32, #tpu.memory_space<vmem>> -> memref<1x64xi32, #tpu.memory_space<vmem>>
          %dma_start3A_71 = tpu.memref_squeeze %dma_start3A_70 : memref<1x64xi32, #tpu.memory_space<vmem>> -> memref<64xi32, #tpu.memory_space<vmem>>
          %dma_start3A_72 = arith.constant 0 : i32
          %dma_start3A_73 = arith.constant 0 : i32
          %dma_start3A_74 = tpu.memref_slice %arg19[%dma_start3A_72, %dma_start3A_73] : memref<10112x128xf32, #tpu.memory_space<vmem_shared>> -> memref<10112x128xf32, #tpu.memory_space<vmem_shared>>
          tpu.enqueue_indirect_dma source(%arg13 : memref<64x128xf32, #tpu.memory_space<vmem>>) target(%dma_start3A_74 : memref<10112x128xf32, #tpu.memory_space<vmem_shared>>) offsets(%dma_start3A_71 : memref<64xi32, #tpu.memory_space<vmem>>) semaphore(%run_scoped3A_69 : memref<!tpu.dma_semaphore, #tpu.memory_space<semaphore_mem>>) {add = true}
          %dma_wait3A = arith.constant 0 : i32
          %dma_wait3A_75 = tpu.memref_slice %arg11[%run_scoped3A_65, %dma_wait3A] : memref<5x64xi32, #tpu.memory_space<vmem>> -> memref<1x64xi32, #tpu.memory_space<vmem>>
          %dma_wait3A_76 = tpu.memref_squeeze %dma_wait3A_75 : memref<1x64xi32, #tpu.memory_space<vmem>> -> memref<64xi32, #tpu.memory_space<vmem>>
          %dma_wait3A_77 = arith.constant 0 : i32
          %dma_wait3A_78 = arith.constant 0 : i32
          %dma_wait3A_79 = tpu.memref_slice %arg19[%dma_wait3A_77, %dma_wait3A_78] : memref<10112x128xf32, #tpu.memory_space<vmem_shared>> -> memref<10112x128xf32, #tpu.memory_space<vmem_shared>>
          tpu.wait_indirect_dma semaphore(%run_scoped3A_69 : memref<!tpu.dma_semaphore, #tpu.memory_space<semaphore_mem>>) src(%arg13 : memref<64x128xf32, #tpu.memory_space<vmem>>) dst(%dma_wait3A_79 : memref<10112x128xf32, #tpu.memory_space<vmem_shared>>)
          tpu.yield
        }) : () -> ()
        %run_scoped3A_66 = arith.constant 2 : i32
        "tpu.region"() ({
          %run_scoped3A_69 = tpu.sem_alloc : memref<!tpu.dma_semaphore, #tpu.memory_space<semaphore_mem>>
          %dma_start3A = arith.constant 0 : i32
          %dma_start3A_70 = tpu.memref_slice %arg11[%run_scoped3A_66, %dma_start3A] : memref<5x64xi32, #tpu.memory_space<vmem>> -> memref<1x64xi32, #tpu.memory_space<vmem>>
          %dma_start3A_71 = tpu.memref_squeeze %dma_start3A_70 : memref<1x64xi32, #tpu.memory_space<vmem>> -> memref<64xi32, #tpu.memory_space<vmem>>
          %dma_start3A_72 = arith.constant 0 : i32
          %dma_start3A_73 = arith.constant 0 : i32
          %dma_start3A_74 = tpu.memref_slice %arg19[%dma_start3A_72, %dma_start3A_73] : memref<10112x128xf32, #tpu.memory_space<vmem_shared>> -> memref<10112x128xf32, #tpu.memory_space<vmem_shared>>
          tpu.enqueue_indirect_dma source(%arg13 : memref<64x128xf32, #tpu.memory_space<vmem>>) target(%dma_start3A_74 : memref<10112x128xf32, #tpu.memory_space<vmem_shared>>) offsets(%dma_start3A_71 : memref<64xi32, #tpu.memory_space<vmem>>) semaphore(%run_scoped3A_69 : memref<!tpu.dma_semaphore, #tpu.memory_space<semaphore_mem>>) {add = true}
          %dma_wait3A = arith.constant 0 : i32
          %dma_wait3A_75 = tpu.memref_slice %arg11[%run_scoped3A_66, %dma_wait3A] : memref<5x64xi32, #tpu.memory_space<vmem>> -> memref<1x64xi32, #tpu.memory_space<vmem>>
          %dma_wait3A_76 = tpu.memref_squeeze %dma_wait3A_75 : memref<1x64xi32, #tpu.memory_space<vmem>> -> memref<64xi32, #tpu.memory_space<vmem>>
          %dma_wait3A_77 = arith.constant 0 : i32
          %dma_wait3A_78 = arith.constant 0 : i32
          %dma_wait3A_79 = tpu.memref_slice %arg19[%dma_wait3A_77, %dma_wait3A_78] : memref<10112x128xf32, #tpu.memory_space<vmem_shared>> -> memref<10112x128xf32, #tpu.memory_space<vmem_shared>>
          tpu.wait_indirect_dma semaphore(%run_scoped3A_69 : memref<!tpu.dma_semaphore, #tpu.memory_space<semaphore_mem>>) src(%arg13 : memref<64x128xf32, #tpu.memory_space<vmem>>) dst(%dma_wait3A_79 : memref<10112x128xf32, #tpu.memory_space<vmem_shared>>)
          tpu.yield
        }) : () -> ()
        %run_scoped3A_67 = arith.constant 3 : i32
        "tpu.region"() ({
          %run_scoped3A_69 = tpu.sem_alloc : memref<!tpu.dma_semaphore, #tpu.memory_space<semaphore_mem>>
          %dma_start3A = arith.constant 0 : i32
          %dma_start3A_70 = tpu.memref_slice %arg11[%run_scoped3A_67, %dma_start3A] : memref<5x64xi32, #tpu.memory_space<vmem>> -> memref<1x64xi32, #tpu.memory_space<vmem>>
          %dma_start3A_71 = tpu.memref_squeeze %dma_start3A_70 : memref<1x64xi32, #tpu.memory_space<vmem>> -> memref<64xi32, #tpu.memory_space<vmem>>
          %dma_start3A_72 = arith.constant 0 : i32
          %dma_start3A_73 = arith.constant 0 : i32
          %dma_start3A_74 = tpu.memref_slice %arg19[%dma_start3A_72, %dma_start3A_73] : memref<10112x128xf32, #tpu.memory_space<vmem_shared>> -> memref<10112x128xf32, #tpu.memory_space<vmem_shared>>
          tpu.enqueue_indirect_dma source(%arg13 : memref<64x128xf32, #tpu.memory_space<vmem>>) target(%dma_start3A_74 : memref<10112x128xf32, #tpu.memory_space<vmem_shared>>) offsets(%dma_start3A_71 : memref<64xi32, #tpu.memory_space<vmem>>) semaphore(%run_scoped3A_69 : memref<!tpu.dma_semaphore, #tpu.memory_space<semaphore_mem>>) {add = true}
          %dma_wait3A = arith.constant 0 : i32
          %dma_wait3A_75 = tpu.memref_slice %arg11[%run_scoped3A_67, %dma_wait3A] : memref<5x64xi32, #tpu.memory_space<vmem>> -> memref<1x64xi32, #tpu.memory_space<vmem>>
          %dma_wait3A_76 = tpu.memref_squeeze %dma_wait3A_75 : memref<1x64xi32, #tpu.memory_space<vmem>> -> memref<64xi32, #tpu.memory_space<vmem>>
          %dma_wait3A_77 = arith.constant 0 : i32
          %dma_wait3A_78 = arith.constant 0 : i32
          %dma_wait3A_79 = tpu.memref_slice %arg19[%dma_wait3A_77, %dma_wait3A_78] : memref<10112x128xf32, #tpu.memory_space<vmem_shared>> -> memref<10112x128xf32, #tpu.memory_space<vmem_shared>>
          tpu.wait_indirect_dma semaphore(%run_scoped3A_69 : memref<!tpu.dma_semaphore, #tpu.memory_space<semaphore_mem>>) src(%arg13 : memref<64x128xf32, #tpu.memory_space<vmem>>) dst(%dma_wait3A_79 : memref<10112x128xf32, #tpu.memory_space<vmem_shared>>)
          tpu.yield
        }) : () -> ()
        %run_scoped3A_68 = arith.constant 4 : i32
        "tpu.region"() ({
          %run_scoped3A_69 = tpu.sem_alloc : memref<!tpu.dma_semaphore, #tpu.memory_space<semaphore_mem>>
          %dma_start3A = arith.constant 0 : i32
          %dma_start3A_70 = tpu.memref_slice %arg11[%run_scoped3A_68, %dma_start3A] : memref<5x64xi32, #tpu.memory_space<vmem>> -> memref<1x64xi32, #tpu.memory_space<vmem>>
          %dma_start3A_71 = tpu.memref_squeeze %dma_start3A_70 : memref<1x64xi32, #tpu.memory_space<vmem>> -> memref<64xi32, #tpu.memory_space<vmem>>
          %dma_start3A_72 = arith.constant 0 : i32
          %dma_start3A_73 = arith.constant 0 : i32
          %dma_start3A_74 = tpu.memref_slice %arg19[%dma_start3A_72, %dma_start3A_73] : memref<10112x128xf32, #tpu.memory_space<vmem_shared>> -> memref<10112x128xf32, #tpu.memory_space<vmem_shared>>
          tpu.enqueue_indirect_dma source(%arg13 : memref<64x128xf32, #tpu.memory_space<vmem>>) target(%dma_start3A_74 : memref<10112x128xf32, #tpu.memory_space<vmem_shared>>) offsets(%dma_start3A_71 : memref<64xi32, #tpu.memory_space<vmem>>) semaphore(%run_scoped3A_69 : memref<!tpu.dma_semaphore, #tpu.memory_space<semaphore_mem>>) {add = true}
          %dma_wait3A = arith.constant 0 : i32
          %dma_wait3A_75 = tpu.memref_slice %arg11[%run_scoped3A_68, %dma_wait3A] : memref<5x64xi32, #tpu.memory_space<vmem>> -> memref<1x64xi32, #tpu.memory_space<vmem>>
          %dma_wait3A_76 = tpu.memref_squeeze %dma_wait3A_75 : memref<1x64xi32, #tpu.memory_space<vmem>> -> memref<64xi32, #tpu.memory_space<vmem>>
          %dma_wait3A_77 = arith.constant 0 : i32
          %dma_wait3A_78 = arith.constant 0 : i32
          %dma_wait3A_79 = tpu.memref_slice %arg19[%dma_wait3A_77, %dma_wait3A_78] : memref<10112x128xf32, #tpu.memory_space<vmem_shared>> -> memref<10112x128xf32, #tpu.memory_space<vmem_shared>>
          tpu.wait_indirect_dma semaphore(%run_scoped3A_69 : memref<!tpu.dma_semaphore, #tpu.memory_space<semaphore_mem>>) src(%arg13 : memref<64x128xf32, #tpu.memory_space<vmem>>) dst(%dma_wait3A_79 : memref<10112x128xf32, #tpu.memory_space<vmem_shared>>)
          tpu.yield
        }) : () -> ()
      }
      %scan3A_63 = arith.constant 32 : i32
    } else {
    }
    %ge3A = arith.constant 2 : i32
    %ge3A_14 = arith.cmpi sge, %squeeze3A, %ge3A : i32
    %convert_element_type3A_15 = arith.extui %ge3A_14 : i1 to i32
    %cond3A_16 = arith.constant 0 : i32
    %cond3A_17 = arith.cmpi ne, %convert_element_type3A_15, %cond3A_16 : i32
    scf.if %cond3A_17 {
      %scan3A = arith.constant 0 : i32
      %scan3A_59 = arith.constant 0 : i32
      %scan3A_60 = arith.constant 16 : i32
      %scan3A_61 = arith.addi %scan3A_59, %scan3A_60 : i32
      %scan3A_62 = arith.constant 1 : i32
      scf.for %scan3A_98 = %scan3A_59 to %scan3A_61 step %scan3A_62  : i32 {
        %mul3A_99 = arith.constant 2 : i32
        %mul3A_100 = arith.muli %scan3A_98, %mul3A_99 : i32
        "tpu.region"() ({
          %run_scoped3A = tpu.sem_alloc : memref<!tpu.dma_semaphore, #tpu.memory_space<semaphore_mem>>
          %dma_start3A_373 = arith.constant 0 : i32
          %dma_start3A_374 = arith.constant 0 : i32
          %dma_start3A_375 = tpu.memref_slice %arg3[%add3A, %mul3A_100, %dma_start3A_373, %dma_start3A_374] : memref<32x32x5x64xi32, #tpu.memory_space<hbm>> -> memref<1x1x5x64xi32, #tpu.memory_space<hbm>>
          %dma_start3A_376 = tpu.memref_squeeze %dma_start3A_375 : memref<1x1x5x64xi32, #tpu.memory_space<hbm>> -> memref<5x64xi32, #tpu.memory_space<hbm>>
          %dma_start3A_377 = arith.constant 0 : i32
          %dma_start3A_378 = arith.constant 0 : i32
          %dma_start3A_379 = tpu.memref_slice %arg3[%add3A, %mul3A_100, %dma_start3A_377, %dma_start3A_378] : memref<32x32x5x64xi32, #tpu.memory_space<hbm>> -> memref<1x1x5x64xi32, #tpu.memory_space<hbm>>
          %dma_start3A_380 = tpu.memref_squeeze %dma_start3A_379 : memref<1x1x5x64xi32, #tpu.memory_space<hbm>> -> memref<5x64xi32, #tpu.memory_space<hbm>>
          tpu.enqueue_dma source(%dma_start3A_380 : memref<5x64xi32, #tpu.memory_space<hbm>>) target(%arg10 : memref<5x64xi32, #tpu.memory_space<vmem>>) target_semaphore(%run_scoped3A : memref<!tpu.dma_semaphore, #tpu.memory_space<semaphore_mem>>)
          %dma_wait3A_381 = arith.constant 0 : i32
          %dma_wait3A_382 = arith.constant 0 : i32
          %dma_wait3A_383 = tpu.memref_slice %arg3[%add3A, %mul3A_100, %dma_wait3A_381, %dma_wait3A_382] : memref<32x32x5x64xi32, #tpu.memory_space<hbm>> -> memref<1x1x5x64xi32, #tpu.memory_space<hbm>>
          %dma_wait3A_384 = tpu.memref_squeeze %dma_wait3A_383 : memref<1x1x5x64xi32, #tpu.memory_space<hbm>> -> memref<5x64xi32, #tpu.memory_space<hbm>>
          %dma_wait3A_385 = arith.constant 0 : i32
          %dma_wait3A_386 = arith.constant 0 : i32
          %dma_wait3A_387 = tpu.memref_slice %arg3[%add3A, %mul3A_100, %dma_wait3A_385, %dma_wait3A_386] : memref<32x32x5x64xi32, #tpu.memory_space<hbm>> -> memref<1x1x5x64xi32, #tpu.memory_space<hbm>>
          %dma_wait3A_388 = tpu.memref_squeeze %dma_wait3A_387 : memref<1x1x5x64xi32, #tpu.memory_space<hbm>> -> memref<5x64xi32, #tpu.memory_space<hbm>>
          tpu.wait_dma2 semaphore(%run_scoped3A : memref<!tpu.dma_semaphore, #tpu.memory_space<semaphore_mem>>) src(%dma_wait3A_388 : memref<5x64xi32, #tpu.memory_space<hbm>>) dst(%arg10 : memref<5x64xi32, #tpu.memory_space<vmem>>)
          tpu.yield
        }) : () -> ()
        "tpu.region"() ({
          %run_scoped3A = tpu.sem_alloc : memref<!tpu.dma_semaphore, #tpu.memory_space<semaphore_mem>>
          %dma_start3A_373 = arith.constant 0 : i32
          %dma_start3A_374 = arith.constant 0 : i32
          %dma_start3A_375 = tpu.memref_slice %arg5[%add3A, %mul3A_100, %dma_start3A_373, %dma_start3A_374] : memref<32x32x5x64xi32, #tpu.memory_space<hbm>> -> memref<1x1x5x64xi32, #tpu.memory_space<hbm>>
          %dma_start3A_376 = tpu.memref_squeeze %dma_start3A_375 : memref<1x1x5x64xi32, #tpu.memory_space<hbm>> -> memref<5x64xi32, #tpu.memory_space<hbm>>
          %dma_start3A_377 = arith.constant 0 : i32
          %dma_start3A_378 = arith.constant 0 : i32
          %dma_start3A_379 = tpu.memref_slice %arg5[%add3A, %mul3A_100, %dma_start3A_377, %dma_start3A_378] : memref<32x32x5x64xi32, #tpu.memory_space<hbm>> -> memref<1x1x5x64xi32, #tpu.memory_space<hbm>>
          %dma_start3A_380 = tpu.memref_squeeze %dma_start3A_379 : memref<1x1x5x64xi32, #tpu.memory_space<hbm>> -> memref<5x64xi32, #tpu.memory_space<hbm>>
          tpu.enqueue_dma source(%dma_start3A_380 : memref<5x64xi32, #tpu.memory_space<hbm>>) target(%arg11 : memref<5x64xi32, #tpu.memory_space<vmem>>) target_semaphore(%run_scoped3A : memref<!tpu.dma_semaphore, #tpu.memory_space<semaphore_mem>>)
          %dma_wait3A_381 = arith.constant 0 : i32
          %dma_wait3A_382 = arith.constant 0 : i32
          %dma_wait3A_383 = tpu.memref_slice %arg5[%add3A, %mul3A_100, %dma_wait3A_381, %dma_wait3A_382] : memref<32x32x5x64xi32, #tpu.memory_space<hbm>> -> memref<1x1x5x64xi32, #tpu.memory_space<hbm>>
          %dma_wait3A_384 = tpu.memref_squeeze %dma_wait3A_383 : memref<1x1x5x64xi32, #tpu.memory_space<hbm>> -> memref<5x64xi32, #tpu.memory_space<hbm>>
          %dma_wait3A_385 = arith.constant 0 : i32
          %dma_wait3A_386 = arith.constant 0 : i32
          %dma_wait3A_387 = tpu.memref_slice %arg5[%add3A, %mul3A_100, %dma_wait3A_385, %dma_wait3A_386] : memref<32x32x5x64xi32, #tpu.memory_space<hbm>> -> memref<1x1x5x64xi32, #tpu.memory_space<hbm>>
          %dma_wait3A_388 = tpu.memref_squeeze %dma_wait3A_387 : memref<1x1x5x64xi32, #tpu.memory_space<hbm>> -> memref<5x64xi32, #tpu.memory_space<hbm>>
          tpu.wait_dma2 semaphore(%run_scoped3A : memref<!tpu.dma_semaphore, #tpu.memory_space<semaphore_mem>>) src(%dma_wait3A_388 : memref<5x64xi32, #tpu.memory_space<hbm>>) dst(%arg11 : memref<5x64xi32, #tpu.memory_space<vmem>>)
          tpu.yield
        }) : () -> ()
        %gt3A = arith.constant 0 : i32
        %gt3A_101 = arith.cmpi sgt, %mul3A_100, %gt3A : i32
        %convert_element_type3A_102 = arith.extui %gt3A_101 : i1 to i32
        %cond3A_103 = arith.constant 0 : i32
        %cond3A_104 = arith.cmpi ne, %convert_element_type3A_102, %cond3A_103 : i32
        scf.if %cond3A_104 {
          %dma_wait3A_373 = arith.constant 0 : i32
          %dma_wait3A_374 = arith.constant 0 : i32
          %dma_wait3A_375 = tpu.memref_slice %arg11[%dma_wait3A_373, %dma_wait3A_374] : memref<5x64xi32, #tpu.memory_space<vmem>> -> memref<1x64xi32, #tpu.memory_space<vmem>>
          %dma_wait3A_376 = tpu.memref_squeeze %dma_wait3A_375 : memref<1x64xi32, #tpu.memory_space<vmem>> -> memref<64xi32, #tpu.memory_space<vmem>>
          %dma_wait3A_377 = arith.constant 0 : i32
          %dma_wait3A_378 = arith.constant 0 : i32
          %dma_wait3A_379 = tpu.memref_slice %arg19[%dma_wait3A_377, %dma_wait3A_378] : memref<10112x128xf32, #tpu.memory_space<vmem_shared>> -> memref<10112x128xf32, #tpu.memory_space<vmem_shared>>
          tpu.wait_indirect_dma semaphore(%arg25 : memref<!tpu.dma_semaphore, #tpu.memory_space<semaphore_mem>>) src(%arg13 : memref<64x128xf32, #tpu.memory_space<vmem>>) dst(%dma_wait3A_379 : memref<10112x128xf32, #tpu.memory_space<vmem_shared>>)
        } else {
        }
        %dma_start3A = arith.constant 0 : i32
        %dma_start3A_105 = arith.constant 0 : i32
        %dma_start3A_106 = tpu.memref_slice %arg10[%dma_start3A, %dma_start3A_105] : memref<5x64xi32, #tpu.memory_space<vmem>> -> memref<1x64xi32, #tpu.memory_space<vmem>>
        %dma_start3A_107 = tpu.memref_squeeze %dma_start3A_106 : memref<1x64xi32, #tpu.memory_space<vmem>> -> memref<64xi32, #tpu.memory_space<vmem>>
        %dma_start3A_108 = arith.constant 0 : i32
        %dma_start3A_109 = arith.constant 0 : i32
        %dma_start3A_110 = tpu.memref_slice %arg2[%dma_start3A_108, %dma_start3A_109] : memref<10000x128xf32, #tpu.memory_space<hbm>> -> memref<10000x128xf32, #tpu.memory_space<hbm>>
        tpu.enqueue_indirect_dma source(%dma_start3A_110 : memref<10000x128xf32, #tpu.memory_space<hbm>>) target(%arg13 : memref<64x128xf32, #tpu.memory_space<vmem>>) offsets(%dma_start3A_107 : memref<64xi32, #tpu.memory_space<vmem>>) semaphore(%arg20 : memref<!tpu.dma_semaphore, #tpu.memory_space<semaphore_mem>>)
        %gt3A_111 = arith.constant 0 : i32
        %gt3A_112 = arith.cmpi sgt, %mul3A_100, %gt3A_111 : i32
        %convert_element_type3A_113 = arith.extui %gt3A_112 : i1 to i32
        %cond3A_114 = arith.constant 0 : i32
        %cond3A_115 = arith.cmpi ne, %convert_element_type3A_113, %cond3A_114 : i32
        scf.if %cond3A_115 {
          %dma_wait3A_373 = arith.constant 0 : i32
          %dma_wait3A_374 = arith.constant 0 : i32
          %dma_wait3A_375 = tpu.memref_slice %arg11[%dma_wait3A_373, %dma_wait3A_374] : memref<5x64xi32, #tpu.memory_space<vmem>> -> memref<1x64xi32, #tpu.memory_space<vmem>>
          %dma_wait3A_376 = tpu.memref_squeeze %dma_wait3A_375 : memref<1x64xi32, #tpu.memory_space<vmem>> -> memref<64xi32, #tpu.memory_space<vmem>>
          %dma_wait3A_377 = arith.constant 0 : i32
          %dma_wait3A_378 = arith.constant 0 : i32
          %dma_wait3A_379 = tpu.memref_slice %arg19[%dma_wait3A_377, %dma_wait3A_378] : memref<10112x128xf32, #tpu.memory_space<vmem_shared>> -> memref<10112x128xf32, #tpu.memory_space<vmem_shared>>
          tpu.wait_indirect_dma semaphore(%arg26 : memref<!tpu.dma_semaphore, #tpu.memory_space<semaphore_mem>>) src(%arg14 : memref<64x128xf32, #tpu.memory_space<vmem>>) dst(%dma_wait3A_379 : memref<10112x128xf32, #tpu.memory_space<vmem_shared>>)
        } else {
        }
        %dma_start3A_116 = arith.constant 1 : i32
        %dma_start3A_117 = arith.constant 0 : i32
        %dma_start3A_118 = tpu.memref_slice %arg10[%dma_start3A_116, %dma_start3A_117] : memref<5x64xi32, #tpu.memory_space<vmem>> -> memref<1x64xi32, #tpu.memory_space<vmem>>
        %dma_start3A_119 = tpu.memref_squeeze %dma_start3A_118 : memref<1x64xi32, #tpu.memory_space<vmem>> -> memref<64xi32, #tpu.memory_space<vmem>>
        %dma_start3A_120 = arith.constant 0 : i32
        %dma_start3A_121 = arith.constant 0 : i32
        %dma_start3A_122 = tpu.memref_slice %arg2[%dma_start3A_120, %dma_start3A_121] : memref<10000x128xf32, #tpu.memory_space<hbm>> -> memref<10000x128xf32, #tpu.memory_space<hbm>>
        tpu.enqueue_indirect_dma source(%dma_start3A_122 : memref<10000x128xf32, #tpu.memory_space<hbm>>) target(%arg14 : memref<64x128xf32, #tpu.memory_space<vmem>>) offsets(%dma_start3A_119 : memref<64xi32, #tpu.memory_space<vmem>>) semaphore(%arg21 : memref<!tpu.dma_semaphore, #tpu.memory_space<semaphore_mem>>)
        %gt3A_123 = arith.constant 0 : i32
        %gt3A_124 = arith.cmpi sgt, %mul3A_100, %gt3A_123 : i32
        %convert_element_type3A_125 = arith.extui %gt3A_124 : i1 to i32
        %cond3A_126 = arith.constant 0 : i32
        %cond3A_127 = arith.cmpi ne, %convert_element_type3A_125, %cond3A_126 : i32
        scf.if %cond3A_127 {
          %dma_wait3A_373 = arith.constant 0 : i32
          %dma_wait3A_374 = arith.constant 0 : i32
          %dma_wait3A_375 = tpu.memref_slice %arg11[%dma_wait3A_373, %dma_wait3A_374] : memref<5x64xi32, #tpu.memory_space<vmem>> -> memref<1x64xi32, #tpu.memory_space<vmem>>
          %dma_wait3A_376 = tpu.memref_squeeze %dma_wait3A_375 : memref<1x64xi32, #tpu.memory_space<vmem>> -> memref<64xi32, #tpu.memory_space<vmem>>
          %dma_wait3A_377 = arith.constant 0 : i32
          %dma_wait3A_378 = arith.constant 0 : i32
          %dma_wait3A_379 = tpu.memref_slice %arg19[%dma_wait3A_377, %dma_wait3A_378] : memref<10112x128xf32, #tpu.memory_space<vmem_shared>> -> memref<10112x128xf32, #tpu.memory_space<vmem_shared>>
          tpu.wait_indirect_dma semaphore(%arg27 : memref<!tpu.dma_semaphore, #tpu.memory_space<semaphore_mem>>) src(%arg15 : memref<64x128xf32, #tpu.memory_space<vmem>>) dst(%dma_wait3A_379 : memref<10112x128xf32, #tpu.memory_space<vmem_shared>>)
        } else {
        }
        %dma_start3A_128 = arith.constant 2 : i32
        %dma_start3A_129 = arith.constant 0 : i32
        %dma_start3A_130 = tpu.memref_slice %arg10[%dma_start3A_128, %dma_start3A_129] : memref<5x64xi32, #tpu.memory_space<vmem>> -> memref<1x64xi32, #tpu.memory_space<vmem>>
        %dma_start3A_131 = tpu.memref_squeeze %dma_start3A_130 : memref<1x64xi32, #tpu.memory_space<vmem>> -> memref<64xi32, #tpu.memory_space<vmem>>
        %dma_start3A_132 = arith.constant 0 : i32
        %dma_start3A_133 = arith.constant 0 : i32
        %dma_start3A_134 = tpu.memref_slice %arg2[%dma_start3A_132, %dma_start3A_133] : memref<10000x128xf32, #tpu.memory_space<hbm>> -> memref<10000x128xf32, #tpu.memory_space<hbm>>
        tpu.enqueue_indirect_dma source(%dma_start3A_134 : memref<10000x128xf32, #tpu.memory_space<hbm>>) target(%arg15 : memref<64x128xf32, #tpu.memory_space<vmem>>) offsets(%dma_start3A_131 : memref<64xi32, #tpu.memory_space<vmem>>) semaphore(%arg22 : memref<!tpu.dma_semaphore, #tpu.memory_space<semaphore_mem>>)
        %gt3A_135 = arith.constant 0 : i32
        %gt3A_136 = arith.cmpi sgt, %mul3A_100, %gt3A_135 : i32
        %convert_element_type3A_137 = arith.extui %gt3A_136 : i1 to i32
        %cond3A_138 = arith.constant 0 : i32
        %cond3A_139 = arith.cmpi ne, %convert_element_type3A_137, %cond3A_138 : i32
        scf.if %cond3A_139 {
          %dma_wait3A_373 = arith.constant 0 : i32
          %dma_wait3A_374 = arith.constant 0 : i32
          %dma_wait3A_375 = tpu.memref_slice %arg11[%dma_wait3A_373, %dma_wait3A_374] : memref<5x64xi32, #tpu.memory_space<vmem>> -> memref<1x64xi32, #tpu.memory_space<vmem>>
          %dma_wait3A_376 = tpu.memref_squeeze %dma_wait3A_375 : memref<1x64xi32, #tpu.memory_space<vmem>> -> memref<64xi32, #tpu.memory_space<vmem>>
          %dma_wait3A_377 = arith.constant 0 : i32
          %dma_wait3A_378 = arith.constant 0 : i32
          %dma_wait3A_379 = tpu.memref_slice %arg19[%dma_wait3A_377, %dma_wait3A_378] : memref<10112x128xf32, #tpu.memory_space<vmem_shared>> -> memref<10112x128xf32, #tpu.memory_space<vmem_shared>>
          tpu.wait_indirect_dma semaphore(%arg28 : memref<!tpu.dma_semaphore, #tpu.memory_space<semaphore_mem>>) src(%arg16 : memref<64x128xf32, #tpu.memory_space<vmem>>) dst(%dma_wait3A_379 : memref<10112x128xf32, #tpu.memory_space<vmem_shared>>)
        } else {
        }
        %dma_start3A_140 = arith.constant 3 : i32
        %dma_start3A_141 = arith.constant 0 : i32
        %dma_start3A_142 = tpu.memref_slice %arg10[%dma_start3A_140, %dma_start3A_141] : memref<5x64xi32, #tpu.memory_space<vmem>> -> memref<1x64xi32, #tpu.memory_space<vmem>>
        %dma_start3A_143 = tpu.memref_squeeze %dma_start3A_142 : memref<1x64xi32, #tpu.memory_space<vmem>> -> memref<64xi32, #tpu.memory_space<vmem>>
        %dma_start3A_144 = arith.constant 0 : i32
        %dma_start3A_145 = arith.constant 0 : i32
        %dma_start3A_146 = tpu.memref_slice %arg2[%dma_start3A_144, %dma_start3A_145] : memref<10000x128xf32, #tpu.memory_space<hbm>> -> memref<10000x128xf32, #tpu.memory_space<hbm>>
        tpu.enqueue_indirect_dma source(%dma_start3A_146 : memref<10000x128xf32, #tpu.memory_space<hbm>>) target(%arg16 : memref<64x128xf32, #tpu.memory_space<vmem>>) offsets(%dma_start3A_143 : memref<64xi32, #tpu.memory_space<vmem>>) semaphore(%arg23 : memref<!tpu.dma_semaphore, #tpu.memory_space<semaphore_mem>>)
        %gt3A_147 = arith.constant 0 : i32
        %gt3A_148 = arith.cmpi sgt, %mul3A_100, %gt3A_147 : i32
        %convert_element_type3A_149 = arith.extui %gt3A_148 : i1 to i32
        %cond3A_150 = arith.constant 0 : i32
        %cond3A_151 = arith.cmpi ne, %convert_element_type3A_149, %cond3A_150 : i32
        scf.if %cond3A_151 {
          %dma_wait3A_373 = arith.constant 0 : i32
          %dma_wait3A_374 = arith.constant 0 : i32
          %dma_wait3A_375 = tpu.memref_slice %arg11[%dma_wait3A_373, %dma_wait3A_374] : memref<5x64xi32, #tpu.memory_space<vmem>> -> memref<1x64xi32, #tpu.memory_space<vmem>>
          %dma_wait3A_376 = tpu.memref_squeeze %dma_wait3A_375 : memref<1x64xi32, #tpu.memory_space<vmem>> -> memref<64xi32, #tpu.memory_space<vmem>>
          %dma_wait3A_377 = arith.constant 0 : i32
          %dma_wait3A_378 = arith.constant 0 : i32
          %dma_wait3A_379 = tpu.memref_slice %arg19[%dma_wait3A_377, %dma_wait3A_378] : memref<10112x128xf32, #tpu.memory_space<vmem_shared>> -> memref<10112x128xf32, #tpu.memory_space<vmem_shared>>
          tpu.wait_indirect_dma semaphore(%arg29 : memref<!tpu.dma_semaphore, #tpu.memory_space<semaphore_mem>>) src(%arg17 : memref<64x128xf32, #tpu.memory_space<vmem>>) dst(%dma_wait3A_379 : memref<10112x128xf32, #tpu.memory_space<vmem_shared>>)
        } else {
        }
        %dma_start3A_152 = arith.constant 4 : i32
        %dma_start3A_153 = arith.constant 0 : i32
        %dma_start3A_154 = tpu.memref_slice %arg10[%dma_start3A_152, %dma_start3A_153] : memref<5x64xi32, #tpu.memory_space<vmem>> -> memref<1x64xi32, #tpu.memory_space<vmem>>
        %dma_start3A_155 = tpu.memref_squeeze %dma_start3A_154 : memref<1x64xi32, #tpu.memory_space<vmem>> -> memref<64xi32, #tpu.memory_space<vmem>>
        %dma_start3A_156 = arith.constant 0 : i32
        %dma_start3A_157 = arith.constant 0 : i32
        %dma_start3A_158 = tpu.memref_slice %arg2[%dma_start3A_156, %dma_start3A_157] : memref<10000x128xf32, #tpu.memory_space<hbm>> -> memref<10000x128xf32, #tpu.memory_space<hbm>>
        tpu.enqueue_indirect_dma source(%dma_start3A_158 : memref<10000x128xf32, #tpu.memory_space<hbm>>) target(%arg17 : memref<64x128xf32, #tpu.memory_space<vmem>>) offsets(%dma_start3A_155 : memref<64xi32, #tpu.memory_space<vmem>>) semaphore(%arg24 : memref<!tpu.dma_semaphore, #tpu.memory_space<semaphore_mem>>)
        %dma_wait3A_159 = arith.constant 0 : i32
        %dma_wait3A_160 = arith.constant 0 : i32
        %dma_wait3A_161 = tpu.memref_slice %arg10[%dma_wait3A_159, %dma_wait3A_160] : memref<5x64xi32, #tpu.memory_space<vmem>> -> memref<1x64xi32, #tpu.memory_space<vmem>>
        %dma_wait3A_162 = tpu.memref_squeeze %dma_wait3A_161 : memref<1x64xi32, #tpu.memory_space<vmem>> -> memref<64xi32, #tpu.memory_space<vmem>>
        %dma_wait3A_163 = arith.constant 0 : i32
        %dma_wait3A_164 = arith.constant 0 : i32
        %dma_wait3A_165 = tpu.memref_slice %arg2[%dma_wait3A_163, %dma_wait3A_164] : memref<10000x128xf32, #tpu.memory_space<hbm>> -> memref<10000x128xf32, #tpu.memory_space<hbm>>
        tpu.wait_indirect_dma semaphore(%arg20 : memref<!tpu.dma_semaphore, #tpu.memory_space<semaphore_mem>>) src(%dma_wait3A_165 : memref<10000x128xf32, #tpu.memory_space<hbm>>) dst(%arg13 : memref<64x128xf32, #tpu.memory_space<vmem>>)
        %dma_start3A_166 = arith.constant 0 : i32
        %dma_start3A_167 = arith.constant 0 : i32
        %dma_start3A_168 = tpu.memref_slice %arg11[%dma_start3A_166, %dma_start3A_167] : memref<5x64xi32, #tpu.memory_space<vmem>> -> memref<1x64xi32, #tpu.memory_space<vmem>>
        %dma_start3A_169 = tpu.memref_squeeze %dma_start3A_168 : memref<1x64xi32, #tpu.memory_space<vmem>> -> memref<64xi32, #tpu.memory_space<vmem>>
        %dma_start3A_170 = arith.constant 0 : i32
        %dma_start3A_171 = arith.constant 0 : i32
        %dma_start3A_172 = tpu.memref_slice %arg19[%dma_start3A_170, %dma_start3A_171] : memref<10112x128xf32, #tpu.memory_space<vmem_shared>> -> memref<10112x128xf32, #tpu.memory_space<vmem_shared>>
        tpu.enqueue_indirect_dma source(%arg13 : memref<64x128xf32, #tpu.memory_space<vmem>>) target(%dma_start3A_172 : memref<10112x128xf32, #tpu.memory_space<vmem_shared>>) offsets(%dma_start3A_169 : memref<64xi32, #tpu.memory_space<vmem>>) semaphore(%arg25 : memref<!tpu.dma_semaphore, #tpu.memory_space<semaphore_mem>>) {add = true}
        %dma_wait3A_173 = arith.constant 1 : i32
        %dma_wait3A_174 = arith.constant 0 : i32
        %dma_wait3A_175 = tpu.memref_slice %arg10[%dma_wait3A_173, %dma_wait3A_174] : memref<5x64xi32, #tpu.memory_space<vmem>> -> memref<1x64xi32, #tpu.memory_space<vmem>>
        %dma_wait3A_176 = tpu.memref_squeeze %dma_wait3A_175 : memref<1x64xi32, #tpu.memory_space<vmem>> -> memref<64xi32, #tpu.memory_space<vmem>>
        %dma_wait3A_177 = arith.constant 0 : i32
        %dma_wait3A_178 = arith.constant 0 : i32
        %dma_wait3A_179 = tpu.memref_slice %arg2[%dma_wait3A_177, %dma_wait3A_178] : memref<10000x128xf32, #tpu.memory_space<hbm>> -> memref<10000x128xf32, #tpu.memory_space<hbm>>
        tpu.wait_indirect_dma semaphore(%arg21 : memref<!tpu.dma_semaphore, #tpu.memory_space<semaphore_mem>>) src(%dma_wait3A_179 : memref<10000x128xf32, #tpu.memory_space<hbm>>) dst(%arg14 : memref<64x128xf32, #tpu.memory_space<vmem>>)
        %dma_start3A_180 = arith.constant 1 : i32
        %dma_start3A_181 = arith.constant 0 : i32
        %dma_start3A_182 = tpu.memref_slice %arg11[%dma_start3A_180, %dma_start3A_181] : memref<5x64xi32, #tpu.memory_space<vmem>> -> memref<1x64xi32, #tpu.memory_space<vmem>>
        %dma_start3A_183 = tpu.memref_squeeze %dma_start3A_182 : memref<1x64xi32, #tpu.memory_space<vmem>> -> memref<64xi32, #tpu.memory_space<vmem>>
        %dma_start3A_184 = arith.constant 0 : i32
        %dma_start3A_185 = arith.constant 0 : i32
        %dma_start3A_186 = tpu.memref_slice %arg19[%dma_start3A_184, %dma_start3A_185] : memref<10112x128xf32, #tpu.memory_space<vmem_shared>> -> memref<10112x128xf32, #tpu.memory_space<vmem_shared>>
        tpu.enqueue_indirect_dma source(%arg14 : memref<64x128xf32, #tpu.memory_space<vmem>>) target(%dma_start3A_186 : memref<10112x128xf32, #tpu.memory_space<vmem_shared>>) offsets(%dma_start3A_183 : memref<64xi32, #tpu.memory_space<vmem>>) semaphore(%arg26 : memref<!tpu.dma_semaphore, #tpu.memory_space<semaphore_mem>>) {add = true}
        %dma_wait3A_187 = arith.constant 2 : i32
        %dma_wait3A_188 = arith.constant 0 : i32
        %dma_wait3A_189 = tpu.memref_slice %arg10[%dma_wait3A_187, %dma_wait3A_188] : memref<5x64xi32, #tpu.memory_space<vmem>> -> memref<1x64xi32, #tpu.memory_space<vmem>>
        %dma_wait3A_190 = tpu.memref_squeeze %dma_wait3A_189 : memref<1x64xi32, #tpu.memory_space<vmem>> -> memref<64xi32, #tpu.memory_space<vmem>>
        %dma_wait3A_191 = arith.constant 0 : i32
        %dma_wait3A_192 = arith.constant 0 : i32
        %dma_wait3A_193 = tpu.memref_slice %arg2[%dma_wait3A_191, %dma_wait3A_192] : memref<10000x128xf32, #tpu.memory_space<hbm>> -> memref<10000x128xf32, #tpu.memory_space<hbm>>
        tpu.wait_indirect_dma semaphore(%arg22 : memref<!tpu.dma_semaphore, #tpu.memory_space<semaphore_mem>>) src(%dma_wait3A_193 : memref<10000x128xf32, #tpu.memory_space<hbm>>) dst(%arg15 : memref<64x128xf32, #tpu.memory_space<vmem>>)
        %dma_start3A_194 = arith.constant 2 : i32
        %dma_start3A_195 = arith.constant 0 : i32
        %dma_start3A_196 = tpu.memref_slice %arg11[%dma_start3A_194, %dma_start3A_195] : memref<5x64xi32, #tpu.memory_space<vmem>> -> memref<1x64xi32, #tpu.memory_space<vmem>>
        %dma_start3A_197 = tpu.memref_squeeze %dma_start3A_196 : memref<1x64xi32, #tpu.memory_space<vmem>> -> memref<64xi32, #tpu.memory_space<vmem>>
        %dma_start3A_198 = arith.constant 0 : i32
        %dma_start3A_199 = arith.constant 0 : i32
        %dma_start3A_200 = tpu.memref_slice %arg19[%dma_start3A_198, %dma_start3A_199] : memref<10112x128xf32, #tpu.memory_space<vmem_shared>> -> memref<10112x128xf32, #tpu.memory_space<vmem_shared>>
        tpu.enqueue_indirect_dma source(%arg15 : memref<64x128xf32, #tpu.memory_space<vmem>>) target(%dma_start3A_200 : memref<10112x128xf32, #tpu.memory_space<vmem_shared>>) offsets(%dma_start3A_197 : memref<64xi32, #tpu.memory_space<vmem>>) semaphore(%arg27 : memref<!tpu.dma_semaphore, #tpu.memory_space<semaphore_mem>>) {add = true}
        %dma_wait3A_201 = arith.constant 3 : i32
        %dma_wait3A_202 = arith.constant 0 : i32
        %dma_wait3A_203 = tpu.memref_slice %arg10[%dma_wait3A_201, %dma_wait3A_202] : memref<5x64xi32, #tpu.memory_space<vmem>> -> memref<1x64xi32, #tpu.memory_space<vmem>>
        %dma_wait3A_204 = tpu.memref_squeeze %dma_wait3A_203 : memref<1x64xi32, #tpu.memory_space<vmem>> -> memref<64xi32, #tpu.memory_space<vmem>>
        %dma_wait3A_205 = arith.constant 0 : i32
        %dma_wait3A_206 = arith.constant 0 : i32
        %dma_wait3A_207 = tpu.memref_slice %arg2[%dma_wait3A_205, %dma_wait3A_206] : memref<10000x128xf32, #tpu.memory_space<hbm>> -> memref<10000x128xf32, #tpu.memory_space<hbm>>
        tpu.wait_indirect_dma semaphore(%arg23 : memref<!tpu.dma_semaphore, #tpu.memory_space<semaphore_mem>>) src(%dma_wait3A_207 : memref<10000x128xf32, #tpu.memory_space<hbm>>) dst(%arg16 : memref<64x128xf32, #tpu.memory_space<vmem>>)
        %dma_start3A_208 = arith.constant 3 : i32
        %dma_start3A_209 = arith.constant 0 : i32
        %dma_start3A_210 = tpu.memref_slice %arg11[%dma_start3A_208, %dma_start3A_209] : memref<5x64xi32, #tpu.memory_space<vmem>> -> memref<1x64xi32, #tpu.memory_space<vmem>>
        %dma_start3A_211 = tpu.memref_squeeze %dma_start3A_210 : memref<1x64xi32, #tpu.memory_space<vmem>> -> memref<64xi32, #tpu.memory_space<vmem>>
        %dma_start3A_212 = arith.constant 0 : i32
        %dma_start3A_213 = arith.constant 0 : i32
        %dma_start3A_214 = tpu.memref_slice %arg19[%dma_start3A_212, %dma_start3A_213] : memref<10112x128xf32, #tpu.memory_space<vmem_shared>> -> memref<10112x128xf32, #tpu.memory_space<vmem_shared>>
        tpu.enqueue_indirect_dma source(%arg16 : memref<64x128xf32, #tpu.memory_space<vmem>>) target(%dma_start3A_214 : memref<10112x128xf32, #tpu.memory_space<vmem_shared>>) offsets(%dma_start3A_211 : memref<64xi32, #tpu.memory_space<vmem>>) semaphore(%arg28 : memref<!tpu.dma_semaphore, #tpu.memory_space<semaphore_mem>>) {add = true}
        %dma_wait3A_215 = arith.constant 4 : i32
        %dma_wait3A_216 = arith.constant 0 : i32
        %dma_wait3A_217 = tpu.memref_slice %arg10[%dma_wait3A_215, %dma_wait3A_216] : memref<5x64xi32, #tpu.memory_space<vmem>> -> memref<1x64xi32, #tpu.memory_space<vmem>>
        %dma_wait3A_218 = tpu.memref_squeeze %dma_wait3A_217 : memref<1x64xi32, #tpu.memory_space<vmem>> -> memref<64xi32, #tpu.memory_space<vmem>>
        %dma_wait3A_219 = arith.constant 0 : i32
        %dma_wait3A_220 = arith.constant 0 : i32
        %dma_wait3A_221 = tpu.memref_slice %arg2[%dma_wait3A_219, %dma_wait3A_220] : memref<10000x128xf32, #tpu.memory_space<hbm>> -> memref<10000x128xf32, #tpu.memory_space<hbm>>
        tpu.wait_indirect_dma semaphore(%arg24 : memref<!tpu.dma_semaphore, #tpu.memory_space<semaphore_mem>>) src(%dma_wait3A_221 : memref<10000x128xf32, #tpu.memory_space<hbm>>) dst(%arg17 : memref<64x128xf32, #tpu.memory_space<vmem>>)
        %dma_start3A_222 = arith.constant 4 : i32
        %dma_start3A_223 = arith.constant 0 : i32
        %dma_start3A_224 = tpu.memref_slice %arg11[%dma_start3A_222, %dma_start3A_223] : memref<5x64xi32, #tpu.memory_space<vmem>> -> memref<1x64xi32, #tpu.memory_space<vmem>>
        %dma_start3A_225 = tpu.memref_squeeze %dma_start3A_224 : memref<1x64xi32, #tpu.memory_space<vmem>> -> memref<64xi32, #tpu.memory_space<vmem>>
        %dma_start3A_226 = arith.constant 0 : i32
        %dma_start3A_227 = arith.constant 0 : i32
        %dma_start3A_228 = tpu.memref_slice %arg19[%dma_start3A_226, %dma_start3A_227] : memref<10112x128xf32, #tpu.memory_space<vmem_shared>> -> memref<10112x128xf32, #tpu.memory_space<vmem_shared>>
        tpu.enqueue_indirect_dma source(%arg17 : memref<64x128xf32, #tpu.memory_space<vmem>>) target(%dma_start3A_228 : memref<10112x128xf32, #tpu.memory_space<vmem_shared>>) offsets(%dma_start3A_225 : memref<64xi32, #tpu.memory_space<vmem>>) semaphore(%arg29 : memref<!tpu.dma_semaphore, #tpu.memory_space<semaphore_mem>>) {add = true}
        %mul3A_229 = arith.constant 2 : i32
        %mul3A_230 = arith.muli %scan3A_98, %mul3A_229 : i32
        %add3A_231 = arith.constant 1 : i32
        %add3A_232 = arith.addi %mul3A_230, %add3A_231 : i32
        "tpu.region"() ({
          %run_scoped3A = tpu.sem_alloc : memref<!tpu.dma_semaphore, #tpu.memory_space<semaphore_mem>>
          %dma_start3A_373 = arith.constant 0 : i32
          %dma_start3A_374 = arith.constant 0 : i32
          %dma_start3A_375 = tpu.memref_slice %arg3[%add3A, %add3A_232, %dma_start3A_373, %dma_start3A_374] : memref<32x32x5x64xi32, #tpu.memory_space<hbm>> -> memref<1x1x5x64xi32, #tpu.memory_space<hbm>>
          %dma_start3A_376 = tpu.memref_squeeze %dma_start3A_375 : memref<1x1x5x64xi32, #tpu.memory_space<hbm>> -> memref<5x64xi32, #tpu.memory_space<hbm>>
          %dma_start3A_377 = arith.constant 0 : i32
          %dma_start3A_378 = arith.constant 0 : i32
          %dma_start3A_379 = tpu.memref_slice %arg3[%add3A, %add3A_232, %dma_start3A_377, %dma_start3A_378] : memref<32x32x5x64xi32, #tpu.memory_space<hbm>> -> memref<1x1x5x64xi32, #tpu.memory_space<hbm>>
          %dma_start3A_380 = tpu.memref_squeeze %dma_start3A_379 : memref<1x1x5x64xi32, #tpu.memory_space<hbm>> -> memref<5x64xi32, #tpu.memory_space<hbm>>
          tpu.enqueue_dma source(%dma_start3A_380 : memref<5x64xi32, #tpu.memory_space<hbm>>) target(%arg10 : memref<5x64xi32, #tpu.memory_space<vmem>>) target_semaphore(%run_scoped3A : memref<!tpu.dma_semaphore, #tpu.memory_space<semaphore_mem>>)
          %dma_wait3A_381 = arith.constant 0 : i32
          %dma_wait3A_382 = arith.constant 0 : i32
          %dma_wait3A_383 = tpu.memref_slice %arg3[%add3A, %add3A_232, %dma_wait3A_381, %dma_wait3A_382] : memref<32x32x5x64xi32, #tpu.memory_space<hbm>> -> memref<1x1x5x64xi32, #tpu.memory_space<hbm>>
          %dma_wait3A_384 = tpu.memref_squeeze %dma_wait3A_383 : memref<1x1x5x64xi32, #tpu.memory_space<hbm>> -> memref<5x64xi32, #tpu.memory_space<hbm>>
          %dma_wait3A_385 = arith.constant 0 : i32
          %dma_wait3A_386 = arith.constant 0 : i32
          %dma_wait3A_387 = tpu.memref_slice %arg3[%add3A, %add3A_232, %dma_wait3A_385, %dma_wait3A_386] : memref<32x32x5x64xi32, #tpu.memory_space<hbm>> -> memref<1x1x5x64xi32, #tpu.memory_space<hbm>>
          %dma_wait3A_388 = tpu.memref_squeeze %dma_wait3A_387 : memref<1x1x5x64xi32, #tpu.memory_space<hbm>> -> memref<5x64xi32, #tpu.memory_space<hbm>>
          tpu.wait_dma2 semaphore(%run_scoped3A : memref<!tpu.dma_semaphore, #tpu.memory_space<semaphore_mem>>) src(%dma_wait3A_388 : memref<5x64xi32, #tpu.memory_space<hbm>>) dst(%arg10 : memref<5x64xi32, #tpu.memory_space<vmem>>)
          tpu.yield
        }) : () -> ()
        "tpu.region"() ({
          %run_scoped3A = tpu.sem_alloc : memref<!tpu.dma_semaphore, #tpu.memory_space<semaphore_mem>>
          %dma_start3A_373 = arith.constant 0 : i32
          %dma_start3A_374 = arith.constant 0 : i32
          %dma_start3A_375 = tpu.memref_slice %arg5[%add3A, %add3A_232, %dma_start3A_373, %dma_start3A_374] : memref<32x32x5x64xi32, #tpu.memory_space<hbm>> -> memref<1x1x5x64xi32, #tpu.memory_space<hbm>>
          %dma_start3A_376 = tpu.memref_squeeze %dma_start3A_375 : memref<1x1x5x64xi32, #tpu.memory_space<hbm>> -> memref<5x64xi32, #tpu.memory_space<hbm>>
          %dma_start3A_377 = arith.constant 0 : i32
          %dma_start3A_378 = arith.constant 0 : i32
          %dma_start3A_379 = tpu.memref_slice %arg5[%add3A, %add3A_232, %dma_start3A_377, %dma_start3A_378] : memref<32x32x5x64xi32, #tpu.memory_space<hbm>> -> memref<1x1x5x64xi32, #tpu.memory_space<hbm>>
          %dma_start3A_380 = tpu.memref_squeeze %dma_start3A_379 : memref<1x1x5x64xi32, #tpu.memory_space<hbm>> -> memref<5x64xi32, #tpu.memory_space<hbm>>
          tpu.enqueue_dma source(%dma_start3A_380 : memref<5x64xi32, #tpu.memory_space<hbm>>) target(%arg12 : memref<5x64xi32, #tpu.memory_space<vmem>>) target_semaphore(%run_scoped3A : memref<!tpu.dma_semaphore, #tpu.memory_space<semaphore_mem>>)
          %dma_wait3A_381 = arith.constant 0 : i32
          %dma_wait3A_382 = arith.constant 0 : i32
          %dma_wait3A_383 = tpu.memref_slice %arg5[%add3A, %add3A_232, %dma_wait3A_381, %dma_wait3A_382] : memref<32x32x5x64xi32, #tpu.memory_space<hbm>> -> memref<1x1x5x64xi32, #tpu.memory_space<hbm>>
          %dma_wait3A_384 = tpu.memref_squeeze %dma_wait3A_383 : memref<1x1x5x64xi32, #tpu.memory_space<hbm>> -> memref<5x64xi32, #tpu.memory_space<hbm>>
          %dma_wait3A_385 = arith.constant 0 : i32
          %dma_wait3A_386 = arith.constant 0 : i32
          %dma_wait3A_387 = tpu.memref_slice %arg5[%add3A, %add3A_232, %dma_wait3A_385, %dma_wait3A_386] : memref<32x32x5x64xi32, #tpu.memory_space<hbm>> -> memref<1x1x5x64xi32, #tpu.memory_space<hbm>>
          %dma_wait3A_388 = tpu.memref_squeeze %dma_wait3A_387 : memref<1x1x5x64xi32, #tpu.memory_space<hbm>> -> memref<5x64xi32, #tpu.memory_space<hbm>>
          tpu.wait_dma2 semaphore(%run_scoped3A : memref<!tpu.dma_semaphore, #tpu.memory_space<semaphore_mem>>) src(%dma_wait3A_388 : memref<5x64xi32, #tpu.memory_space<hbm>>) dst(%arg12 : memref<5x64xi32, #tpu.memory_space<vmem>>)
          tpu.yield
        }) : () -> ()
        %dma_wait3A_233 = arith.constant 0 : i32
        %dma_wait3A_234 = arith.constant 0 : i32
        %dma_wait3A_235 = tpu.memref_slice %arg11[%dma_wait3A_233, %dma_wait3A_234] : memref<5x64xi32, #tpu.memory_space<vmem>> -> memref<1x64xi32, #tpu.memory_space<vmem>>
        %dma_wait3A_236 = tpu.memref_squeeze %dma_wait3A_235 : memref<1x64xi32, #tpu.memory_space<vmem>> -> memref<64xi32, #tpu.memory_space<vmem>>
        %dma_wait3A_237 = arith.constant 0 : i32
        %dma_wait3A_238 = arith.constant 0 : i32
        %dma_wait3A_239 = tpu.memref_slice %arg19[%dma_wait3A_237, %dma_wait3A_238] : memref<10112x128xf32, #tpu.memory_space<vmem_shared>> -> memref<10112x128xf32, #tpu.memory_space<vmem_shared>>
        tpu.wait_indirect_dma semaphore(%arg25 : memref<!tpu.dma_semaphore, #tpu.memory_space<semaphore_mem>>) src(%arg13 : memref<64x128xf32, #tpu.memory_space<vmem>>) dst(%dma_wait3A_239 : memref<10112x128xf32, #tpu.memory_space<vmem_shared>>)
        %dma_start3A_240 = arith.constant 0 : i32
        %dma_start3A_241 = arith.constant 0 : i32
        %dma_start3A_242 = tpu.memref_slice %arg10[%dma_start3A_240, %dma_start3A_241] : memref<5x64xi32, #tpu.memory_space<vmem>> -> memref<1x64xi32, #tpu.memory_space<vmem>>
        %dma_start3A_243 = tpu.memref_squeeze %dma_start3A_242 : memref<1x64xi32, #tpu.memory_space<vmem>> -> memref<64xi32, #tpu.memory_space<vmem>>
        %dma_start3A_244 = arith.constant 0 : i32
        %dma_start3A_245 = arith.constant 0 : i32
        %dma_start3A_246 = tpu.memref_slice %arg2[%dma_start3A_244, %dma_start3A_245] : memref<10000x128xf32, #tpu.memory_space<hbm>> -> memref<10000x128xf32, #tpu.memory_space<hbm>>
        tpu.enqueue_indirect_dma source(%dma_start3A_246 : memref<10000x128xf32, #tpu.memory_space<hbm>>) target(%arg13 : memref<64x128xf32, #tpu.memory_space<vmem>>) offsets(%dma_start3A_243 : memref<64xi32, #tpu.memory_space<vmem>>) semaphore(%arg20 : memref<!tpu.dma_semaphore, #tpu.memory_space<semaphore_mem>>)
        %dma_wait3A_247 = arith.constant 0 : i32
        %dma_wait3A_248 = arith.constant 0 : i32
        %dma_wait3A_249 = tpu.memref_slice %arg11[%dma_wait3A_247, %dma_wait3A_248] : memref<5x64xi32, #tpu.memory_space<vmem>> -> memref<1x64xi32, #tpu.memory_space<vmem>>
        %dma_wait3A_250 = tpu.memref_squeeze %dma_wait3A_249 : memref<1x64xi32, #tpu.memory_space<vmem>> -> memref<64xi32, #tpu.memory_space<vmem>>
        %dma_wait3A_251 = arith.constant 0 : i32
        %dma_wait3A_252 = arith.constant 0 : i32
        %dma_wait3A_253 = tpu.memref_slice %arg19[%dma_wait3A_251, %dma_wait3A_252] : memref<10112x128xf32, #tpu.memory_space<vmem_shared>> -> memref<10112x128xf32, #tpu.memory_space<vmem_shared>>
        tpu.wait_indirect_dma semaphore(%arg26 : memref<!tpu.dma_semaphore, #tpu.memory_space<semaphore_mem>>) src(%arg14 : memref<64x128xf32, #tpu.memory_space<vmem>>) dst(%dma_wait3A_253 : memref<10112x128xf32, #tpu.memory_space<vmem_shared>>)
        %dma_start3A_254 = arith.constant 1 : i32
        %dma_start3A_255 = arith.constant 0 : i32
        %dma_start3A_256 = tpu.memref_slice %arg10[%dma_start3A_254, %dma_start3A_255] : memref<5x64xi32, #tpu.memory_space<vmem>> -> memref<1x64xi32, #tpu.memory_space<vmem>>
        %dma_start3A_257 = tpu.memref_squeeze %dma_start3A_256 : memref<1x64xi32, #tpu.memory_space<vmem>> -> memref<64xi32, #tpu.memory_space<vmem>>
        %dma_start3A_258 = arith.constant 0 : i32
        %dma_start3A_259 = arith.constant 0 : i32
        %dma_start3A_260 = tpu.memref_slice %arg2[%dma_start3A_258, %dma_start3A_259] : memref<10000x128xf32, #tpu.memory_space<hbm>> -> memref<10000x128xf32, #tpu.memory_space<hbm>>
        tpu.enqueue_indirect_dma source(%dma_start3A_260 : memref<10000x128xf32, #tpu.memory_space<hbm>>) target(%arg14 : memref<64x128xf32, #tpu.memory_space<vmem>>) offsets(%dma_start3A_257 : memref<64xi32, #tpu.memory_space<vmem>>) semaphore(%arg21 : memref<!tpu.dma_semaphore, #tpu.memory_space<semaphore_mem>>)
        %dma_wait3A_261 = arith.constant 0 : i32
        %dma_wait3A_262 = arith.constant 0 : i32
        %dma_wait3A_263 = tpu.memref_slice %arg11[%dma_wait3A_261, %dma_wait3A_262] : memref<5x64xi32, #tpu.memory_space<vmem>> -> memref<1x64xi32, #tpu.memory_space<vmem>>
        %dma_wait3A_264 = tpu.memref_squeeze %dma_wait3A_263 : memref<1x64xi32, #tpu.memory_space<vmem>> -> memref<64xi32, #tpu.memory_space<vmem>>
        %dma_wait3A_265 = arith.constant 0 : i32
        %dma_wait3A_266 = arith.constant 0 : i32
        %dma_wait3A_267 = tpu.memref_slice %arg19[%dma_wait3A_265, %dma_wait3A_266] : memref<10112x128xf32, #tpu.memory_space<vmem_shared>> -> memref<10112x128xf32, #tpu.memory_space<vmem_shared>>
        tpu.wait_indirect_dma semaphore(%arg27 : memref<!tpu.dma_semaphore, #tpu.memory_space<semaphore_mem>>) src(%arg15 : memref<64x128xf32, #tpu.memory_space<vmem>>) dst(%dma_wait3A_267 : memref<10112x128xf32, #tpu.memory_space<vmem_shared>>)
        %dma_start3A_268 = arith.constant 2 : i32
        %dma_start3A_269 = arith.constant 0 : i32
        %dma_start3A_270 = tpu.memref_slice %arg10[%dma_start3A_268, %dma_start3A_269] : memref<5x64xi32, #tpu.memory_space<vmem>> -> memref<1x64xi32, #tpu.memory_space<vmem>>
        %dma_start3A_271 = tpu.memref_squeeze %dma_start3A_270 : memref<1x64xi32, #tpu.memory_space<vmem>> -> memref<64xi32, #tpu.memory_space<vmem>>
        %dma_start3A_272 = arith.constant 0 : i32
        %dma_start3A_273 = arith.constant 0 : i32
        %dma_start3A_274 = tpu.memref_slice %arg2[%dma_start3A_272, %dma_start3A_273] : memref<10000x128xf32, #tpu.memory_space<hbm>> -> memref<10000x128xf32, #tpu.memory_space<hbm>>
        tpu.enqueue_indirect_dma source(%dma_start3A_274 : memref<10000x128xf32, #tpu.memory_space<hbm>>) target(%arg15 : memref<64x128xf32, #tpu.memory_space<vmem>>) offsets(%dma_start3A_271 : memref<64xi32, #tpu.memory_space<vmem>>) semaphore(%arg22 : memref<!tpu.dma_semaphore, #tpu.memory_space<semaphore_mem>>)
        %dma_wait3A_275 = arith.constant 0 : i32
        %dma_wait3A_276 = arith.constant 0 : i32
        %dma_wait3A_277 = tpu.memref_slice %arg11[%dma_wait3A_275, %dma_wait3A_276] : memref<5x64xi32, #tpu.memory_space<vmem>> -> memref<1x64xi32, #tpu.memory_space<vmem>>
        %dma_wait3A_278 = tpu.memref_squeeze %dma_wait3A_277 : memref<1x64xi32, #tpu.memory_space<vmem>> -> memref<64xi32, #tpu.memory_space<vmem>>
        %dma_wait3A_279 = arith.constant 0 : i32
        %dma_wait3A_280 = arith.constant 0 : i32
        %dma_wait3A_281 = tpu.memref_slice %arg19[%dma_wait3A_279, %dma_wait3A_280] : memref<10112x128xf32, #tpu.memory_space<vmem_shared>> -> memref<10112x128xf32, #tpu.memory_space<vmem_shared>>
        tpu.wait_indirect_dma semaphore(%arg28 : memref<!tpu.dma_semaphore, #tpu.memory_space<semaphore_mem>>) src(%arg16 : memref<64x128xf32, #tpu.memory_space<vmem>>) dst(%dma_wait3A_281 : memref<10112x128xf32, #tpu.memory_space<vmem_shared>>)
        %dma_start3A_282 = arith.constant 3 : i32
        %dma_start3A_283 = arith.constant 0 : i32
        %dma_start3A_284 = tpu.memref_slice %arg10[%dma_start3A_282, %dma_start3A_283] : memref<5x64xi32, #tpu.memory_space<vmem>> -> memref<1x64xi32, #tpu.memory_space<vmem>>
        %dma_start3A_285 = tpu.memref_squeeze %dma_start3A_284 : memref<1x64xi32, #tpu.memory_space<vmem>> -> memref<64xi32, #tpu.memory_space<vmem>>
        %dma_start3A_286 = arith.constant 0 : i32
        %dma_start3A_287 = arith.constant 0 : i32
        %dma_start3A_288 = tpu.memref_slice %arg2[%dma_start3A_286, %dma_start3A_287] : memref<10000x128xf32, #tpu.memory_space<hbm>> -> memref<10000x128xf32, #tpu.memory_space<hbm>>
        tpu.enqueue_indirect_dma source(%dma_start3A_288 : memref<10000x128xf32, #tpu.memory_space<hbm>>) target(%arg16 : memref<64x128xf32, #tpu.memory_space<vmem>>) offsets(%dma_start3A_285 : memref<64xi32, #tpu.memory_space<vmem>>) semaphore(%arg23 : memref<!tpu.dma_semaphore, #tpu.memory_space<semaphore_mem>>)
        %dma_wait3A_289 = arith.constant 0 : i32
        %dma_wait3A_290 = arith.constant 0 : i32
        %dma_wait3A_291 = tpu.memref_slice %arg11[%dma_wait3A_289, %dma_wait3A_290] : memref<5x64xi32, #tpu.memory_space<vmem>> -> memref<1x64xi32, #tpu.memory_space<vmem>>
        %dma_wait3A_292 = tpu.memref_squeeze %dma_wait3A_291 : memref<1x64xi32, #tpu.memory_space<vmem>> -> memref<64xi32, #tpu.memory_space<vmem>>
        %dma_wait3A_293 = arith.constant 0 : i32
        %dma_wait3A_294 = arith.constant 0 : i32
        %dma_wait3A_295 = tpu.memref_slice %arg19[%dma_wait3A_293, %dma_wait3A_294] : memref<10112x128xf32, #tpu.memory_space<vmem_shared>> -> memref<10112x128xf32, #tpu.memory_space<vmem_shared>>
        tpu.wait_indirect_dma semaphore(%arg29 : memref<!tpu.dma_semaphore, #tpu.memory_space<semaphore_mem>>) src(%arg17 : memref<64x128xf32, #tpu.memory_space<vmem>>) dst(%dma_wait3A_295 : memref<10112x128xf32, #tpu.memory_space<vmem_shared>>)
        %dma_start3A_296 = arith.constant 4 : i32
        %dma_start3A_297 = arith.constant 0 : i32
        %dma_start3A_298 = tpu.memref_slice %arg10[%dma_start3A_296, %dma_start3A_297] : memref<5x64xi32, #tpu.memory_space<vmem>> -> memref<1x64xi32, #tpu.memory_space<vmem>>
        %dma_start3A_299 = tpu.memref_squeeze %dma_start3A_298 : memref<1x64xi32, #tpu.memory_space<vmem>> -> memref<64xi32, #tpu.memory_space<vmem>>
        %dma_start3A_300 = arith.constant 0 : i32
        %dma_start3A_301 = arith.constant 0 : i32
        %dma_start3A_302 = tpu.memref_slice %arg2[%dma_start3A_300, %dma_start3A_301] : memref<10000x128xf32, #tpu.memory_space<hbm>> -> memref<10000x128xf32, #tpu.memory_space<hbm>>
        tpu.enqueue_indirect_dma source(%dma_start3A_302 : memref<10000x128xf32, #tpu.memory_space<hbm>>) target(%arg17 : memref<64x128xf32, #tpu.memory_space<vmem>>) offsets(%dma_start3A_299 : memref<64xi32, #tpu.memory_space<vmem>>) semaphore(%arg24 : memref<!tpu.dma_semaphore, #tpu.memory_space<semaphore_mem>>)
        %dma_wait3A_303 = arith.constant 0 : i32
        %dma_wait3A_304 = arith.constant 0 : i32
        %dma_wait3A_305 = tpu.memref_slice %arg10[%dma_wait3A_303, %dma_wait3A_304] : memref<5x64xi32, #tpu.memory_space<vmem>> -> memref<1x64xi32, #tpu.memory_space<vmem>>
        %dma_wait3A_306 = tpu.memref_squeeze %dma_wait3A_305 : memref<1x64xi32, #tpu.memory_space<vmem>> -> memref<64xi32, #tpu.memory_space<vmem>>
        %dma_wait3A_307 = arith.constant 0 : i32
        %dma_wait3A_308 = arith.constant 0 : i32
        %dma_wait3A_309 = tpu.memref_slice %arg2[%dma_wait3A_307, %dma_wait3A_308] : memref<10000x128xf32, #tpu.memory_space<hbm>> -> memref<10000x128xf32, #tpu.memory_space<hbm>>
        tpu.wait_indirect_dma semaphore(%arg20 : memref<!tpu.dma_semaphore, #tpu.memory_space<semaphore_mem>>) src(%dma_wait3A_309 : memref<10000x128xf32, #tpu.memory_space<hbm>>) dst(%arg13 : memref<64x128xf32, #tpu.memory_space<vmem>>)
        %dma_start3A_310 = arith.constant 0 : i32
        %dma_start3A_311 = arith.constant 0 : i32
        %dma_start3A_312 = tpu.memref_slice %arg12[%dma_start3A_310, %dma_start3A_311] : memref<5x64xi32, #tpu.memory_space<vmem>> -> memref<1x64xi32, #tpu.memory_space<vmem>>
        %dma_start3A_313 = tpu.memref_squeeze %dma_start3A_312 : memref<1x64xi32, #tpu.memory_space<vmem>> -> memref<64xi32, #tpu.memory_space<vmem>>
        %dma_start3A_314 = arith.constant 0 : i32
        %dma_start3A_315 = arith.constant 0 : i32
        %dma_start3A_316 = tpu.memref_slice %arg19[%dma_start3A_314, %dma_start3A_315] : memref<10112x128xf32, #tpu.memory_space<vmem_shared>> -> memref<10112x128xf32, #tpu.memory_space<vmem_shared>>
        tpu.enqueue_indirect_dma source(%arg13 : memref<64x128xf32, #tpu.memory_space<vmem>>) target(%dma_start3A_316 : memref<10112x128xf32, #tpu.memory_space<vmem_shared>>) offsets(%dma_start3A_313 : memref<64xi32, #tpu.memory_space<vmem>>) semaphore(%arg25 : memref<!tpu.dma_semaphore, #tpu.memory_space<semaphore_mem>>) {add = true}
        %dma_wait3A_317 = arith.constant 1 : i32
        %dma_wait3A_318 = arith.constant 0 : i32
        %dma_wait3A_319 = tpu.memref_slice %arg10[%dma_wait3A_317, %dma_wait3A_318] : memref<5x64xi32, #tpu.memory_space<vmem>> -> memref<1x64xi32, #tpu.memory_space<vmem>>
        %dma_wait3A_320 = tpu.memref_squeeze %dma_wait3A_319 : memref<1x64xi32, #tpu.memory_space<vmem>> -> memref<64xi32, #tpu.memory_space<vmem>>
        %dma_wait3A_321 = arith.constant 0 : i32
        %dma_wait3A_322 = arith.constant 0 : i32
        %dma_wait3A_323 = tpu.memref_slice %arg2[%dma_wait3A_321, %dma_wait3A_322] : memref<10000x128xf32, #tpu.memory_space<hbm>> -> memref<10000x128xf32, #tpu.memory_space<hbm>>
        tpu.wait_indirect_dma semaphore(%arg21 : memref<!tpu.dma_semaphore, #tpu.memory_space<semaphore_mem>>) src(%dma_wait3A_323 : memref<10000x128xf32, #tpu.memory_space<hbm>>) dst(%arg14 : memref<64x128xf32, #tpu.memory_space<vmem>>)
        %dma_start3A_324 = arith.constant 1 : i32
        %dma_start3A_325 = arith.constant 0 : i32
        %dma_start3A_326 = tpu.memref_slice %arg12[%dma_start3A_324, %dma_start3A_325] : memref<5x64xi32, #tpu.memory_space<vmem>> -> memref<1x64xi32, #tpu.memory_space<vmem>>
        %dma_start3A_327 = tpu.memref_squeeze %dma_start3A_326 : memref<1x64xi32, #tpu.memory_space<vmem>> -> memref<64xi32, #tpu.memory_space<vmem>>
        %dma_start3A_328 = arith.constant 0 : i32
        %dma_start3A_329 = arith.constant 0 : i32
        %dma_start3A_330 = tpu.memref_slice %arg19[%dma_start3A_328, %dma_start3A_329] : memref<10112x128xf32, #tpu.memory_space<vmem_shared>> -> memref<10112x128xf32, #tpu.memory_space<vmem_shared>>
        tpu.enqueue_indirect_dma source(%arg14 : memref<64x128xf32, #tpu.memory_space<vmem>>) target(%dma_start3A_330 : memref<10112x128xf32, #tpu.memory_space<vmem_shared>>) offsets(%dma_start3A_327 : memref<64xi32, #tpu.memory_space<vmem>>) semaphore(%arg26 : memref<!tpu.dma_semaphore, #tpu.memory_space<semaphore_mem>>) {add = true}
        %dma_wait3A_331 = arith.constant 2 : i32
        %dma_wait3A_332 = arith.constant 0 : i32
        %dma_wait3A_333 = tpu.memref_slice %arg10[%dma_wait3A_331, %dma_wait3A_332] : memref<5x64xi32, #tpu.memory_space<vmem>> -> memref<1x64xi32, #tpu.memory_space<vmem>>
        %dma_wait3A_334 = tpu.memref_squeeze %dma_wait3A_333 : memref<1x64xi32, #tpu.memory_space<vmem>> -> memref<64xi32, #tpu.memory_space<vmem>>
        %dma_wait3A_335 = arith.constant 0 : i32
        %dma_wait3A_336 = arith.constant 0 : i32
        %dma_wait3A_337 = tpu.memref_slice %arg2[%dma_wait3A_335, %dma_wait3A_336] : memref<10000x128xf32, #tpu.memory_space<hbm>> -> memref<10000x128xf32, #tpu.memory_space<hbm>>
        tpu.wait_indirect_dma semaphore(%arg22 : memref<!tpu.dma_semaphore, #tpu.memory_space<semaphore_mem>>) src(%dma_wait3A_337 : memref<10000x128xf32, #tpu.memory_space<hbm>>) dst(%arg15 : memref<64x128xf32, #tpu.memory_space<vmem>>)
        %dma_start3A_338 = arith.constant 2 : i32
        %dma_start3A_339 = arith.constant 0 : i32
        %dma_start3A_340 = tpu.memref_slice %arg12[%dma_start3A_338, %dma_start3A_339] : memref<5x64xi32, #tpu.memory_space<vmem>> -> memref<1x64xi32, #tpu.memory_space<vmem>>
        %dma_start3A_341 = tpu.memref_squeeze %dma_start3A_340 : memref<1x64xi32, #tpu.memory_space<vmem>> -> memref<64xi32, #tpu.memory_space<vmem>>
        %dma_start3A_342 = arith.constant 0 : i32
        %dma_start3A_343 = arith.constant 0 : i32
        %dma_start3A_344 = tpu.memref_slice %arg19[%dma_start3A_342, %dma_start3A_343] : memref<10112x128xf32, #tpu.memory_space<vmem_shared>> -> memref<10112x128xf32, #tpu.memory_space<vmem_shared>>
        tpu.enqueue_indirect_dma source(%arg15 : memref<64x128xf32, #tpu.memory_space<vmem>>) target(%dma_start3A_344 : memref<10112x128xf32, #tpu.memory_space<vmem_shared>>) offsets(%dma_start3A_341 : memref<64xi32, #tpu.memory_space<vmem>>) semaphore(%arg27 : memref<!tpu.dma_semaphore, #tpu.memory_space<semaphore_mem>>) {add = true}
        %dma_wait3A_345 = arith.constant 3 : i32
        %dma_wait3A_346 = arith.constant 0 : i32
        %dma_wait3A_347 = tpu.memref_slice %arg10[%dma_wait3A_345, %dma_wait3A_346] : memref<5x64xi32, #tpu.memory_space<vmem>> -> memref<1x64xi32, #tpu.memory_space<vmem>>
        %dma_wait3A_348 = tpu.memref_squeeze %dma_wait3A_347 : memref<1x64xi32, #tpu.memory_space<vmem>> -> memref<64xi32, #tpu.memory_space<vmem>>
        %dma_wait3A_349 = arith.constant 0 : i32
        %dma_wait3A_350 = arith.constant 0 : i32
        %dma_wait3A_351 = tpu.memref_slice %arg2[%dma_wait3A_349, %dma_wait3A_350] : memref<10000x128xf32, #tpu.memory_space<hbm>> -> memref<10000x128xf32, #tpu.memory_space<hbm>>
        tpu.wait_indirect_dma semaphore(%arg23 : memref<!tpu.dma_semaphore, #tpu.memory_space<semaphore_mem>>) src(%dma_wait3A_351 : memref<10000x128xf32, #tpu.memory_space<hbm>>) dst(%arg16 : memref<64x128xf32, #tpu.memory_space<vmem>>)
        %dma_start3A_352 = arith.constant 3 : i32
        %dma_start3A_353 = arith.constant 0 : i32
        %dma_start3A_354 = tpu.memref_slice %arg12[%dma_start3A_352, %dma_start3A_353] : memref<5x64xi32, #tpu.memory_space<vmem>> -> memref<1x64xi32, #tpu.memory_space<vmem>>
        %dma_start3A_355 = tpu.memref_squeeze %dma_start3A_354 : memref<1x64xi32, #tpu.memory_space<vmem>> -> memref<64xi32, #tpu.memory_space<vmem>>
        %dma_start3A_356 = arith.constant 0 : i32
        %dma_start3A_357 = arith.constant 0 : i32
        %dma_start3A_358 = tpu.memref_slice %arg19[%dma_start3A_356, %dma_start3A_357] : memref<10112x128xf32, #tpu.memory_space<vmem_shared>> -> memref<10112x128xf32, #tpu.memory_space<vmem_shared>>
        tpu.enqueue_indirect_dma source(%arg16 : memref<64x128xf32, #tpu.memory_space<vmem>>) target(%dma_start3A_358 : memref<10112x128xf32, #tpu.memory_space<vmem_shared>>) offsets(%dma_start3A_355 : memref<64xi32, #tpu.memory_space<vmem>>) semaphore(%arg28 : memref<!tpu.dma_semaphore, #tpu.memory_space<semaphore_mem>>) {add = true}
        %dma_wait3A_359 = arith.constant 4 : i32
        %dma_wait3A_360 = arith.constant 0 : i32
        %dma_wait3A_361 = tpu.memref_slice %arg10[%dma_wait3A_359, %dma_wait3A_360] : memref<5x64xi32, #tpu.memory_space<vmem>> -> memref<1x64xi32, #tpu.memory_space<vmem>>
        %dma_wait3A_362 = tpu.memref_squeeze %dma_wait3A_361 : memref<1x64xi32, #tpu.memory_space<vmem>> -> memref<64xi32, #tpu.memory_space<vmem>>
        %dma_wait3A_363 = arith.constant 0 : i32
        %dma_wait3A_364 = arith.constant 0 : i32
        %dma_wait3A_365 = tpu.memref_slice %arg2[%dma_wait3A_363, %dma_wait3A_364] : memref<10000x128xf32, #tpu.memory_space<hbm>> -> memref<10000x128xf32, #tpu.memory_space<hbm>>
        tpu.wait_indirect_dma semaphore(%arg24 : memref<!tpu.dma_semaphore, #tpu.memory_space<semaphore_mem>>) src(%dma_wait3A_365 : memref<10000x128xf32, #tpu.memory_space<hbm>>) dst(%arg17 : memref<64x128xf32, #tpu.memory_space<vmem>>)
        %dma_start3A_366 = arith.constant 4 : i32
        %dma_start3A_367 = arith.constant 0 : i32
        %dma_start3A_368 = tpu.memref_slice %arg12[%dma_start3A_366, %dma_start3A_367] : memref<5x64xi32, #tpu.memory_space<vmem>> -> memref<1x64xi32, #tpu.memory_space<vmem>>
        %dma_start3A_369 = tpu.memref_squeeze %dma_start3A_368 : memref<1x64xi32, #tpu.memory_space<vmem>> -> memref<64xi32, #tpu.memory_space<vmem>>
        %dma_start3A_370 = arith.constant 0 : i32
        %dma_start3A_371 = arith.constant 0 : i32
        %dma_start3A_372 = tpu.memref_slice %arg19[%dma_start3A_370, %dma_start3A_371] : memref<10112x128xf32, #tpu.memory_space<vmem_shared>> -> memref<10112x128xf32, #tpu.memory_space<vmem_shared>>
        tpu.enqueue_indirect_dma source(%arg17 : memref<64x128xf32, #tpu.memory_space<vmem>>) target(%dma_start3A_372 : memref<10112x128xf32, #tpu.memory_space<vmem_shared>>) offsets(%dma_start3A_369 : memref<64xi32, #tpu.memory_space<vmem>>) semaphore(%arg29 : memref<!tpu.dma_semaphore, #tpu.memory_space<semaphore_mem>>) {add = true}
      }
      %scan3A_63 = arith.constant 16 : i32
      %dma_wait3A = arith.constant 0 : i32
      %dma_wait3A_64 = arith.constant 0 : i32
      %dma_wait3A_65 = tpu.memref_slice %arg11[%dma_wait3A, %dma_wait3A_64] : memref<5x64xi32, #tpu.memory_space<vmem>> -> memref<1x64xi32, #tpu.memory_space<vmem>>
      %dma_wait3A_66 = tpu.memref_squeeze %dma_wait3A_65 : memref<1x64xi32, #tpu.memory_space<vmem>> -> memref<64xi32, #tpu.memory_space<vmem>>
      %dma_wait3A_67 = arith.constant 0 : i32
      %dma_wait3A_68 = arith.constant 0 : i32
      %dma_wait3A_69 = tpu.memref_slice %arg19[%dma_wait3A_67, %dma_wait3A_68] : memref<10112x128xf32, #tpu.memory_space<vmem_shared>> -> memref<10112x128xf32, #tpu.memory_space<vmem_shared>>
      tpu.wait_indirect_dma semaphore(%arg25 : memref<!tpu.dma_semaphore, #tpu.memory_space<semaphore_mem>>) src(%arg13 : memref<64x128xf32, #tpu.memory_space<vmem>>) dst(%dma_wait3A_69 : memref<10112x128xf32, #tpu.memory_space<vmem_shared>>)
      %dma_wait3A_70 = arith.constant 0 : i32
      %dma_wait3A_71 = arith.constant 0 : i32
      %dma_wait3A_72 = tpu.memref_slice %arg11[%dma_wait3A_70, %dma_wait3A_71] : memref<5x64xi32, #tpu.memory_space<vmem>> -> memref<1x64xi32, #tpu.memory_space<vmem>>
      %dma_wait3A_73 = tpu.memref_squeeze %dma_wait3A_72 : memref<1x64xi32, #tpu.memory_space<vmem>> -> memref<64xi32, #tpu.memory_space<vmem>>
      %dma_wait3A_74 = arith.constant 0 : i32
      %dma_wait3A_75 = arith.constant 0 : i32
      %dma_wait3A_76 = tpu.memref_slice %arg19[%dma_wait3A_74, %dma_wait3A_75] : memref<10112x128xf32, #tpu.memory_space<vmem_shared>> -> memref<10112x128xf32, #tpu.memory_space<vmem_shared>>
      tpu.wait_indirect_dma semaphore(%arg26 : memref<!tpu.dma_semaphore, #tpu.memory_space<semaphore_mem>>) src(%arg14 : memref<64x128xf32, #tpu.memory_space<vmem>>) dst(%dma_wait3A_76 : memref<10112x128xf32, #tpu.memory_space<vmem_shared>>)
      %dma_wait3A_77 = arith.constant 0 : i32
      %dma_wait3A_78 = arith.constant 0 : i32
      %dma_wait3A_79 = tpu.memref_slice %arg11[%dma_wait3A_77, %dma_wait3A_78] : memref<5x64xi32, #tpu.memory_space<vmem>> -> memref<1x64xi32, #tpu.memory_space<vmem>>
      %dma_wait3A_80 = tpu.memref_squeeze %dma_wait3A_79 : memref<1x64xi32, #tpu.memory_space<vmem>> -> memref<64xi32, #tpu.memory_space<vmem>>
      %dma_wait3A_81 = arith.constant 0 : i32
      %dma_wait3A_82 = arith.constant 0 : i32
      %dma_wait3A_83 = tpu.memref_slice %arg19[%dma_wait3A_81, %dma_wait3A_82] : memref<10112x128xf32, #tpu.memory_space<vmem_shared>> -> memref<10112x128xf32, #tpu.memory_space<vmem_shared>>
      tpu.wait_indirect_dma semaphore(%arg27 : memref<!tpu.dma_semaphore, #tpu.memory_space<semaphore_mem>>) src(%arg15 : memref<64x128xf32, #tpu.memory_space<vmem>>) dst(%dma_wait3A_83 : memref<10112x128xf32, #tpu.memory_space<vmem_shared>>)
      %dma_wait3A_84 = arith.constant 0 : i32
      %dma_wait3A_85 = arith.constant 0 : i32
      %dma_wait3A_86 = tpu.memref_slice %arg11[%dma_wait3A_84, %dma_wait3A_85] : memref<5x64xi32, #tpu.memory_space<vmem>> -> memref<1x64xi32, #tpu.memory_space<vmem>>
      %dma_wait3A_87 = tpu.memref_squeeze %dma_wait3A_86 : memref<1x64xi32, #tpu.memory_space<vmem>> -> memref<64xi32, #tpu.memory_space<vmem>>
      %dma_wait3A_88 = arith.constant 0 : i32
      %dma_wait3A_89 = arith.constant 0 : i32
      %dma_wait3A_90 = tpu.memref_slice %arg19[%dma_wait3A_88, %dma_wait3A_89] : memref<10112x128xf32, #tpu.memory_space<vmem_shared>> -> memref<10112x128xf32, #tpu.memory_space<vmem_shared>>
      tpu.wait_indirect_dma semaphore(%arg28 : memref<!tpu.dma_semaphore, #tpu.memory_space<semaphore_mem>>) src(%arg16 : memref<64x128xf32, #tpu.memory_space<vmem>>) dst(%dma_wait3A_90 : memref<10112x128xf32, #tpu.memory_space<vmem_shared>>)
      %dma_wait3A_91 = arith.constant 0 : i32
      %dma_wait3A_92 = arith.constant 0 : i32
      %dma_wait3A_93 = tpu.memref_slice %arg11[%dma_wait3A_91, %dma_wait3A_92] : memref<5x64xi32, #tpu.memory_space<vmem>> -> memref<1x64xi32, #tpu.memory_space<vmem>>
      %dma_wait3A_94 = tpu.memref_squeeze %dma_wait3A_93 : memref<1x64xi32, #tpu.memory_space<vmem>> -> memref<64xi32, #tpu.memory_space<vmem>>
      %dma_wait3A_95 = arith.constant 0 : i32
      %dma_wait3A_96 = arith.constant 0 : i32
      %dma_wait3A_97 = tpu.memref_slice %arg19[%dma_wait3A_95, %dma_wait3A_96] : memref<10112x128xf32, #tpu.memory_space<vmem_shared>> -> memref<10112x128xf32, #tpu.memory_space<vmem_shared>>
      tpu.wait_indirect_dma semaphore(%arg29 : memref<!tpu.dma_semaphore, #tpu.memory_space<semaphore_mem>>) src(%arg17 : memref<64x128xf32, #tpu.memory_space<vmem>>) dst(%dma_wait3A_97 : memref<10112x128xf32, #tpu.memory_space<vmem_shared>>)
    } else {
    }
    %barrier3A_18 = arith.constant 0 : index
    tpu.barrier barrier_id(%barrier3A_18)
    %mul3A_19 = arith.constant 632 : i32
    %mul3A_20 = arith.muli %arg1, %mul3A_19 : i32
    %add3A_21 = arith.constant 0 : i32
    %add3A_22 = arith.addi %mul3A_20, %add3A_21 : i32
    "tpu.region"() ({
      %run_scoped3A = tpu.sem_alloc : memref<!tpu.dma_semaphore, #tpu.memory_space<semaphore_mem>>
      %dma_start3A = arith.constant 0 : i32
      %dma_start3A_59 = arith.constant 0 : i32
      %dma_start3A_60 = tpu.memref_slice %arg13[%dma_start3A, %dma_start3A_59] : memref<64x128xf32, #tpu.memory_space<vmem>> -> memref<64x128xf32, #tpu.memory_space<vmem>>
      %dma_start3A_61 = arith.constant 0 : i32
      %dma_start3A_62 = tpu.memref_slice %arg19[%add3A_22, %dma_start3A_61] : memref<10112x128xf32, #tpu.memory_space<vmem_shared>> -> memref<64x128xf32, #tpu.memory_space<vmem_shared>>
      %dma_start3A_63 = arith.constant 0 : i32
      %dma_start3A_64 = arith.constant 0 : i32
      %dma_start3A_65 = tpu.memref_slice %arg13[%dma_start3A_63, %dma_start3A_64] : memref<64x128xf32, #tpu.memory_space<vmem>> -> memref<64x128xf32, #tpu.memory_space<vmem>>
      %dma_start3A_66 = arith.constant 0 : i32
      %dma_start3A_67 = tpu.memref_slice %arg19[%add3A_22, %dma_start3A_66] : memref<10112x128xf32, #tpu.memory_space<vmem_shared>> -> memref<64x128xf32, #tpu.memory_space<vmem_shared>>
      tpu.enqueue_dma source(%dma_start3A_67 : memref<64x128xf32, #tpu.memory_space<vmem_shared>>) target(%dma_start3A_65 : memref<64x128xf32, #tpu.memory_space<vmem>>) target_semaphore(%run_scoped3A : memref<!tpu.dma_semaphore, #tpu.memory_space<semaphore_mem>>)
      %dma_wait3A = arith.constant 0 : i32
      %dma_wait3A_68 = arith.constant 0 : i32
      %dma_wait3A_69 = tpu.memref_slice %arg13[%dma_wait3A, %dma_wait3A_68] : memref<64x128xf32, #tpu.memory_space<vmem>> -> memref<64x128xf32, #tpu.memory_space<vmem>>
      %dma_wait3A_70 = arith.constant 0 : i32
      %dma_wait3A_71 = tpu.memref_slice %arg19[%add3A_22, %dma_wait3A_70] : memref<10112x128xf32, #tpu.memory_space<vmem_shared>> -> memref<64x128xf32, #tpu.memory_space<vmem_shared>>
      %dma_wait3A_72 = arith.constant 0 : i32
      %dma_wait3A_73 = arith.constant 0 : i32
      %dma_wait3A_74 = tpu.memref_slice %arg13[%dma_wait3A_72, %dma_wait3A_73] : memref<64x128xf32, #tpu.memory_space<vmem>> -> memref<64x128xf32, #tpu.memory_space<vmem>>
      %dma_wait3A_75 = arith.constant 0 : i32
      %dma_wait3A_76 = tpu.memref_slice %arg19[%add3A_22, %dma_wait3A_75] : memref<10112x128xf32, #tpu.memory_space<vmem_shared>> -> memref<64x128xf32, #tpu.memory_space<vmem_shared>>
      tpu.wait_dma2 semaphore(%run_scoped3A : memref<!tpu.dma_semaphore, #tpu.memory_space<semaphore_mem>>) src(%dma_wait3A_76 : memref<64x128xf32, #tpu.memory_space<vmem_shared>>) dst(%dma_wait3A_74 : memref<64x128xf32, #tpu.memory_space<vmem>>)
      tpu.yield
    }) : () -> ()
    "tpu.region"() ({
      %run_scoped3A = tpu.sem_alloc : memref<!tpu.dma_semaphore, #tpu.memory_space<semaphore_mem>>
      %dma_start3A = arith.constant 0 : i32
      %dma_start3A_59 = arith.constant 0 : i32
      %dma_start3A_60 = tpu.memref_slice %arg13[%dma_start3A, %dma_start3A_59] : memref<64x128xf32, #tpu.memory_space<vmem>> -> memref<64x128xf32, #tpu.memory_space<vmem>>
      %dma_start3A_61 = arith.constant 0 : i32
      %dma_start3A_62 = tpu.memref_slice %arg9[%arg0, %add3A_22, %dma_start3A_61] : memref<2x10112x128xf32, #tpu.memory_space<hbm>> -> memref<1x64x128xf32, #tpu.memory_space<hbm>>
      %dma_start3A_63 = tpu.memref_squeeze %dma_start3A_62 : memref<1x64x128xf32, #tpu.memory_space<hbm>> -> memref<64x128xf32, #tpu.memory_space<hbm>>
      %dma_start3A_64 = arith.constant 0 : i32
      %dma_start3A_65 = tpu.memref_slice %arg9[%arg0, %add3A_22, %dma_start3A_64] : memref<2x10112x128xf32, #tpu.memory_space<hbm>> -> memref<1x64x128xf32, #tpu.memory_space<hbm>>
      %dma_start3A_66 = tpu.memref_squeeze %dma_start3A_65 : memref<1x64x128xf32, #tpu.memory_space<hbm>> -> memref<64x128xf32, #tpu.memory_space<hbm>>
      %dma_start3A_67 = arith.constant 0 : i32
      %dma_start3A_68 = arith.constant 0 : i32
      %dma_start3A_69 = tpu.memref_slice %arg13[%dma_start3A_67, %dma_start3A_68] : memref<64x128xf32, #tpu.memory_space<vmem>> -> memref<64x128xf32, #tpu.memory_space<vmem>>
      tpu.enqueue_dma source(%dma_start3A_69 : memref<64x128xf32, #tpu.memory_space<vmem>>) target(%dma_start3A_66 : memref<64x128xf32, #tpu.memory_space<hbm>>) target_semaphore(%run_scoped3A : memref<!tpu.dma_semaphore, #tpu.memory_space<semaphore_mem>>)
      %dma_wait3A = arith.constant 0 : i32
      %dma_wait3A_70 = arith.constant 0 : i32
      %dma_wait3A_71 = tpu.memref_slice %arg13[%dma_wait3A, %dma_wait3A_70] : memref<64x128xf32, #tpu.memory_space<vmem>> -> memref<64x128xf32, #tpu.memory_space<vmem>>
      %dma_wait3A_72 = arith.constant 0 : i32
      %dma_wait3A_73 = tpu.memref_slice %arg9[%arg0, %add3A_22, %dma_wait3A_72] : memref<2x10112x128xf32, #tpu.memory_space<hbm>> -> memref<1x64x128xf32, #tpu.memory_space<hbm>>
      %dma_wait3A_74 = tpu.memref_squeeze %dma_wait3A_73 : memref<1x64x128xf32, #tpu.memory_space<hbm>> -> memref<64x128xf32, #tpu.memory_space<hbm>>
      %dma_wait3A_75 = arith.constant 0 : i32
      %dma_wait3A_76 = tpu.memref_slice %arg9[%arg0, %add3A_22, %dma_wait3A_75] : memref<2x10112x128xf32, #tpu.memory_space<hbm>> -> memref<1x64x128xf32, #tpu.memory_space<hbm>>
      %dma_wait3A_77 = tpu.memref_squeeze %dma_wait3A_76 : memref<1x64x128xf32, #tpu.memory_space<hbm>> -> memref<64x128xf32, #tpu.memory_space<hbm>>
      %dma_wait3A_78 = arith.constant 0 : i32
      %dma_wait3A_79 = arith.constant 0 : i32
      %dma_wait3A_80 = tpu.memref_slice %arg13[%dma_wait3A_78, %dma_wait3A_79] : memref<64x128xf32, #tpu.memory_space<vmem>> -> memref<64x128xf32, #tpu.memory_space<vmem>>
      tpu.wait_dma2 semaphore(%run_scoped3A : memref<!tpu.dma_semaphore, #tpu.memory_space<semaphore_mem>>) src(%dma_wait3A_80 : memref<64x128xf32, #tpu.memory_space<vmem>>) dst(%dma_wait3A_77 : memref<64x128xf32, #tpu.memory_space<hbm>>)
      tpu.yield
    }) : () -> ()
    %mul3A_23 = arith.constant 632 : i32
    %mul3A_24 = arith.muli %arg1, %mul3A_23 : i32
    %add3A_25 = arith.constant 64 : i32
    %add3A_26 = arith.addi %mul3A_24, %add3A_25 : i32
    "tpu.region"() ({
      %run_scoped3A = tpu.sem_alloc : memref<!tpu.dma_semaphore, #tpu.memory_space<semaphore_mem>>
      %dma_start3A = arith.constant 0 : i32
      %dma_start3A_59 = arith.constant 0 : i32
      %dma_start3A_60 = tpu.memref_slice %arg13[%dma_start3A, %dma_start3A_59] : memref<64x128xf32, #tpu.memory_space<vmem>> -> memref<64x128xf32, #tpu.memory_space<vmem>>
      %dma_start3A_61 = arith.constant 0 : i32
      %dma_start3A_62 = tpu.memref_slice %arg19[%add3A_26, %dma_start3A_61] : memref<10112x128xf32, #tpu.memory_space<vmem_shared>> -> memref<64x128xf32, #tpu.memory_space<vmem_shared>>
      %dma_start3A_63 = arith.constant 0 : i32
      %dma_start3A_64 = arith.constant 0 : i32
      %dma_start3A_65 = tpu.memref_slice %arg13[%dma_start3A_63, %dma_start3A_64] : memref<64x128xf32, #tpu.memory_space<vmem>> -> memref<64x128xf32, #tpu.memory_space<vmem>>
      %dma_start3A_66 = arith.constant 0 : i32
      %dma_start3A_67 = tpu.memref_slice %arg19[%add3A_26, %dma_start3A_66] : memref<10112x128xf32, #tpu.memory_space<vmem_shared>> -> memref<64x128xf32, #tpu.memory_space<vmem_shared>>
      tpu.enqueue_dma source(%dma_start3A_67 : memref<64x128xf32, #tpu.memory_space<vmem_shared>>) target(%dma_start3A_65 : memref<64x128xf32, #tpu.memory_space<vmem>>) target_semaphore(%run_scoped3A : memref<!tpu.dma_semaphore, #tpu.memory_space<semaphore_mem>>)
      %dma_wait3A = arith.constant 0 : i32
      %dma_wait3A_68 = arith.constant 0 : i32
      %dma_wait3A_69 = tpu.memref_slice %arg13[%dma_wait3A, %dma_wait3A_68] : memref<64x128xf32, #tpu.memory_space<vmem>> -> memref<64x128xf32, #tpu.memory_space<vmem>>
      %dma_wait3A_70 = arith.constant 0 : i32
      %dma_wait3A_71 = tpu.memref_slice %arg19[%add3A_26, %dma_wait3A_70] : memref<10112x128xf32, #tpu.memory_space<vmem_shared>> -> memref<64x128xf32, #tpu.memory_space<vmem_shared>>
      %dma_wait3A_72 = arith.constant 0 : i32
      %dma_wait3A_73 = arith.constant 0 : i32
      %dma_wait3A_74 = tpu.memref_slice %arg13[%dma_wait3A_72, %dma_wait3A_73] : memref<64x128xf32, #tpu.memory_space<vmem>> -> memref<64x128xf32, #tpu.memory_space<vmem>>
      %dma_wait3A_75 = arith.constant 0 : i32
      %dma_wait3A_76 = tpu.memref_slice %arg19[%add3A_26, %dma_wait3A_75] : memref<10112x128xf32, #tpu.memory_space<vmem_shared>> -> memref<64x128xf32, #tpu.memory_space<vmem_shared>>
      tpu.wait_dma2 semaphore(%run_scoped3A : memref<!tpu.dma_semaphore, #tpu.memory_space<semaphore_mem>>) src(%dma_wait3A_76 : memref<64x128xf32, #tpu.memory_space<vmem_shared>>) dst(%dma_wait3A_74 : memref<64x128xf32, #tpu.memory_space<vmem>>)
      tpu.yield
    }) : () -> ()
    "tpu.region"() ({
      %run_scoped3A = tpu.sem_alloc : memref<!tpu.dma_semaphore, #tpu.memory_space<semaphore_mem>>
      %dma_start3A = arith.constant 0 : i32
      %dma_start3A_59 = arith.constant 0 : i32
      %dma_start3A_60 = tpu.memref_slice %arg13[%dma_start3A, %dma_start3A_59] : memref<64x128xf32, #tpu.memory_space<vmem>> -> memref<64x128xf32, #tpu.memory_space<vmem>>
      %dma_start3A_61 = arith.constant 0 : i32
      %dma_start3A_62 = tpu.memref_slice %arg9[%arg0, %add3A_26, %dma_start3A_61] : memref<2x10112x128xf32, #tpu.memory_space<hbm>> -> memref<1x64x128xf32, #tpu.memory_space<hbm>>
      %dma_start3A_63 = tpu.memref_squeeze %dma_start3A_62 : memref<1x64x128xf32, #tpu.memory_space<hbm>> -> memref<64x128xf32, #tpu.memory_space<hbm>>
      %dma_start3A_64 = arith.constant 0 : i32
      %dma_start3A_65 = tpu.memref_slice %arg9[%arg0, %add3A_26, %dma_start3A_64] : memref<2x10112x128xf32, #tpu.memory_space<hbm>> -> memref<1x64x128xf32, #tpu.memory_space<hbm>>
      %dma_start3A_66 = tpu.memref_squeeze %dma_start3A_65 : memref<1x64x128xf32, #tpu.memory_space<hbm>> -> memref<64x128xf32, #tpu.memory_space<hbm>>
      %dma_start3A_67 = arith.constant 0 : i32
      %dma_start3A_68 = arith.constant 0 : i32
      %dma_start3A_69 = tpu.memref_slice %arg13[%dma_start3A_67, %dma_start3A_68] : memref<64x128xf32, #tpu.memory_space<vmem>> -> memref<64x128xf32, #tpu.memory_space<vmem>>
      tpu.enqueue_dma source(%dma_start3A_69 : memref<64x128xf32, #tpu.memory_space<vmem>>) target(%dma_start3A_66 : memref<64x128xf32, #tpu.memory_space<hbm>>) target_semaphore(%run_scoped3A : memref<!tpu.dma_semaphore, #tpu.memory_space<semaphore_mem>>)
      %dma_wait3A = arith.constant 0 : i32
      %dma_wait3A_70 = arith.constant 0 : i32
      %dma_wait3A_71 = tpu.memref_slice %arg13[%dma_wait3A, %dma_wait3A_70] : memref<64x128xf32, #tpu.memory_space<vmem>> -> memref<64x128xf32, #tpu.memory_space<vmem>>
      %dma_wait3A_72 = arith.constant 0 : i32
      %dma_wait3A_73 = tpu.memref_slice %arg9[%arg0, %add3A_26, %dma_wait3A_72] : memref<2x10112x128xf32, #tpu.memory_space<hbm>> -> memref<1x64x128xf32, #tpu.memory_space<hbm>>
      %dma_wait3A_74 = tpu.memref_squeeze %dma_wait3A_73 : memref<1x64x128xf32, #tpu.memory_space<hbm>> -> memref<64x128xf32, #tpu.memory_space<hbm>>
      %dma_wait3A_75 = arith.constant 0 : i32
      %dma_wait3A_76 = tpu.memref_slice %arg9[%arg0, %add3A_26, %dma_wait3A_75] : memref<2x10112x128xf32, #tpu.memory_space<hbm>> -> memref<1x64x128xf32, #tpu.memory_space<hbm>>
      %dma_wait3A_77 = tpu.memref_squeeze %dma_wait3A_76 : memref<1x64x128xf32, #tpu.memory_space<hbm>> -> memref<64x128xf32, #tpu.memory_space<hbm>>
      %dma_wait3A_78 = arith.constant 0 : i32
      %dma_wait3A_79 = arith.constant 0 : i32
      %dma_wait3A_80 = tpu.memref_slice %arg13[%dma_wait3A_78, %dma_wait3A_79] : memref<64x128xf32, #tpu.memory_space<vmem>> -> memref<64x128xf32, #tpu.memory_space<vmem>>
      tpu.wait_dma2 semaphore(%run_scoped3A : memref<!tpu.dma_semaphore, #tpu.memory_space<semaphore_mem>>) src(%dma_wait3A_80 : memref<64x128xf32, #tpu.memory_space<vmem>>) dst(%dma_wait3A_77 : memref<64x128xf32, #tpu.memory_space<hbm>>)
      tpu.yield
    }) : () -> ()
    %mul3A_27 = arith.constant 632 : i32
    %mul3A_28 = arith.muli %arg1, %mul3A_27 : i32
    %add3A_29 = arith.constant 128 : i32
    %add3A_30 = arith.addi %mul3A_28, %add3A_29 : i32
    "tpu.region"() ({
      %run_scoped3A = tpu.sem_alloc : memref<!tpu.dma_semaphore, #tpu.memory_space<semaphore_mem>>
      %dma_start3A = arith.constant 0 : i32
      %dma_start3A_59 = arith.constant 0 : i32
      %dma_start3A_60 = tpu.memref_slice %arg13[%dma_start3A, %dma_start3A_59] : memref<64x128xf32, #tpu.memory_space<vmem>> -> memref<64x128xf32, #tpu.memory_space<vmem>>
      %dma_start3A_61 = arith.constant 0 : i32
      %dma_start3A_62 = tpu.memref_slice %arg19[%add3A_30, %dma_start3A_61] : memref<10112x128xf32, #tpu.memory_space<vmem_shared>> -> memref<64x128xf32, #tpu.memory_space<vmem_shared>>
      %dma_start3A_63 = arith.constant 0 : i32
      %dma_start3A_64 = arith.constant 0 : i32
      %dma_start3A_65 = tpu.memref_slice %arg13[%dma_start3A_63, %dma_start3A_64] : memref<64x128xf32, #tpu.memory_space<vmem>> -> memref<64x128xf32, #tpu.memory_space<vmem>>
      %dma_start3A_66 = arith.constant 0 : i32
      %dma_start3A_67 = tpu.memref_slice %arg19[%add3A_30, %dma_start3A_66] : memref<10112x128xf32, #tpu.memory_space<vmem_shared>> -> memref<64x128xf32, #tpu.memory_space<vmem_shared>>
      tpu.enqueue_dma source(%dma_start3A_67 : memref<64x128xf32, #tpu.memory_space<vmem_shared>>) target(%dma_start3A_65 : memref<64x128xf32, #tpu.memory_space<vmem>>) target_semaphore(%run_scoped3A : memref<!tpu.dma_semaphore, #tpu.memory_space<semaphore_mem>>)
      %dma_wait3A = arith.constant 0 : i32
      %dma_wait3A_68 = arith.constant 0 : i32
      %dma_wait3A_69 = tpu.memref_slice %arg13[%dma_wait3A, %dma_wait3A_68] : memref<64x128xf32, #tpu.memory_space<vmem>> -> memref<64x128xf32, #tpu.memory_space<vmem>>
      %dma_wait3A_70 = arith.constant 0 : i32
      %dma_wait3A_71 = tpu.memref_slice %arg19[%add3A_30, %dma_wait3A_70] : memref<10112x128xf32, #tpu.memory_space<vmem_shared>> -> memref<64x128xf32, #tpu.memory_space<vmem_shared>>
      %dma_wait3A_72 = arith.constant 0 : i32
      %dma_wait3A_73 = arith.constant 0 : i32
      %dma_wait3A_74 = tpu.memref_slice %arg13[%dma_wait3A_72, %dma_wait3A_73] : memref<64x128xf32, #tpu.memory_space<vmem>> -> memref<64x128xf32, #tpu.memory_space<vmem>>
      %dma_wait3A_75 = arith.constant 0 : i32
      %dma_wait3A_76 = tpu.memref_slice %arg19[%add3A_30, %dma_wait3A_75] : memref<10112x128xf32, #tpu.memory_space<vmem_shared>> -> memref<64x128xf32, #tpu.memory_space<vmem_shared>>
      tpu.wait_dma2 semaphore(%run_scoped3A : memref<!tpu.dma_semaphore, #tpu.memory_space<semaphore_mem>>) src(%dma_wait3A_76 : memref<64x128xf32, #tpu.memory_space<vmem_shared>>) dst(%dma_wait3A_74 : memref<64x128xf32, #tpu.memory_space<vmem>>)
      tpu.yield
    }) : () -> ()
    "tpu.region"() ({
      %run_scoped3A = tpu.sem_alloc : memref<!tpu.dma_semaphore, #tpu.memory_space<semaphore_mem>>
      %dma_start3A = arith.constant 0 : i32
      %dma_start3A_59 = arith.constant 0 : i32
      %dma_start3A_60 = tpu.memref_slice %arg13[%dma_start3A, %dma_start3A_59] : memref<64x128xf32, #tpu.memory_space<vmem>> -> memref<64x128xf32, #tpu.memory_space<vmem>>
      %dma_start3A_61 = arith.constant 0 : i32
      %dma_start3A_62 = tpu.memref_slice %arg9[%arg0, %add3A_30, %dma_start3A_61] : memref<2x10112x128xf32, #tpu.memory_space<hbm>> -> memref<1x64x128xf32, #tpu.memory_space<hbm>>
      %dma_start3A_63 = tpu.memref_squeeze %dma_start3A_62 : memref<1x64x128xf32, #tpu.memory_space<hbm>> -> memref<64x128xf32, #tpu.memory_space<hbm>>
      %dma_start3A_64 = arith.constant 0 : i32
      %dma_start3A_65 = tpu.memref_slice %arg9[%arg0, %add3A_30, %dma_start3A_64] : memref<2x10112x128xf32, #tpu.memory_space<hbm>> -> memref<1x64x128xf32, #tpu.memory_space<hbm>>
      %dma_start3A_66 = tpu.memref_squeeze %dma_start3A_65 : memref<1x64x128xf32, #tpu.memory_space<hbm>> -> memref<64x128xf32, #tpu.memory_space<hbm>>
      %dma_start3A_67 = arith.constant 0 : i32
      %dma_start3A_68 = arith.constant 0 : i32
      %dma_start3A_69 = tpu.memref_slice %arg13[%dma_start3A_67, %dma_start3A_68] : memref<64x128xf32, #tpu.memory_space<vmem>> -> memref<64x128xf32, #tpu.memory_space<vmem>>
      tpu.enqueue_dma source(%dma_start3A_69 : memref<64x128xf32, #tpu.memory_space<vmem>>) target(%dma_start3A_66 : memref<64x128xf32, #tpu.memory_space<hbm>>) target_semaphore(%run_scoped3A : memref<!tpu.dma_semaphore, #tpu.memory_space<semaphore_mem>>)
      %dma_wait3A = arith.constant 0 : i32
      %dma_wait3A_70 = arith.constant 0 : i32
      %dma_wait3A_71 = tpu.memref_slice %arg13[%dma_wait3A, %dma_wait3A_70] : memref<64x128xf32, #tpu.memory_space<vmem>> -> memref<64x128xf32, #tpu.memory_space<vmem>>
      %dma_wait3A_72 = arith.constant 0 : i32
      %dma_wait3A_73 = tpu.memref_slice %arg9[%arg0, %add3A_30, %dma_wait3A_72] : memref<2x10112x128xf32, #tpu.memory_space<hbm>> -> memref<1x64x128xf32, #tpu.memory_space<hbm>>
      %dma_wait3A_74 = tpu.memref_squeeze %dma_wait3A_73 : memref<1x64x128xf32, #tpu.memory_space<hbm>> -> memref<64x128xf32, #tpu.memory_space<hbm>>
      %dma_wait3A_75 = arith.constant 0 : i32
      %dma_wait3A_76 = tpu.memref_slice %arg9[%arg0, %add3A_30, %dma_wait3A_75] : memref<2x10112x128xf32, #tpu.memory_space<hbm>> -> memref<1x64x128xf32, #tpu.memory_space<hbm>>
      %dma_wait3A_77 = tpu.memref_squeeze %dma_wait3A_76 : memref<1x64x128xf32, #tpu.memory_space<hbm>> -> memref<64x128xf32, #tpu.memory_space<hbm>>
      %dma_wait3A_78 = arith.constant 0 : i32
      %dma_wait3A_79 = arith.constant 0 : i32
      %dma_wait3A_80 = tpu.memref_slice %arg13[%dma_wait3A_78, %dma_wait3A_79] : memref<64x128xf32, #tpu.memory_space<vmem>> -> memref<64x128xf32, #tpu.memory_space<vmem>>
      tpu.wait_dma2 semaphore(%run_scoped3A : memref<!tpu.dma_semaphore, #tpu.memory_space<semaphore_mem>>) src(%dma_wait3A_80 : memref<64x128xf32, #tpu.memory_space<vmem>>) dst(%dma_wait3A_77 : memref<64x128xf32, #tpu.memory_space<hbm>>)
      tpu.yield
    }) : () -> ()
    %mul3A_31 = arith.constant 632 : i32
    %mul3A_32 = arith.muli %arg1, %mul3A_31 : i32
    %add3A_33 = arith.constant 192 : i32
    %add3A_34 = arith.addi %mul3A_32, %add3A_33 : i32
    "tpu.region"() ({
      %run_scoped3A = tpu.sem_alloc : memref<!tpu.dma_semaphore, #tpu.memory_space<semaphore_mem>>
      %dma_start3A = arith.constant 0 : i32
      %dma_start3A_59 = arith.constant 0 : i32
      %dma_start3A_60 = tpu.memref_slice %arg13[%dma_start3A, %dma_start3A_59] : memref<64x128xf32, #tpu.memory_space<vmem>> -> memref<64x128xf32, #tpu.memory_space<vmem>>
      %dma_start3A_61 = arith.constant 0 : i32
      %dma_start3A_62 = tpu.memref_slice %arg19[%add3A_34, %dma_start3A_61] : memref<10112x128xf32, #tpu.memory_space<vmem_shared>> -> memref<64x128xf32, #tpu.memory_space<vmem_shared>>
      %dma_start3A_63 = arith.constant 0 : i32
      %dma_start3A_64 = arith.constant 0 : i32
      %dma_start3A_65 = tpu.memref_slice %arg13[%dma_start3A_63, %dma_start3A_64] : memref<64x128xf32, #tpu.memory_space<vmem>> -> memref<64x128xf32, #tpu.memory_space<vmem>>
      %dma_start3A_66 = arith.constant 0 : i32
      %dma_start3A_67 = tpu.memref_slice %arg19[%add3A_34, %dma_start3A_66] : memref<10112x128xf32, #tpu.memory_space<vmem_shared>> -> memref<64x128xf32, #tpu.memory_space<vmem_shared>>
      tpu.enqueue_dma source(%dma_start3A_67 : memref<64x128xf32, #tpu.memory_space<vmem_shared>>) target(%dma_start3A_65 : memref<64x128xf32, #tpu.memory_space<vmem>>) target_semaphore(%run_scoped3A : memref<!tpu.dma_semaphore, #tpu.memory_space<semaphore_mem>>)
      %dma_wait3A = arith.constant 0 : i32
      %dma_wait3A_68 = arith.constant 0 : i32
      %dma_wait3A_69 = tpu.memref_slice %arg13[%dma_wait3A, %dma_wait3A_68] : memref<64x128xf32, #tpu.memory_space<vmem>> -> memref<64x128xf32, #tpu.memory_space<vmem>>
      %dma_wait3A_70 = arith.constant 0 : i32
      %dma_wait3A_71 = tpu.memref_slice %arg19[%add3A_34, %dma_wait3A_70] : memref<10112x128xf32, #tpu.memory_space<vmem_shared>> -> memref<64x128xf32, #tpu.memory_space<vmem_shared>>
      %dma_wait3A_72 = arith.constant 0 : i32
      %dma_wait3A_73 = arith.constant 0 : i32
      %dma_wait3A_74 = tpu.memref_slice %arg13[%dma_wait3A_72, %dma_wait3A_73] : memref<64x128xf32, #tpu.memory_space<vmem>> -> memref<64x128xf32, #tpu.memory_space<vmem>>
      %dma_wait3A_75 = arith.constant 0 : i32
      %dma_wait3A_76 = tpu.memref_slice %arg19[%add3A_34, %dma_wait3A_75] : memref<10112x128xf32, #tpu.memory_space<vmem_shared>> -> memref<64x128xf32, #tpu.memory_space<vmem_shared>>
      tpu.wait_dma2 semaphore(%run_scoped3A : memref<!tpu.dma_semaphore, #tpu.memory_space<semaphore_mem>>) src(%dma_wait3A_76 : memref<64x128xf32, #tpu.memory_space<vmem_shared>>) dst(%dma_wait3A_74 : memref<64x128xf32, #tpu.memory_space<vmem>>)
      tpu.yield
    }) : () -> ()
    "tpu.region"() ({
      %run_scoped3A = tpu.sem_alloc : memref<!tpu.dma_semaphore, #tpu.memory_space<semaphore_mem>>
      %dma_start3A = arith.constant 0 : i32
      %dma_start3A_59 = arith.constant 0 : i32
      %dma_start3A_60 = tpu.memref_slice %arg13[%dma_start3A, %dma_start3A_59] : memref<64x128xf32, #tpu.memory_space<vmem>> -> memref<64x128xf32, #tpu.memory_space<vmem>>
      %dma_start3A_61 = arith.constant 0 : i32
      %dma_start3A_62 = tpu.memref_slice %arg9[%arg0, %add3A_34, %dma_start3A_61] : memref<2x10112x128xf32, #tpu.memory_space<hbm>> -> memref<1x64x128xf32, #tpu.memory_space<hbm>>
      %dma_start3A_63 = tpu.memref_squeeze %dma_start3A_62 : memref<1x64x128xf32, #tpu.memory_space<hbm>> -> memref<64x128xf32, #tpu.memory_space<hbm>>
      %dma_start3A_64 = arith.constant 0 : i32
      %dma_start3A_65 = tpu.memref_slice %arg9[%arg0, %add3A_34, %dma_start3A_64] : memref<2x10112x128xf32, #tpu.memory_space<hbm>> -> memref<1x64x128xf32, #tpu.memory_space<hbm>>
      %dma_start3A_66 = tpu.memref_squeeze %dma_start3A_65 : memref<1x64x128xf32, #tpu.memory_space<hbm>> -> memref<64x128xf32, #tpu.memory_space<hbm>>
      %dma_start3A_67 = arith.constant 0 : i32
      %dma_start3A_68 = arith.constant 0 : i32
      %dma_start3A_69 = tpu.memref_slice %arg13[%dma_start3A_67, %dma_start3A_68] : memref<64x128xf32, #tpu.memory_space<vmem>> -> memref<64x128xf32, #tpu.memory_space<vmem>>
      tpu.enqueue_dma source(%dma_start3A_69 : memref<64x128xf32, #tpu.memory_space<vmem>>) target(%dma_start3A_66 : memref<64x128xf32, #tpu.memory_space<hbm>>) target_semaphore(%run_scoped3A : memref<!tpu.dma_semaphore, #tpu.memory_space<semaphore_mem>>)
      %dma_wait3A = arith.constant 0 : i32
      %dma_wait3A_70 = arith.constant 0 : i32
      %dma_wait3A_71 = tpu.memref_slice %arg13[%dma_wait3A, %dma_wait3A_70] : memref<64x128xf32, #tpu.memory_space<vmem>> -> memref<64x128xf32, #tpu.memory_space<vmem>>
      %dma_wait3A_72 = arith.constant 0 : i32
      %dma_wait3A_73 = tpu.memref_slice %arg9[%arg0, %add3A_34, %dma_wait3A_72] : memref<2x10112x128xf32, #tpu.memory_space<hbm>> -> memref<1x64x128xf32, #tpu.memory_space<hbm>>
      %dma_wait3A_74 = tpu.memref_squeeze %dma_wait3A_73 : memref<1x64x128xf32, #tpu.memory_space<hbm>> -> memref<64x128xf32, #tpu.memory_space<hbm>>
      %dma_wait3A_75 = arith.constant 0 : i32
      %dma_wait3A_76 = tpu.memref_slice %arg9[%arg0, %add3A_34, %dma_wait3A_75] : memref<2x10112x128xf32, #tpu.memory_space<hbm>> -> memref<1x64x128xf32, #tpu.memory_space<hbm>>
      %dma_wait3A_77 = tpu.memref_squeeze %dma_wait3A_76 : memref<1x64x128xf32, #tpu.memory_space<hbm>> -> memref<64x128xf32, #tpu.memory_space<hbm>>
      %dma_wait3A_78 = arith.constant 0 : i32
      %dma_wait3A_79 = arith.constant 0 : i32
      %dma_wait3A_80 = tpu.memref_slice %arg13[%dma_wait3A_78, %dma_wait3A_79] : memref<64x128xf32, #tpu.memory_space<vmem>> -> memref<64x128xf32, #tpu.memory_space<vmem>>
      tpu.wait_dma2 semaphore(%run_scoped3A : memref<!tpu.dma_semaphore, #tpu.memory_space<semaphore_mem>>) src(%dma_wait3A_80 : memref<64x128xf32, #tpu.memory_space<vmem>>) dst(%dma_wait3A_77 : memref<64x128xf32, #tpu.memory_space<hbm>>)
      tpu.yield
    }) : () -> ()
    %mul3A_35 = arith.constant 632 : i32
    %mul3A_36 = arith.muli %arg1, %mul3A_35 : i32
    %add3A_37 = arith.constant 256 : i32
    %add3A_38 = arith.addi %mul3A_36, %add3A_37 : i32
    "tpu.region"() ({
      %run_scoped3A = tpu.sem_alloc : memref<!tpu.dma_semaphore, #tpu.memory_space<semaphore_mem>>
      %dma_start3A = arith.constant 0 : i32
      %dma_start3A_59 = arith.constant 0 : i32
      %dma_start3A_60 = tpu.memref_slice %arg13[%dma_start3A, %dma_start3A_59] : memref<64x128xf32, #tpu.memory_space<vmem>> -> memref<64x128xf32, #tpu.memory_space<vmem>>
      %dma_start3A_61 = arith.constant 0 : i32
      %dma_start3A_62 = tpu.memref_slice %arg19[%add3A_38, %dma_start3A_61] : memref<10112x128xf32, #tpu.memory_space<vmem_shared>> -> memref<64x128xf32, #tpu.memory_space<vmem_shared>>
      %dma_start3A_63 = arith.constant 0 : i32
      %dma_start3A_64 = arith.constant 0 : i32
      %dma_start3A_65 = tpu.memref_slice %arg13[%dma_start3A_63, %dma_start3A_64] : memref<64x128xf32, #tpu.memory_space<vmem>> -> memref<64x128xf32, #tpu.memory_space<vmem>>
      %dma_start3A_66 = arith.constant 0 : i32
      %dma_start3A_67 = tpu.memref_slice %arg19[%add3A_38, %dma_start3A_66] : memref<10112x128xf32, #tpu.memory_space<vmem_shared>> -> memref<64x128xf32, #tpu.memory_space<vmem_shared>>
      tpu.enqueue_dma source(%dma_start3A_67 : memref<64x128xf32, #tpu.memory_space<vmem_shared>>) target(%dma_start3A_65 : memref<64x128xf32, #tpu.memory_space<vmem>>) target_semaphore(%run_scoped3A : memref<!tpu.dma_semaphore, #tpu.memory_space<semaphore_mem>>)
      %dma_wait3A = arith.constant 0 : i32
      %dma_wait3A_68 = arith.constant 0 : i32
      %dma_wait3A_69 = tpu.memref_slice %arg13[%dma_wait3A, %dma_wait3A_68] : memref<64x128xf32, #tpu.memory_space<vmem>> -> memref<64x128xf32, #tpu.memory_space<vmem>>
      %dma_wait3A_70 = arith.constant 0 : i32
      %dma_wait3A_71 = tpu.memref_slice %arg19[%add3A_38, %dma_wait3A_70] : memref<10112x128xf32, #tpu.memory_space<vmem_shared>> -> memref<64x128xf32, #tpu.memory_space<vmem_shared>>
      %dma_wait3A_72 = arith.constant 0 : i32
      %dma_wait3A_73 = arith.constant 0 : i32
      %dma_wait3A_74 = tpu.memref_slice %arg13[%dma_wait3A_72, %dma_wait3A_73] : memref<64x128xf32, #tpu.memory_space<vmem>> -> memref<64x128xf32, #tpu.memory_space<vmem>>
      %dma_wait3A_75 = arith.constant 0 : i32
      %dma_wait3A_76 = tpu.memref_slice %arg19[%add3A_38, %dma_wait3A_75] : memref<10112x128xf32, #tpu.memory_space<vmem_shared>> -> memref<64x128xf32, #tpu.memory_space<vmem_shared>>
      tpu.wait_dma2 semaphore(%run_scoped3A : memref<!tpu.dma_semaphore, #tpu.memory_space<semaphore_mem>>) src(%dma_wait3A_76 : memref<64x128xf32, #tpu.memory_space<vmem_shared>>) dst(%dma_wait3A_74 : memref<64x128xf32, #tpu.memory_space<vmem>>)
      tpu.yield
    }) : () -> ()
    "tpu.region"() ({
      %run_scoped3A = tpu.sem_alloc : memref<!tpu.dma_semaphore, #tpu.memory_space<semaphore_mem>>
      %dma_start3A = arith.constant 0 : i32
      %dma_start3A_59 = arith.constant 0 : i32
      %dma_start3A_60 = tpu.memref_slice %arg13[%dma_start3A, %dma_start3A_59] : memref<64x128xf32, #tpu.memory_space<vmem>> -> memref<64x128xf32, #tpu.memory_space<vmem>>
      %dma_start3A_61 = arith.constant 0 : i32
      %dma_start3A_62 = tpu.memref_slice %arg9[%arg0, %add3A_38, %dma_start3A_61] : memref<2x10112x128xf32, #tpu.memory_space<hbm>> -> memref<1x64x128xf32, #tpu.memory_space<hbm>>
      %dma_start3A_63 = tpu.memref_squeeze %dma_start3A_62 : memref<1x64x128xf32, #tpu.memory_space<hbm>> -> memref<64x128xf32, #tpu.memory_space<hbm>>
      %dma_start3A_64 = arith.constant 0 : i32
      %dma_start3A_65 = tpu.memref_slice %arg9[%arg0, %add3A_38, %dma_start3A_64] : memref<2x10112x128xf32, #tpu.memory_space<hbm>> -> memref<1x64x128xf32, #tpu.memory_space<hbm>>
      %dma_start3A_66 = tpu.memref_squeeze %dma_start3A_65 : memref<1x64x128xf32, #tpu.memory_space<hbm>> -> memref<64x128xf32, #tpu.memory_space<hbm>>
      %dma_start3A_67 = arith.constant 0 : i32
      %dma_start3A_68 = arith.constant 0 : i32
      %dma_start3A_69 = tpu.memref_slice %arg13[%dma_start3A_67, %dma_start3A_68] : memref<64x128xf32, #tpu.memory_space<vmem>> -> memref<64x128xf32, #tpu.memory_space<vmem>>
      tpu.enqueue_dma source(%dma_start3A_69 : memref<64x128xf32, #tpu.memory_space<vmem>>) target(%dma_start3A_66 : memref<64x128xf32, #tpu.memory_space<hbm>>) target_semaphore(%run_scoped3A : memref<!tpu.dma_semaphore, #tpu.memory_space<semaphore_mem>>)
      %dma_wait3A = arith.constant 0 : i32
      %dma_wait3A_70 = arith.constant 0 : i32
      %dma_wait3A_71 = tpu.memref_slice %arg13[%dma_wait3A, %dma_wait3A_70] : memref<64x128xf32, #tpu.memory_space<vmem>> -> memref<64x128xf32, #tpu.memory_space<vmem>>
      %dma_wait3A_72 = arith.constant 0 : i32
      %dma_wait3A_73 = tpu.memref_slice %arg9[%arg0, %add3A_38, %dma_wait3A_72] : memref<2x10112x128xf32, #tpu.memory_space<hbm>> -> memref<1x64x128xf32, #tpu.memory_space<hbm>>
      %dma_wait3A_74 = tpu.memref_squeeze %dma_wait3A_73 : memref<1x64x128xf32, #tpu.memory_space<hbm>> -> memref<64x128xf32, #tpu.memory_space<hbm>>
      %dma_wait3A_75 = arith.constant 0 : i32
      %dma_wait3A_76 = tpu.memref_slice %arg9[%arg0, %add3A_38, %dma_wait3A_75] : memref<2x10112x128xf32, #tpu.memory_space<hbm>> -> memref<1x64x128xf32, #tpu.memory_space<hbm>>
      %dma_wait3A_77 = tpu.memref_squeeze %dma_wait3A_76 : memref<1x64x128xf32, #tpu.memory_space<hbm>> -> memref<64x128xf32, #tpu.memory_space<hbm>>
      %dma_wait3A_78 = arith.constant 0 : i32
      %dma_wait3A_79 = arith.constant 0 : i32
      %dma_wait3A_80 = tpu.memref_slice %arg13[%dma_wait3A_78, %dma_wait3A_79] : memref<64x128xf32, #tpu.memory_space<vmem>> -> memref<64x128xf32, #tpu.memory_space<vmem>>
      tpu.wait_dma2 semaphore(%run_scoped3A : memref<!tpu.dma_semaphore, #tpu.memory_space<semaphore_mem>>) src(%dma_wait3A_80 : memref<64x128xf32, #tpu.memory_space<vmem>>) dst(%dma_wait3A_77 : memref<64x128xf32, #tpu.memory_space<hbm>>)
      tpu.yield
    }) : () -> ()
    %mul3A_39 = arith.constant 632 : i32
    %mul3A_40 = arith.muli %arg1, %mul3A_39 : i32
    %add3A_41 = arith.constant 320 : i32
    %add3A_42 = arith.addi %mul3A_40, %add3A_41 : i32
    "tpu.region"() ({
      %run_scoped3A = tpu.sem_alloc : memref<!tpu.dma_semaphore, #tpu.memory_space<semaphore_mem>>
      %dma_start3A = arith.constant 0 : i32
      %dma_start3A_59 = arith.constant 0 : i32
      %dma_start3A_60 = tpu.memref_slice %arg13[%dma_start3A, %dma_start3A_59] : memref<64x128xf32, #tpu.memory_space<vmem>> -> memref<64x128xf32, #tpu.memory_space<vmem>>
      %dma_start3A_61 = arith.constant 0 : i32
      %dma_start3A_62 = tpu.memref_slice %arg19[%add3A_42, %dma_start3A_61] : memref<10112x128xf32, #tpu.memory_space<vmem_shared>> -> memref<64x128xf32, #tpu.memory_space<vmem_shared>>
      %dma_start3A_63 = arith.constant 0 : i32
      %dma_start3A_64 = arith.constant 0 : i32
      %dma_start3A_65 = tpu.memref_slice %arg13[%dma_start3A_63, %dma_start3A_64] : memref<64x128xf32, #tpu.memory_space<vmem>> -> memref<64x128xf32, #tpu.memory_space<vmem>>
      %dma_start3A_66 = arith.constant 0 : i32
      %dma_start3A_67 = tpu.memref_slice %arg19[%add3A_42, %dma_start3A_66] : memref<10112x128xf32, #tpu.memory_space<vmem_shared>> -> memref<64x128xf32, #tpu.memory_space<vmem_shared>>
      tpu.enqueue_dma source(%dma_start3A_67 : memref<64x128xf32, #tpu.memory_space<vmem_shared>>) target(%dma_start3A_65 : memref<64x128xf32, #tpu.memory_space<vmem>>) target_semaphore(%run_scoped3A : memref<!tpu.dma_semaphore, #tpu.memory_space<semaphore_mem>>)
      %dma_wait3A = arith.constant 0 : i32
      %dma_wait3A_68 = arith.constant 0 : i32
      %dma_wait3A_69 = tpu.memref_slice %arg13[%dma_wait3A, %dma_wait3A_68] : memref<64x128xf32, #tpu.memory_space<vmem>> -> memref<64x128xf32, #tpu.memory_space<vmem>>
      %dma_wait3A_70 = arith.constant 0 : i32
      %dma_wait3A_71 = tpu.memref_slice %arg19[%add3A_42, %dma_wait3A_70] : memref<10112x128xf32, #tpu.memory_space<vmem_shared>> -> memref<64x128xf32, #tpu.memory_space<vmem_shared>>
      %dma_wait3A_72 = arith.constant 0 : i32
      %dma_wait3A_73 = arith.constant 0 : i32
      %dma_wait3A_74 = tpu.memref_slice %arg13[%dma_wait3A_72, %dma_wait3A_73] : memref<64x128xf32, #tpu.memory_space<vmem>> -> memref<64x128xf32, #tpu.memory_space<vmem>>
      %dma_wait3A_75 = arith.constant 0 : i32
      %dma_wait3A_76 = tpu.memref_slice %arg19[%add3A_42, %dma_wait3A_75] : memref<10112x128xf32, #tpu.memory_space<vmem_shared>> -> memref<64x128xf32, #tpu.memory_space<vmem_shared>>
      tpu.wait_dma2 semaphore(%run_scoped3A : memref<!tpu.dma_semaphore, #tpu.memory_space<semaphore_mem>>) src(%dma_wait3A_76 : memref<64x128xf32, #tpu.memory_space<vmem_shared>>) dst(%dma_wait3A_74 : memref<64x128xf32, #tpu.memory_space<vmem>>)
      tpu.yield
    }) : () -> ()
    "tpu.region"() ({
      %run_scoped3A = tpu.sem_alloc : memref<!tpu.dma_semaphore, #tpu.memory_space<semaphore_mem>>
      %dma_start3A = arith.constant 0 : i32
      %dma_start3A_59 = arith.constant 0 : i32
      %dma_start3A_60 = tpu.memref_slice %arg13[%dma_start3A, %dma_start3A_59] : memref<64x128xf32, #tpu.memory_space<vmem>> -> memref<64x128xf32, #tpu.memory_space<vmem>>
      %dma_start3A_61 = arith.constant 0 : i32
      %dma_start3A_62 = tpu.memref_slice %arg9[%arg0, %add3A_42, %dma_start3A_61] : memref<2x10112x128xf32, #tpu.memory_space<hbm>> -> memref<1x64x128xf32, #tpu.memory_space<hbm>>
      %dma_start3A_63 = tpu.memref_squeeze %dma_start3A_62 : memref<1x64x128xf32, #tpu.memory_space<hbm>> -> memref<64x128xf32, #tpu.memory_space<hbm>>
      %dma_start3A_64 = arith.constant 0 : i32
      %dma_start3A_65 = tpu.memref_slice %arg9[%arg0, %add3A_42, %dma_start3A_64] : memref<2x10112x128xf32, #tpu.memory_space<hbm>> -> memref<1x64x128xf32, #tpu.memory_space<hbm>>
      %dma_start3A_66 = tpu.memref_squeeze %dma_start3A_65 : memref<1x64x128xf32, #tpu.memory_space<hbm>> -> memref<64x128xf32, #tpu.memory_space<hbm>>
      %dma_start3A_67 = arith.constant 0 : i32
      %dma_start3A_68 = arith.constant 0 : i32
      %dma_start3A_69 = tpu.memref_slice %arg13[%dma_start3A_67, %dma_start3A_68] : memref<64x128xf32, #tpu.memory_space<vmem>> -> memref<64x128xf32, #tpu.memory_space<vmem>>
      tpu.enqueue_dma source(%dma_start3A_69 : memref<64x128xf32, #tpu.memory_space<vmem>>) target(%dma_start3A_66 : memref<64x128xf32, #tpu.memory_space<hbm>>) target_semaphore(%run_scoped3A : memref<!tpu.dma_semaphore, #tpu.memory_space<semaphore_mem>>)
      %dma_wait3A = arith.constant 0 : i32
      %dma_wait3A_70 = arith.constant 0 : i32
      %dma_wait3A_71 = tpu.memref_slice %arg13[%dma_wait3A, %dma_wait3A_70] : memref<64x128xf32, #tpu.memory_space<vmem>> -> memref<64x128xf32, #tpu.memory_space<vmem>>
      %dma_wait3A_72 = arith.constant 0 : i32
      %dma_wait3A_73 = tpu.memref_slice %arg9[%arg0, %add3A_42, %dma_wait3A_72] : memref<2x10112x128xf32, #tpu.memory_space<hbm>> -> memref<1x64x128xf32, #tpu.memory_space<hbm>>
      %dma_wait3A_74 = tpu.memref_squeeze %dma_wait3A_73 : memref<1x64x128xf32, #tpu.memory_space<hbm>> -> memref<64x128xf32, #tpu.memory_space<hbm>>
      %dma_wait3A_75 = arith.constant 0 : i32
      %dma_wait3A_76 = tpu.memref_slice %arg9[%arg0, %add3A_42, %dma_wait3A_75] : memref<2x10112x128xf32, #tpu.memory_space<hbm>> -> memref<1x64x128xf32, #tpu.memory_space<hbm>>
      %dma_wait3A_77 = tpu.memref_squeeze %dma_wait3A_76 : memref<1x64x128xf32, #tpu.memory_space<hbm>> -> memref<64x128xf32, #tpu.memory_space<hbm>>
      %dma_wait3A_78 = arith.constant 0 : i32
      %dma_wait3A_79 = arith.constant 0 : i32
      %dma_wait3A_80 = tpu.memref_slice %arg13[%dma_wait3A_78, %dma_wait3A_79] : memref<64x128xf32, #tpu.memory_space<vmem>> -> memref<64x128xf32, #tpu.memory_space<vmem>>
      tpu.wait_dma2 semaphore(%run_scoped3A : memref<!tpu.dma_semaphore, #tpu.memory_space<semaphore_mem>>) src(%dma_wait3A_80 : memref<64x128xf32, #tpu.memory_space<vmem>>) dst(%dma_wait3A_77 : memref<64x128xf32, #tpu.memory_space<hbm>>)
      tpu.yield
    }) : () -> ()
    %mul3A_43 = arith.constant 632 : i32
    %mul3A_44 = arith.muli %arg1, %mul3A_43 : i32
    %add3A_45 = arith.constant 384 : i32
    %add3A_46 = arith.addi %mul3A_44, %add3A_45 : i32
    "tpu.region"() ({
      %run_scoped3A = tpu.sem_alloc : memref<!tpu.dma_semaphore, #tpu.memory_space<semaphore_mem>>
      %dma_start3A = arith.constant 0 : i32
      %dma_start3A_59 = arith.constant 0 : i32
      %dma_start3A_60 = tpu.memref_slice %arg13[%dma_start3A, %dma_start3A_59] : memref<64x128xf32, #tpu.memory_space<vmem>> -> memref<64x128xf32, #tpu.memory_space<vmem>>
      %dma_start3A_61 = arith.constant 0 : i32
      %dma_start3A_62 = tpu.memref_slice %arg19[%add3A_46, %dma_start3A_61] : memref<10112x128xf32, #tpu.memory_space<vmem_shared>> -> memref<64x128xf32, #tpu.memory_space<vmem_shared>>
      %dma_start3A_63 = arith.constant 0 : i32
      %dma_start3A_64 = arith.constant 0 : i32
      %dma_start3A_65 = tpu.memref_slice %arg13[%dma_start3A_63, %dma_start3A_64] : memref<64x128xf32, #tpu.memory_space<vmem>> -> memref<64x128xf32, #tpu.memory_space<vmem>>
      %dma_start3A_66 = arith.constant 0 : i32
      %dma_start3A_67 = tpu.memref_slice %arg19[%add3A_46, %dma_start3A_66] : memref<10112x128xf32, #tpu.memory_space<vmem_shared>> -> memref<64x128xf32, #tpu.memory_space<vmem_shared>>
      tpu.enqueue_dma source(%dma_start3A_67 : memref<64x128xf32, #tpu.memory_space<vmem_shared>>) target(%dma_start3A_65 : memref<64x128xf32, #tpu.memory_space<vmem>>) target_semaphore(%run_scoped3A : memref<!tpu.dma_semaphore, #tpu.memory_space<semaphore_mem>>)
      %dma_wait3A = arith.constant 0 : i32
      %dma_wait3A_68 = arith.constant 0 : i32
      %dma_wait3A_69 = tpu.memref_slice %arg13[%dma_wait3A, %dma_wait3A_68] : memref<64x128xf32, #tpu.memory_space<vmem>> -> memref<64x128xf32, #tpu.memory_space<vmem>>
      %dma_wait3A_70 = arith.constant 0 : i32
      %dma_wait3A_71 = tpu.memref_slice %arg19[%add3A_46, %dma_wait3A_70] : memref<10112x128xf32, #tpu.memory_space<vmem_shared>> -> memref<64x128xf32, #tpu.memory_space<vmem_shared>>
      %dma_wait3A_72 = arith.constant 0 : i32
      %dma_wait3A_73 = arith.constant 0 : i32
      %dma_wait3A_74 = tpu.memref_slice %arg13[%dma_wait3A_72, %dma_wait3A_73] : memref<64x128xf32, #tpu.memory_space<vmem>> -> memref<64x128xf32, #tpu.memory_space<vmem>>
      %dma_wait3A_75 = arith.constant 0 : i32
      %dma_wait3A_76 = tpu.memref_slice %arg19[%add3A_46, %dma_wait3A_75] : memref<10112x128xf32, #tpu.memory_space<vmem_shared>> -> memref<64x128xf32, #tpu.memory_space<vmem_shared>>
      tpu.wait_dma2 semaphore(%run_scoped3A : memref<!tpu.dma_semaphore, #tpu.memory_space<semaphore_mem>>) src(%dma_wait3A_76 : memref<64x128xf32, #tpu.memory_space<vmem_shared>>) dst(%dma_wait3A_74 : memref<64x128xf32, #tpu.memory_space<vmem>>)
      tpu.yield
    }) : () -> ()
    "tpu.region"() ({
      %run_scoped3A = tpu.sem_alloc : memref<!tpu.dma_semaphore, #tpu.memory_space<semaphore_mem>>
      %dma_start3A = arith.constant 0 : i32
      %dma_start3A_59 = arith.constant 0 : i32
      %dma_start3A_60 = tpu.memref_slice %arg13[%dma_start3A, %dma_start3A_59] : memref<64x128xf32, #tpu.memory_space<vmem>> -> memref<64x128xf32, #tpu.memory_space<vmem>>
      %dma_start3A_61 = arith.constant 0 : i32
      %dma_start3A_62 = tpu.memref_slice %arg9[%arg0, %add3A_46, %dma_start3A_61] : memref<2x10112x128xf32, #tpu.memory_space<hbm>> -> memref<1x64x128xf32, #tpu.memory_space<hbm>>
      %dma_start3A_63 = tpu.memref_squeeze %dma_start3A_62 : memref<1x64x128xf32, #tpu.memory_space<hbm>> -> memref<64x128xf32, #tpu.memory_space<hbm>>
      %dma_start3A_64 = arith.constant 0 : i32
      %dma_start3A_65 = tpu.memref_slice %arg9[%arg0, %add3A_46, %dma_start3A_64] : memref<2x10112x128xf32, #tpu.memory_space<hbm>> -> memref<1x64x128xf32, #tpu.memory_space<hbm>>
      %dma_start3A_66 = tpu.memref_squeeze %dma_start3A_65 : memref<1x64x128xf32, #tpu.memory_space<hbm>> -> memref<64x128xf32, #tpu.memory_space<hbm>>
      %dma_start3A_67 = arith.constant 0 : i32
      %dma_start3A_68 = arith.constant 0 : i32
      %dma_start3A_69 = tpu.memref_slice %arg13[%dma_start3A_67, %dma_start3A_68] : memref<64x128xf32, #tpu.memory_space<vmem>> -> memref<64x128xf32, #tpu.memory_space<vmem>>
      tpu.enqueue_dma source(%dma_start3A_69 : memref<64x128xf32, #tpu.memory_space<vmem>>) target(%dma_start3A_66 : memref<64x128xf32, #tpu.memory_space<hbm>>) target_semaphore(%run_scoped3A : memref<!tpu.dma_semaphore, #tpu.memory_space<semaphore_mem>>)
      %dma_wait3A = arith.constant 0 : i32
      %dma_wait3A_70 = arith.constant 0 : i32
      %dma_wait3A_71 = tpu.memref_slice %arg13[%dma_wait3A, %dma_wait3A_70] : memref<64x128xf32, #tpu.memory_space<vmem>> -> memref<64x128xf32, #tpu.memory_space<vmem>>
      %dma_wait3A_72 = arith.constant 0 : i32
      %dma_wait3A_73 = tpu.memref_slice %arg9[%arg0, %add3A_46, %dma_wait3A_72] : memref<2x10112x128xf32, #tpu.memory_space<hbm>> -> memref<1x64x128xf32, #tpu.memory_space<hbm>>
      %dma_wait3A_74 = tpu.memref_squeeze %dma_wait3A_73 : memref<1x64x128xf32, #tpu.memory_space<hbm>> -> memref<64x128xf32, #tpu.memory_space<hbm>>
      %dma_wait3A_75 = arith.constant 0 : i32
      %dma_wait3A_76 = tpu.memref_slice %arg9[%arg0, %add3A_46, %dma_wait3A_75] : memref<2x10112x128xf32, #tpu.memory_space<hbm>> -> memref<1x64x128xf32, #tpu.memory_space<hbm>>
      %dma_wait3A_77 = tpu.memref_squeeze %dma_wait3A_76 : memref<1x64x128xf32, #tpu.memory_space<hbm>> -> memref<64x128xf32, #tpu.memory_space<hbm>>
      %dma_wait3A_78 = arith.constant 0 : i32
      %dma_wait3A_79 = arith.constant 0 : i32
      %dma_wait3A_80 = tpu.memref_slice %arg13[%dma_wait3A_78, %dma_wait3A_79] : memref<64x128xf32, #tpu.memory_space<vmem>> -> memref<64x128xf32, #tpu.memory_space<vmem>>
      tpu.wait_dma2 semaphore(%run_scoped3A : memref<!tpu.dma_semaphore, #tpu.memory_space<semaphore_mem>>) src(%dma_wait3A_80 : memref<64x128xf32, #tpu.memory_space<vmem>>) dst(%dma_wait3A_77 : memref<64x128xf32, #tpu.memory_space<hbm>>)
      tpu.yield
    }) : () -> ()
    %mul3A_47 = arith.constant 632 : i32
    %mul3A_48 = arith.muli %arg1, %mul3A_47 : i32
    %add3A_49 = arith.constant 448 : i32
    %add3A_50 = arith.addi %mul3A_48, %add3A_49 : i32
    "tpu.region"() ({
      %run_scoped3A = tpu.sem_alloc : memref<!tpu.dma_semaphore, #tpu.memory_space<semaphore_mem>>
      %dma_start3A = arith.constant 0 : i32
      %dma_start3A_59 = arith.constant 0 : i32
      %dma_start3A_60 = tpu.memref_slice %arg13[%dma_start3A, %dma_start3A_59] : memref<64x128xf32, #tpu.memory_space<vmem>> -> memref<64x128xf32, #tpu.memory_space<vmem>>
      %dma_start3A_61 = arith.constant 0 : i32
      %dma_start3A_62 = tpu.memref_slice %arg19[%add3A_50, %dma_start3A_61] : memref<10112x128xf32, #tpu.memory_space<vmem_shared>> -> memref<64x128xf32, #tpu.memory_space<vmem_shared>>
      %dma_start3A_63 = arith.constant 0 : i32
      %dma_start3A_64 = arith.constant 0 : i32
      %dma_start3A_65 = tpu.memref_slice %arg13[%dma_start3A_63, %dma_start3A_64] : memref<64x128xf32, #tpu.memory_space<vmem>> -> memref<64x128xf32, #tpu.memory_space<vmem>>
      %dma_start3A_66 = arith.constant 0 : i32
      %dma_start3A_67 = tpu.memref_slice %arg19[%add3A_50, %dma_start3A_66] : memref<10112x128xf32, #tpu.memory_space<vmem_shared>> -> memref<64x128xf32, #tpu.memory_space<vmem_shared>>
      tpu.enqueue_dma source(%dma_start3A_67 : memref<64x128xf32, #tpu.memory_space<vmem_shared>>) target(%dma_start3A_65 : memref<64x128xf32, #tpu.memory_space<vmem>>) target_semaphore(%run_scoped3A : memref<!tpu.dma_semaphore, #tpu.memory_space<semaphore_mem>>)
      %dma_wait3A = arith.constant 0 : i32
      %dma_wait3A_68 = arith.constant 0 : i32
      %dma_wait3A_69 = tpu.memref_slice %arg13[%dma_wait3A, %dma_wait3A_68] : memref<64x128xf32, #tpu.memory_space<vmem>> -> memref<64x128xf32, #tpu.memory_space<vmem>>
      %dma_wait3A_70 = arith.constant 0 : i32
      %dma_wait3A_71 = tpu.memref_slice %arg19[%add3A_50, %dma_wait3A_70] : memref<10112x128xf32, #tpu.memory_space<vmem_shared>> -> memref<64x128xf32, #tpu.memory_space<vmem_shared>>
      %dma_wait3A_72 = arith.constant 0 : i32
      %dma_wait3A_73 = arith.constant 0 : i32
      %dma_wait3A_74 = tpu.memref_slice %arg13[%dma_wait3A_72, %dma_wait3A_73] : memref<64x128xf32, #tpu.memory_space<vmem>> -> memref<64x128xf32, #tpu.memory_space<vmem>>
      %dma_wait3A_75 = arith.constant 0 : i32
      %dma_wait3A_76 = tpu.memref_slice %arg19[%add3A_50, %dma_wait3A_75] : memref<10112x128xf32, #tpu.memory_space<vmem_shared>> -> memref<64x128xf32, #tpu.memory_space<vmem_shared>>
      tpu.wait_dma2 semaphore(%run_scoped3A : memref<!tpu.dma_semaphore, #tpu.memory_space<semaphore_mem>>) src(%dma_wait3A_76 : memref<64x128xf32, #tpu.memory_space<vmem_shared>>) dst(%dma_wait3A_74 : memref<64x128xf32, #tpu.memory_space<vmem>>)
      tpu.yield
    }) : () -> ()
    "tpu.region"() ({
      %run_scoped3A = tpu.sem_alloc : memref<!tpu.dma_semaphore, #tpu.memory_space<semaphore_mem>>
      %dma_start3A = arith.constant 0 : i32
      %dma_start3A_59 = arith.constant 0 : i32
      %dma_start3A_60 = tpu.memref_slice %arg13[%dma_start3A, %dma_start3A_59] : memref<64x128xf32, #tpu.memory_space<vmem>> -> memref<64x128xf32, #tpu.memory_space<vmem>>
      %dma_start3A_61 = arith.constant 0 : i32
      %dma_start3A_62 = tpu.memref_slice %arg9[%arg0, %add3A_50, %dma_start3A_61] : memref<2x10112x128xf32, #tpu.memory_space<hbm>> -> memref<1x64x128xf32, #tpu.memory_space<hbm>>
      %dma_start3A_63 = tpu.memref_squeeze %dma_start3A_62 : memref<1x64x128xf32, #tpu.memory_space<hbm>> -> memref<64x128xf32, #tpu.memory_space<hbm>>
      %dma_start3A_64 = arith.constant 0 : i32
      %dma_start3A_65 = tpu.memref_slice %arg9[%arg0, %add3A_50, %dma_start3A_64] : memref<2x10112x128xf32, #tpu.memory_space<hbm>> -> memref<1x64x128xf32, #tpu.memory_space<hbm>>
      %dma_start3A_66 = tpu.memref_squeeze %dma_start3A_65 : memref<1x64x128xf32, #tpu.memory_space<hbm>> -> memref<64x128xf32, #tpu.memory_space<hbm>>
      %dma_start3A_67 = arith.constant 0 : i32
      %dma_start3A_68 = arith.constant 0 : i32
      %dma_start3A_69 = tpu.memref_slice %arg13[%dma_start3A_67, %dma_start3A_68] : memref<64x128xf32, #tpu.memory_space<vmem>> -> memref<64x128xf32, #tpu.memory_space<vmem>>
      tpu.enqueue_dma source(%dma_start3A_69 : memref<64x128xf32, #tpu.memory_space<vmem>>) target(%dma_start3A_66 : memref<64x128xf32, #tpu.memory_space<hbm>>) target_semaphore(%run_scoped3A : memref<!tpu.dma_semaphore, #tpu.memory_space<semaphore_mem>>)
      %dma_wait3A = arith.constant 0 : i32
      %dma_wait3A_70 = arith.constant 0 : i32
      %dma_wait3A_71 = tpu.memref_slice %arg13[%dma_wait3A, %dma_wait3A_70] : memref<64x128xf32, #tpu.memory_space<vmem>> -> memref<64x128xf32, #tpu.memory_space<vmem>>
      %dma_wait3A_72 = arith.constant 0 : i32
      %dma_wait3A_73 = tpu.memref_slice %arg9[%arg0, %add3A_50, %dma_wait3A_72] : memref<2x10112x128xf32, #tpu.memory_space<hbm>> -> memref<1x64x128xf32, #tpu.memory_space<hbm>>
      %dma_wait3A_74 = tpu.memref_squeeze %dma_wait3A_73 : memref<1x64x128xf32, #tpu.memory_space<hbm>> -> memref<64x128xf32, #tpu.memory_space<hbm>>
      %dma_wait3A_75 = arith.constant 0 : i32
      %dma_wait3A_76 = tpu.memref_slice %arg9[%arg0, %add3A_50, %dma_wait3A_75] : memref<2x10112x128xf32, #tpu.memory_space<hbm>> -> memref<1x64x128xf32, #tpu.memory_space<hbm>>
      %dma_wait3A_77 = tpu.memref_squeeze %dma_wait3A_76 : memref<1x64x128xf32, #tpu.memory_space<hbm>> -> memref<64x128xf32, #tpu.memory_space<hbm>>
      %dma_wait3A_78 = arith.constant 0 : i32
      %dma_wait3A_79 = arith.constant 0 : i32
      %dma_wait3A_80 = tpu.memref_slice %arg13[%dma_wait3A_78, %dma_wait3A_79] : memref<64x128xf32, #tpu.memory_space<vmem>> -> memref<64x128xf32, #tpu.memory_space<vmem>>
      tpu.wait_dma2 semaphore(%run_scoped3A : memref<!tpu.dma_semaphore, #tpu.memory_space<semaphore_mem>>) src(%dma_wait3A_80 : memref<64x128xf32, #tpu.memory_space<vmem>>) dst(%dma_wait3A_77 : memref<64x128xf32, #tpu.memory_space<hbm>>)
      tpu.yield
    }) : () -> ()
    %mul3A_51 = arith.constant 632 : i32
    %mul3A_52 = arith.muli %arg1, %mul3A_51 : i32
    %add3A_53 = arith.constant 512 : i32
    %add3A_54 = arith.addi %mul3A_52, %add3A_53 : i32
    "tpu.region"() ({
      %run_scoped3A = tpu.sem_alloc : memref<!tpu.dma_semaphore, #tpu.memory_space<semaphore_mem>>
      %dma_start3A = arith.constant 0 : i32
      %dma_start3A_59 = arith.constant 0 : i32
      %dma_start3A_60 = tpu.memref_slice %arg13[%dma_start3A, %dma_start3A_59] : memref<64x128xf32, #tpu.memory_space<vmem>> -> memref<64x128xf32, #tpu.memory_space<vmem>>
      %dma_start3A_61 = arith.constant 0 : i32
      %dma_start3A_62 = tpu.memref_slice %arg19[%add3A_54, %dma_start3A_61] : memref<10112x128xf32, #tpu.memory_space<vmem_shared>> -> memref<64x128xf32, #tpu.memory_space<vmem_shared>>
      %dma_start3A_63 = arith.constant 0 : i32
      %dma_start3A_64 = arith.constant 0 : i32
      %dma_start3A_65 = tpu.memref_slice %arg13[%dma_start3A_63, %dma_start3A_64] : memref<64x128xf32, #tpu.memory_space<vmem>> -> memref<64x128xf32, #tpu.memory_space<vmem>>
      %dma_start3A_66 = arith.constant 0 : i32
      %dma_start3A_67 = tpu.memref_slice %arg19[%add3A_54, %dma_start3A_66] : memref<10112x128xf32, #tpu.memory_space<vmem_shared>> -> memref<64x128xf32, #tpu.memory_space<vmem_shared>>
      tpu.enqueue_dma source(%dma_start3A_67 : memref<64x128xf32, #tpu.memory_space<vmem_shared>>) target(%dma_start3A_65 : memref<64x128xf32, #tpu.memory_space<vmem>>) target_semaphore(%run_scoped3A : memref<!tpu.dma_semaphore, #tpu.memory_space<semaphore_mem>>)
      %dma_wait3A = arith.constant 0 : i32
      %dma_wait3A_68 = arith.constant 0 : i32
      %dma_wait3A_69 = tpu.memref_slice %arg13[%dma_wait3A, %dma_wait3A_68] : memref<64x128xf32, #tpu.memory_space<vmem>> -> memref<64x128xf32, #tpu.memory_space<vmem>>
      %dma_wait3A_70 = arith.constant 0 : i32
      %dma_wait3A_71 = tpu.memref_slice %arg19[%add3A_54, %dma_wait3A_70] : memref<10112x128xf32, #tpu.memory_space<vmem_shared>> -> memref<64x128xf32, #tpu.memory_space<vmem_shared>>
      %dma_wait3A_72 = arith.constant 0 : i32
      %dma_wait3A_73 = arith.constant 0 : i32
      %dma_wait3A_74 = tpu.memref_slice %arg13[%dma_wait3A_72, %dma_wait3A_73] : memref<64x128xf32, #tpu.memory_space<vmem>> -> memref<64x128xf32, #tpu.memory_space<vmem>>
      %dma_wait3A_75 = arith.constant 0 : i32
      %dma_wait3A_76 = tpu.memref_slice %arg19[%add3A_54, %dma_wait3A_75] : memref<10112x128xf32, #tpu.memory_space<vmem_shared>> -> memref<64x128xf32, #tpu.memory_space<vmem_shared>>
      tpu.wait_dma2 semaphore(%run_scoped3A : memref<!tpu.dma_semaphore, #tpu.memory_space<semaphore_mem>>) src(%dma_wait3A_76 : memref<64x128xf32, #tpu.memory_space<vmem_shared>>) dst(%dma_wait3A_74 : memref<64x128xf32, #tpu.memory_space<vmem>>)
      tpu.yield
    }) : () -> ()
    "tpu.region"() ({
      %run_scoped3A = tpu.sem_alloc : memref<!tpu.dma_semaphore, #tpu.memory_space<semaphore_mem>>
      %dma_start3A = arith.constant 0 : i32
      %dma_start3A_59 = arith.constant 0 : i32
      %dma_start3A_60 = tpu.memref_slice %arg13[%dma_start3A, %dma_start3A_59] : memref<64x128xf32, #tpu.memory_space<vmem>> -> memref<64x128xf32, #tpu.memory_space<vmem>>
      %dma_start3A_61 = arith.constant 0 : i32
      %dma_start3A_62 = tpu.memref_slice %arg9[%arg0, %add3A_54, %dma_start3A_61] : memref<2x10112x128xf32, #tpu.memory_space<hbm>> -> memref<1x64x128xf32, #tpu.memory_space<hbm>>
      %dma_start3A_63 = tpu.memref_squeeze %dma_start3A_62 : memref<1x64x128xf32, #tpu.memory_space<hbm>> -> memref<64x128xf32, #tpu.memory_space<hbm>>
      %dma_start3A_64 = arith.constant 0 : i32
      %dma_start3A_65 = tpu.memref_slice %arg9[%arg0, %add3A_54, %dma_start3A_64] : memref<2x10112x128xf32, #tpu.memory_space<hbm>> -> memref<1x64x128xf32, #tpu.memory_space<hbm>>
      %dma_start3A_66 = tpu.memref_squeeze %dma_start3A_65 : memref<1x64x128xf32, #tpu.memory_space<hbm>> -> memref<64x128xf32, #tpu.memory_space<hbm>>
      %dma_start3A_67 = arith.constant 0 : i32
      %dma_start3A_68 = arith.constant 0 : i32
      %dma_start3A_69 = tpu.memref_slice %arg13[%dma_start3A_67, %dma_start3A_68] : memref<64x128xf32, #tpu.memory_space<vmem>> -> memref<64x128xf32, #tpu.memory_space<vmem>>
      tpu.enqueue_dma source(%dma_start3A_69 : memref<64x128xf32, #tpu.memory_space<vmem>>) target(%dma_start3A_66 : memref<64x128xf32, #tpu.memory_space<hbm>>) target_semaphore(%run_scoped3A : memref<!tpu.dma_semaphore, #tpu.memory_space<semaphore_mem>>)
      %dma_wait3A = arith.constant 0 : i32
      %dma_wait3A_70 = arith.constant 0 : i32
      %dma_wait3A_71 = tpu.memref_slice %arg13[%dma_wait3A, %dma_wait3A_70] : memref<64x128xf32, #tpu.memory_space<vmem>> -> memref<64x128xf32, #tpu.memory_space<vmem>>
      %dma_wait3A_72 = arith.constant 0 : i32
      %dma_wait3A_73 = tpu.memref_slice %arg9[%arg0, %add3A_54, %dma_wait3A_72] : memref<2x10112x128xf32, #tpu.memory_space<hbm>> -> memref<1x64x128xf32, #tpu.memory_space<hbm>>
      %dma_wait3A_74 = tpu.memref_squeeze %dma_wait3A_73 : memref<1x64x128xf32, #tpu.memory_space<hbm>> -> memref<64x128xf32, #tpu.memory_space<hbm>>
      %dma_wait3A_75 = arith.constant 0 : i32
      %dma_wait3A_76 = tpu.memref_slice %arg9[%arg0, %add3A_54, %dma_wait3A_75] : memref<2x10112x128xf32, #tpu.memory_space<hbm>> -> memref<1x64x128xf32, #tpu.memory_space<hbm>>
      %dma_wait3A_77 = tpu.memref_squeeze %dma_wait3A_76 : memref<1x64x128xf32, #tpu.memory_space<hbm>> -> memref<64x128xf32, #tpu.memory_space<hbm>>
      %dma_wait3A_78 = arith.constant 0 : i32
      %dma_wait3A_79 = arith.constant 0 : i32
      %dma_wait3A_80 = tpu.memref_slice %arg13[%dma_wait3A_78, %dma_wait3A_79] : memref<64x128xf32, #tpu.memory_space<vmem>> -> memref<64x128xf32, #tpu.memory_space<vmem>>
      tpu.wait_dma2 semaphore(%run_scoped3A : memref<!tpu.dma_semaphore, #tpu.memory_space<semaphore_mem>>) src(%dma_wait3A_80 : memref<64x128xf32, #tpu.memory_space<vmem>>) dst(%dma_wait3A_77 : memref<64x128xf32, #tpu.memory_space<hbm>>)
      tpu.yield
    }) : () -> ()
    %mul3A_55 = arith.constant 632 : i32
    %mul3A_56 = arith.muli %arg1, %mul3A_55 : i32
    %add3A_57 = arith.constant 576 : i32
    %add3A_58 = arith.addi %mul3A_56, %add3A_57 : i32
    "tpu.region"() ({
      %run_scoped3A = tpu.sem_alloc : memref<!tpu.dma_semaphore, #tpu.memory_space<semaphore_mem>>
      %dma_start3A = arith.constant 0 : i32
      %dma_start3A_59 = arith.constant 0 : i32
      %dma_start3A_60 = tpu.memref_slice %arg13[%dma_start3A, %dma_start3A_59] : memref<64x128xf32, #tpu.memory_space<vmem>> -> memref<56x128xf32, #tpu.memory_space<vmem>>
      %dma_start3A_61 = arith.constant 0 : i32
      %dma_start3A_62 = tpu.memref_slice %arg19[%add3A_58, %dma_start3A_61] : memref<10112x128xf32, #tpu.memory_space<vmem_shared>> -> memref<56x128xf32, #tpu.memory_space<vmem_shared>>
      %dma_start3A_63 = arith.constant 0 : i32
      %dma_start3A_64 = arith.constant 0 : i32
      %dma_start3A_65 = tpu.memref_slice %arg13[%dma_start3A_63, %dma_start3A_64] : memref<64x128xf32, #tpu.memory_space<vmem>> -> memref<56x128xf32, #tpu.memory_space<vmem>>
      %dma_start3A_66 = arith.constant 0 : i32
      %dma_start3A_67 = tpu.memref_slice %arg19[%add3A_58, %dma_start3A_66] : memref<10112x128xf32, #tpu.memory_space<vmem_shared>> -> memref<56x128xf32, #tpu.memory_space<vmem_shared>>
      tpu.enqueue_dma source(%dma_start3A_67 : memref<56x128xf32, #tpu.memory_space<vmem_shared>>) target(%dma_start3A_65 : memref<56x128xf32, #tpu.memory_space<vmem>>) target_semaphore(%run_scoped3A : memref<!tpu.dma_semaphore, #tpu.memory_space<semaphore_mem>>)
      %dma_wait3A = arith.constant 0 : i32
      %dma_wait3A_68 = arith.constant 0 : i32
      %dma_wait3A_69 = tpu.memref_slice %arg13[%dma_wait3A, %dma_wait3A_68] : memref<64x128xf32, #tpu.memory_space<vmem>> -> memref<56x128xf32, #tpu.memory_space<vmem>>
      %dma_wait3A_70 = arith.constant 0 : i32
      %dma_wait3A_71 = tpu.memref_slice %arg19[%add3A_58, %dma_wait3A_70] : memref<10112x128xf32, #tpu.memory_space<vmem_shared>> -> memref<56x128xf32, #tpu.memory_space<vmem_shared>>
      %dma_wait3A_72 = arith.constant 0 : i32
      %dma_wait3A_73 = arith.constant 0 : i32
      %dma_wait3A_74 = tpu.memref_slice %arg13[%dma_wait3A_72, %dma_wait3A_73] : memref<64x128xf32, #tpu.memory_space<vmem>> -> memref<56x128xf32, #tpu.memory_space<vmem>>
      %dma_wait3A_75 = arith.constant 0 : i32
      %dma_wait3A_76 = tpu.memref_slice %arg19[%add3A_58, %dma_wait3A_75] : memref<10112x128xf32, #tpu.memory_space<vmem_shared>> -> memref<56x128xf32, #tpu.memory_space<vmem_shared>>
      tpu.wait_dma2 semaphore(%run_scoped3A : memref<!tpu.dma_semaphore, #tpu.memory_space<semaphore_mem>>) src(%dma_wait3A_76 : memref<56x128xf32, #tpu.memory_space<vmem_shared>>) dst(%dma_wait3A_74 : memref<56x128xf32, #tpu.memory_space<vmem>>)
      tpu.yield
    }) : () -> ()
    "tpu.region"() ({
      %run_scoped3A = tpu.sem_alloc : memref<!tpu.dma_semaphore, #tpu.memory_space<semaphore_mem>>
      %dma_start3A = arith.constant 0 : i32
      %dma_start3A_59 = arith.constant 0 : i32
      %dma_start3A_60 = tpu.memref_slice %arg13[%dma_start3A, %dma_start3A_59] : memref<64x128xf32, #tpu.memory_space<vmem>> -> memref<56x128xf32, #tpu.memory_space<vmem>>
      %dma_start3A_61 = arith.constant 0 : i32
      %dma_start3A_62 = tpu.memref_slice %arg9[%arg0, %add3A_58, %dma_start3A_61] : memref<2x10112x128xf32, #tpu.memory_space<hbm>> -> memref<1x56x128xf32, #tpu.memory_space<hbm>>
      %dma_start3A_63 = tpu.memref_squeeze %dma_start3A_62 : memref<1x56x128xf32, #tpu.memory_space<hbm>> -> memref<56x128xf32, #tpu.memory_space<hbm>>
      %dma_start3A_64 = arith.constant 0 : i32
      %dma_start3A_65 = tpu.memref_slice %arg9[%arg0, %add3A_58, %dma_start3A_64] : memref<2x10112x128xf32, #tpu.memory_space<hbm>> -> memref<1x56x128xf32, #tpu.memory_space<hbm>>
      %dma_start3A_66 = tpu.memref_squeeze %dma_start3A_65 : memref<1x56x128xf32, #tpu.memory_space<hbm>> -> memref<56x128xf32, #tpu.memory_space<hbm>>
      %dma_start3A_67 = arith.constant 0 : i32
      %dma_start3A_68 = arith.constant 0 : i32
      %dma_start3A_69 = tpu.memref_slice %arg13[%dma_start3A_67, %dma_start3A_68] : memref<64x128xf32, #tpu.memory_space<vmem>> -> memref<56x128xf32, #tpu.memory_space<vmem>>
      tpu.enqueue_dma source(%dma_start3A_69 : memref<56x128xf32, #tpu.memory_space<vmem>>) target(%dma_start3A_66 : memref<56x128xf32, #tpu.memory_space<hbm>>) target_semaphore(%run_scoped3A : memref<!tpu.dma_semaphore, #tpu.memory_space<semaphore_mem>>)
      %dma_wait3A = arith.constant 0 : i32
      %dma_wait3A_70 = arith.constant 0 : i32
      %dma_wait3A_71 = tpu.memref_slice %arg13[%dma_wait3A, %dma_wait3A_70] : memref<64x128xf32, #tpu.memory_space<vmem>> -> memref<56x128xf32, #tpu.memory_space<vmem>>
      %dma_wait3A_72 = arith.constant 0 : i32
      %dma_wait3A_73 = tpu.memref_slice %arg9[%arg0, %add3A_58, %dma_wait3A_72] : memref<2x10112x128xf32, #tpu.memory_space<hbm>> -> memref<1x56x128xf32, #tpu.memory_space<hbm>>
      %dma_wait3A_74 = tpu.memref_squeeze %dma_wait3A_73 : memref<1x56x128xf32, #tpu.memory_space<hbm>> -> memref<56x128xf32, #tpu.memory_space<hbm>>
      %dma_wait3A_75 = arith.constant 0 : i32
      %dma_wait3A_76 = tpu.memref_slice %arg9[%arg0, %add3A_58, %dma_wait3A_75] : memref<2x10112x128xf32, #tpu.memory_space<hbm>> -> memref<1x56x128xf32, #tpu.memory_space<hbm>>
      %dma_wait3A_77 = tpu.memref_squeeze %dma_wait3A_76 : memref<1x56x128xf32, #tpu.memory_space<hbm>> -> memref<56x128xf32, #tpu.memory_space<hbm>>
      %dma_wait3A_78 = arith.constant 0 : i32
      %dma_wait3A_79 = arith.constant 0 : i32
      %dma_wait3A_80 = tpu.memref_slice %arg13[%dma_wait3A_78, %dma_wait3A_79] : memref<64x128xf32, #tpu.memory_space<vmem>> -> memref<56x128xf32, #tpu.memory_space<vmem>>
      tpu.wait_dma2 semaphore(%run_scoped3A : memref<!tpu.dma_semaphore, #tpu.memory_space<semaphore_mem>>) src(%dma_wait3A_80 : memref<56x128xf32, #tpu.memory_space<vmem>>) dst(%dma_wait3A_77 : memref<56x128xf32, #tpu.memory_space<hbm>>)
      tpu.yield
    }) : () -> ()
    return
  }
}

module attributes {stable_mosaic.version = 14 : i64} {
  func.func @_tc_body(%arg0: i32, %arg1: memref<2x1000x128xf32, #tpu.memory_space<vmem>>, %arg2: memref<1000x128xf32, #tpu.memory_space<vmem>>, %arg3: memref<1000x1xf32, #tpu.memory_space<vmem>>, %arg4: memref<1000x1xf32, #tpu.memory_space<vmem>>, %arg5: memref<1x128xf32, #tpu.memory_space<vmem>>, %arg6: memref<128x128xf32, #tpu.memory_space<vmem>>, %arg7: memref<1x8xf32, #tpu.memory_space<vmem>>, %arg8: memref<1000x128xf32, #tpu.memory_space<vmem>>, %arg9: memref<1000x1xf32, #tpu.memory_space<vmem>>, %arg10: memref<1000x1xf32, #tpu.memory_space<vmem>>) attributes {dimension_semantics = [#tpu.dimension_semantics<arbitrary>], iteration_bounds = array<i64: 10>, scalar_prefetch = 0 : i64, scratch_operands = 0 : i64, tpu.core_type = #tpu.core_type<tc>, window_params = [{transform_indices = @transform_0, window_bounds = array<i64: 2, 1000, 128>}, {transform_indices = @transform_1, window_bounds = array<i64: 1000, 128>}, {transform_indices = @transform_2, window_bounds = array<i64: 1000, 1>}, {transform_indices = @transform_3, window_bounds = array<i64: 1000, 1>}, {pipeline_mode = #tpu.pipeline_mode<synchronous>, transform_indices = @transform_4, window_bounds = array<i64: 1, 128>}, {pipeline_mode = #tpu.pipeline_mode<synchronous>, transform_indices = @transform_5, window_bounds = array<i64: 128, 128>}, {pipeline_mode = #tpu.pipeline_mode<synchronous>, transform_indices = @transform_6, window_bounds = array<i64: 1, 8>}, {transform_indices = @transform_7, window_bounds = array<i64: 1000, 128>}, {transform_indices = @transform_8, window_bounds = array<i64: 1000, 1>}, {transform_indices = @transform_9, window_bounds = array<i64: 1000, 1>}]} {
    %get3A = arith.constant 0 : index
    %get3A_0 = arith.constant 0 : index
    %get3A_1 = vector.load %arg7[%get3A, %get3A_0] : memref<1x8xf32, #tpu.memory_space<vmem>>, vector<1x1xf32>
    %get3A_2 = vector.extract %get3A_1[0, 0] : f32 from vector<1x1xf32>
    %get3A_3 = arith.constant 0 : index
    %get3A_4 = arith.constant 1 : index
    %get3A_5 = vector.load %arg7[%get3A_3, %get3A_4] : memref<1x8xf32, #tpu.memory_space<vmem>>, vector<1x1xf32>
    %get3A_6 = vector.extract %get3A_5[0, 0] : f32 from vector<1x1xf32>
    %get3A_7 = arith.constant 0 : index
    %get3A_8 = arith.constant 2 : index
    %get3A_9 = vector.load %arg7[%get3A_7, %get3A_8] : memref<1x8xf32, #tpu.memory_space<vmem>>, vector<1x1xf32>
    %get3A_10 = vector.extract %get3A_9[0, 0] : f32 from vector<1x1xf32>
    %get3A_11 = arith.constant 0 : index
    %get3A_12 = arith.constant 3 : index
    %get3A_13 = vector.load %arg7[%get3A_11, %get3A_12] : memref<1x8xf32, #tpu.memory_space<vmem>>, vector<1x1xf32>
    %get3A_14 = vector.extract %get3A_13[0, 0] : f32 from vector<1x1xf32>
    %get3A_15 = arith.constant 0 : index
    %get3A_16 = arith.constant 4 : index
    %get3A_17 = vector.load %arg7[%get3A_15, %get3A_16] : memref<1x8xf32, #tpu.memory_space<vmem>>, vector<1x1xf32>
    %get3A_18 = vector.extract %get3A_17[0, 0] : f32 from vector<1x1xf32>
    %get3A_19 = arith.constant 0 : index
    %get3A_20 = arith.constant 0 : index
    %get3A_21 = arith.constant 0 : index
    %get3A_22 = vector.load %arg1[%get3A_19, %get3A_20, %get3A_21] : memref<2x1000x128xf32, #tpu.memory_space<vmem>>, vector<1x1000x128xf32>
    %get3A_23 = vector.shape_cast %get3A_22 : vector<1x1000x128xf32> to vector<1000x128xf32>
    %get3A_24 = arith.constant 1 : index
    %get3A_25 = arith.constant 0 : index
    %get3A_26 = arith.constant 0 : index
    %get3A_27 = vector.load %arg1[%get3A_24, %get3A_25, %get3A_26] : memref<2x1000x128xf32, #tpu.memory_space<vmem>>, vector<1x1000x128xf32>
    %get3A_28 = vector.shape_cast %get3A_27 : vector<1x1000x128xf32> to vector<1000x128xf32>
    %slice3A = vector.extract_strided_slice %get3A_23 {offsets = [0, 0], sizes = [1000, 1], strides = [1, 1]} : vector<1000x128xf32> to vector<1000x1xf32>
    %slice3A_29 = vector.extract_strided_slice %get3A_28 {offsets = [0, 0], sizes = [1000, 1], strides = [1, 1]} : vector<1000x128xf32> to vector<1000x1xf32>
    %add3A = arith.addf %slice3A, %slice3A_29 : vector<1000x1xf32>
    %gt3A = arith.constant 0.000000e+00 : f32
    %gt3A_30 = vector.broadcast %gt3A : f32 to vector<1000x1xf32>
    %gt3A_31 = arith.cmpf ogt, %add3A, %gt3A_30 : vector<1000x1xf32>
    %max3A = arith.constant 1.000000e+00 : f32
    %max3A_32 = vector.broadcast %max3A : f32 to vector<1000x1xf32>
    %max3A_33 = arith.maximumf %add3A, %max3A_32 : vector<1000x1xf32>
    %rsqrt3A = math.rsqrt %max3A_33 : vector<1000x1xf32>
    %jit3A = arith.constant 0.000000e+00 : f32
    %broadcast_in_dim3A = vector.broadcast %jit3A : f32 to vector<1000x1xf32>
    %select_n3A = arith.select %gt3A_31, %rsqrt3A, %broadcast_in_dim3A : vector<1000x1xi1>, vector<1000x1xf32>
    %gt3A_34 = arith.constant 0.000000e+00 : f32
    %gt3A_35 = arith.cmpf ogt, %get3A_2, %gt3A_34 : f32
    %get3A_36 = arith.constant 0 : index
    %get3A_37 = arith.constant 0 : index
    %get3A_38 = vector.load %arg3[%get3A_36, %get3A_37] : memref<1000x1xf32, #tpu.memory_space<vmem>>, vector<1000x1xf32>
    %select_n3A_39 = arith.select %gt3A_35, %select_n3A, %get3A_38 : vector<1000x1xf32>
    %gt3A_40 = arith.constant 0.000000e+00 : f32
    %gt3A_41 = arith.cmpf ogt, %get3A_6, %gt3A_40 : f32
    %get3A_42 = arith.constant 0 : index
    %get3A_43 = arith.constant 0 : index
    %get3A_44 = vector.load %arg4[%get3A_42, %get3A_43] : memref<1000x1xf32, #tpu.memory_space<vmem>>, vector<1000x1xf32>
    %select_n3A_45 = arith.select %gt3A_41, %select_n3A, %get3A_44 : vector<1000x1xf32>
    %swap3A = arith.constant 0 : index
    %swap3A_46 = arith.constant 0 : index
    %swap3A_47 = vector.load %arg9[%swap3A, %swap3A_46] : memref<1000x1xf32, #tpu.memory_space<vmem>>, vector<1000x1xf32>
    tpu.vector_store %arg9[%swap3A, %swap3A_46], %select_n3A_39 {strides = array<i32>} : memref<1000x1xf32, #tpu.memory_space<vmem>>, vector<1000x1xf32>,
    %swap3A_48 = arith.constant 0 : index
    %swap3A_49 = arith.constant 0 : index
    %swap3A_50 = vector.load %arg10[%swap3A_48, %swap3A_49] : memref<1000x1xf32, #tpu.memory_space<vmem>>, vector<1000x1xf32>
    tpu.vector_store %arg10[%swap3A_48, %swap3A_49], %select_n3A_45 {strides = array<i32>} : memref<1000x1xf32, #tpu.memory_space<vmem>>, vector<1000x1xf32>,
    %add3A_51 = arith.addf %get3A_23, %get3A_28 : vector<1000x128xf32>
    %mul3A = vector.broadcast %select_n3A_45 : vector<1000x1xf32> to vector<1000x128xf32>
    %mul3A_52 = arith.mulf %add3A_51, %mul3A : vector<1000x128xf32>
    %get3A_53 = arith.constant 0 : index
    %get3A_54 = arith.constant 0 : index
    %get3A_55 = vector.load %arg5[%get3A_53, %get3A_54] : memref<1x128xf32, #tpu.memory_space<vmem>>, vector<1x128xf32>
    %add3A_56 = vector.broadcast %get3A_55 : vector<1x128xf32> to vector<1000x128xf32>
    %add3A_57 = arith.addf %mul3A_52, %add3A_56 : vector<1000x128xf32>
    %gt3A_58 = arith.constant 0.000000e+00 : f32
    %gt3A_59 = arith.cmpf ogt, %get3A_14, %gt3A_58 : f32
    %max3A_60 = arith.constant 0.000000e+00 : f32
    %max3A_61 = vector.broadcast %max3A_60 : f32 to vector<1000x128xf32>
    %max3A_62 = arith.maximumf %add3A_57, %max3A_61 : vector<1000x128xf32>
    %select_n3A_63 = arith.select %gt3A_59, %max3A_62, %add3A_57 : vector<1000x128xf32>
    %gt3A_64 = arith.constant 0.000000e+00 : f32
    %gt3A_65 = arith.cmpf ogt, %get3A_10, %gt3A_64 : f32
    %get3A_66 = arith.constant 0 : index
    %get3A_67 = arith.constant 0 : index
    %get3A_68 = vector.load %arg2[%get3A_66, %get3A_67] : memref<1000x128xf32, #tpu.memory_space<vmem>>, vector<1000x128xf32>
    %select_n3A_69 = arith.select %gt3A_65, %get3A_68, %select_n3A_63 : vector<1000x128xf32>
    %get3A_70 = arith.constant 0 : index
    %get3A_71 = arith.constant 0 : index
    %get3A_72 = vector.load %arg6[%get3A_70, %get3A_71] : memref<128x128xf32, #tpu.memory_space<vmem>>, vector<128x128xf32>
    %dot_general3A = arith.constant dense<0.000000e+00> : vector<1000x128xf32>
    %dot_general3A_73 = tpu.matmul %select_n3A_69, %get3A_72, %dot_general3A {dimension_numbers = #tpu.dot_dimension_numbers<[1], [0], [0], [1], [0, 0, 1, 1], [], []>, transpose_lhs_hint = false} : vector<1000x128xf32>, vector<128x128xf32>, vector<1000x128xf32> -> vector<1000x128xf32>
    %gt3A_74 = arith.constant 0.000000e+00 : f32
    %gt3A_75 = arith.cmpf ogt, %get3A_18, %gt3A_74 : f32
    %jit3A_76 = arith.constant 1.000000e+00 : f32
    %broadcast_in_dim3A_77 = vector.broadcast %jit3A_76 : f32 to vector<1000x1xf32>
    %select_n3A_78 = arith.select %gt3A_75, %select_n3A_39, %broadcast_in_dim3A_77 : vector<1000x1xf32>
    %mul3A_79 = vector.broadcast %select_n3A_78 : vector<1000x1xf32> to vector<1000x128xf32>
    %mul3A_80 = arith.mulf %dot_general3A_73, %mul3A_79 : vector<1000x128xf32>
    %swap3A_81 = arith.constant 0 : index
    %swap3A_82 = arith.constant 0 : index
    %swap3A_83 = vector.load %arg8[%swap3A_81, %swap3A_82] : memref<1000x128xf32, #tpu.memory_space<vmem>>, vector<1000x128xf32>
    tpu.vector_store %arg8[%swap3A_81, %swap3A_82], %mul3A_80 {strides = array<i32>} : memref<1000x128xf32, #tpu.memory_space<vmem>>, vector<1000x128xf32>,
    return
  }
  func.func @transform_0(%arg0: i32) -> (i32, i32, i32) {
    %c0_i32 = arith.constant 0 : i32
    %c0_i32_0 = arith.constant 0 : i32
    %c0_i32_1 = arith.constant 0 : i32
    return %c0_i32, %arg0, %c0_i32_0 : i32, i32, i32
  }
  func.func @transform_1(%arg0: i32) -> (i32, i32) {
    %c0_i32 = arith.constant 0 : i32
    %c0_i32_0 = arith.constant 0 : i32
    return %arg0, %c0_i32 : i32, i32
  }
  func.func @transform_2(%arg0: i32) -> (i32, i32) {
    %c0_i32 = arith.constant 0 : i32
    %c0_i32_0 = arith.constant 0 : i32
    return %arg0, %c0_i32 : i32, i32
  }
  func.func @transform_3(%arg0: i32) -> (i32, i32) {
    %c0_i32 = arith.constant 0 : i32
    %c0_i32_0 = arith.constant 0 : i32
    return %arg0, %c0_i32 : i32, i32
  }
  func.func @transform_4(%arg0: i32) -> (i32, i32) {
    %c0_i32 = arith.constant 0 : i32
    %c0_i32_0 = arith.constant 0 : i32
    %c0_i32_1 = arith.constant 0 : i32
    return %c0_i32, %c0_i32_0 : i32, i32
  }
  func.func @transform_5(%arg0: i32) -> (i32, i32) {
    %c0_i32 = arith.constant 0 : i32
    %c0_i32_0 = arith.constant 0 : i32
    %c0_i32_1 = arith.constant 0 : i32
    return %c0_i32, %c0_i32_0 : i32, i32
  }
  func.func @transform_6(%arg0: i32) -> (i32, i32) {
    %c0_i32 = arith.constant 0 : i32
    %c0_i32_0 = arith.constant 0 : i32
    %c0_i32_1 = arith.constant 0 : i32
    return %c0_i32, %c0_i32_0 : i32, i32
  }
  func.func @transform_7(%arg0: i32) -> (i32, i32) {
    %c0_i32 = arith.constant 0 : i32
    %c0_i32_0 = arith.constant 0 : i32
    return %arg0, %c0_i32 : i32, i32
  }
  func.func @transform_8(%arg0: i32) -> (i32, i32) {
    %c0_i32 = arith.constant 0 : i32
    %c0_i32_0 = arith.constant 0 : i32
    return %arg0, %c0_i32 : i32, i32
  }
  func.func @transform_9(%arg0: i32) -> (i32, i32) {
    %c0_i32 = arith.constant 0 : i32
    %c0_i32_0 = arith.constant 0 : i32
    return %arg0, %c0_i32 : i32, i32
  }
}

</mosaic_0001>

<sc_bundles>
// kernel: closed_call.15.cloned.1.call-start
scs
__scs_entry_jumppad:
0x0: {  	(pc) =	sbr.rel $0x88, $3  }
0x1: {  	(tag) =	ssettag $0x0;
	lr =	simm.s32 $0x1  }
0x2: {  	[smem:$0x3F99] =	sst lr;
	_ =	strace $0xD0000000  }
0x3: {  	_ = 	snop  }
0x4: {  	_ = 	snop  }
0x5: {  	_ = 	snop  }
0x6: {  	_ = 	snop  }
0x7: {  	_ = 	snop  }
__scs_overlays_trampoline_lowered:
0x8: {  	[smem:$0x3FA8] =	sst s0  }
0x9: {  	[smem:$0x3FA9] =	sst s1  }
0xa: {  	[smem:$0x3FAA] =	sst s2  }
0xb: {  	[smem:$0x3FAB] =	sst s3  }
0xc: {  	[smem:$0x3FAC] =	sst s4  }
0xd: {  	[smem:$0x3FAD] =	sst s5  }
0xe: {  	[smem:$0x3FAE] =	sst s6  }
0xf: {  	[smem:$0x3FAF] =	sst s7  }
0x10: {  	[smem:$0x3FB0] =	sst s8  }
0x11: {  	[smem:$0x3FB1] =	sst s9;
	s0 =	simm.s32 @!p0 $0x0  }
0x12: {  	s1 =	sld [smem:$0x3F97];
	s0 =	simm.s32 @p0 $0x1  }
0x13: {  	[smem:$0x3FB2] =	sst s0;
	s0 =	simm.s32 @!p1 $0x0  }
0x14: {  	s2 =	sld [smem:$0x3F96];
	s0 =	simm.s32 @p1 $0x1  }
0x15: {  	[smem:$0x3FB3] =	sst s0;
	s0 =	simm.s32 @!p2 $0x0  }
0x16: {  	s3 =	sld [smem:$0x3FDB];
	s0 =	simm.s32 @p2 $0x1  }
0x17: {  	s4 =	simm.s32 $0x1BF5;
	[smem:$0x3FB5] =	sst s0  }
0x18: {  	s0 =	sld [smem:$0x3F98];
	_ =	swait.ge [sflag:s4], $0x0  }
0x19: {  	s7 =	sld [smem:$0x3F99]  }
0x1a: {  	s8 =	sadd.s32 $0xFFFFE003, lr  }
0x1b: {  	s9 =	sadd.s32 $0xFFFFFEF7, lr;
	s5 =	simm.s32 $0xFFFFFFFF;
	p2 =	slt.u32 s8, $0xFFFFF086  }
0x1c: {  	p1 =	slt.u32 s9, $0xF7A;
	s5 =	simm.s32 @!p2 $0x0  }
0x1d: {  	s5 =	simm.s32 @p1 $0x1;
	p0 =	seq.s32 s7, s2  }
0x1e: {  	s7 =	smul.u32 @!p0 $0xF7A, s2;
	p2 =	seq.s32 @!p0 s5, $0x0  }
0x1f: {  	s9 =	smul.u32 $0xF7A, s1;
	s8 =	simm.s32 @!p0 $0x1BF5;
	p2 =	por !p2, p0  }
0x20: {  	[sflag:s8] =	ssyncset.s32 @!p0 $0xFFFFF086;
	s6 =	sadd.s32 @!p0 s3, s7;
	s7 =	simm.s32 @!p0 $0x108  }
0x21: {  	s3 =	sadd.s32 s3, s9;
	s6 =	sadd.s32 @!p0 $0x88, s6;
	s7 =	simm.s32 @p2 $0x1082  }
0x22: {  	[simem:s7], [sflag:s8] =	dma.local @!p0 [hbm:s6], $0xF7A  }
0x23: {  	s9 =	sor.u32 $0xD0000000, s2;
	s6 =	simm.s32 $0x108;
	_ =	swait.ge @!p0 [sflag:s8], $0x0  }
0x24: {  	s3 =	sadd.s32 $0x88, s3;
	s6 =	simm.s32 @!p1 $0x1082;
	[sflag:s4] =	ssyncset.s32 $0xFFFFF086  }
0x25: {  	[simem:s6], [sflag:s4] =	dma.local [hbm:s3], $0xF7A  }
0x26: {  	[smem:$0x3F99] =	sst s1;
	(tag) =	ssettag s2;
	_ =	strace s9  }
0x27: {  	s1 =	sld [smem:$0x3FA9]  }
0x28: {  	s2 =	sld [smem:$0x3FAA]  }
0x29: {  	s4 =	sld [smem:$0x3FAC]  }
0x2a: {  	p0 =	seq.s32 s5, $0x0;
	s5 =	sld [smem:$0x3FAD]  }
0x2b: {  	s6 =	sld [smem:$0x3FAE]  }
0x2c: {  	s7 =	sld [smem:$0x3FAF]  }
0x2d: {  	s3 =	simm.s32 $0x108;
	s8 =	sld [smem:$0x3FB0]  }
0x2e: {  	s3 =	simm.s32 @!p0 $0x1082;
	s9 =	sld [smem:$0x3FB1]  }
0x2f: {  	lr =	sadd.s32 s0, s3;
	s0 =	sld [smem:$0x3FA8]  }
0x30: {  	s3 =	sld [smem:$0x3FAB]  }
0x31: {  	[smem:$0x3FB4] =	sst s10  }
0x32: {  	s10 =	sld [smem:$0x3FB2];
	_ =	sdelay $0x3  }
0x33: {  	p0 =	seq.s32 s10, $0x1;
	s10 =	sld [smem:$0x3FB4];
	_ =	sdelay $0x3  }
0x34: {  	[smem:$0x3FB4] =	sst s10  }
0x35: {  	s10 =	sld [smem:$0x3FB3];
	_ =	sdelay $0x3  }
0x36: {  	p1 =	seq.s32 s10, $0x1;
	s10 =	sld [smem:$0x3FB4];
	_ =	sdelay $0x3  }
0x37: {  	[smem:$0x3FB4] =	sst s10  }
0x38: {  	s10 =	sld [smem:$0x3FB5]  }
0x39: {  	_ = 	snop;
	(pc) =	sbr.ind lr, $3  }
0x3a: {  	_ = 	snop  }
0x3b: {  	_ = 	snop  }
0x3c: {  	p2 =	seq.s32 s10, $0x1;
	s10 =	sld [smem:$0x3FB4]  }
0x3d: {  	_ =	shalt  }
0x3e: {  	_ =	shalt  }
0x3f: {  	_ =	shalt  }
0x40: {  	_ =	shalt  }
0x41: {  	_ =	shalt  }
0x42: {  	_ =	shalt  }
0x43: {  	_ =	shalt  }
0x44: {  	_ =	shalt  }
0x45: {  	_ =	shalt  }
0x46: {  	_ =	shalt  }
0x47: {  	_ =	shalt  }
0x48: {  	_ =	shalt  }
0x49: {  	_ =	shalt  }
0x4a: {  	_ =	shalt  }
0x4b: {  	_ =	shalt  }
0x4c: {  	_ =	shalt  }
0x4d: {  	_ =	shalt  }
0x4e: {  	_ =	shalt  }
0x4f: {  	_ =	shalt  }
0x50: {  	_ =	shalt  }
0x51: {  	_ =	shalt  }
0x52: {  	_ =	shalt  }
0x53: {  	_ =	shalt  }
0x54: {  	_ =	shalt  }
0x55: {  	_ =	shalt  }
0x56: {  	_ =	shalt  }
0x57: {  	_ =	shalt  }
0x58: {  	_ =	shalt  }
0x59: {  	_ =	shalt  }
0x5a: {  	_ =	shalt  }
0x5b: {  	_ =	shalt  }
0x5c: {  	_ =	shalt  }
0x5d: {  	_ =	shalt  }
0x5e: {  	_ =	shalt  }
0x5f: {  	_ =	shalt  }
0x60: {  	_ =	shalt  }
0x61: {  	_ =	shalt  }
0x62: {  	_ =	shalt  }
0x63: {  	_ =	shalt  }
0x64: {  	_ =	shalt  }
0x65: {  	_ =	shalt  }
0x66: {  	_ =	shalt  }
0x67: {  	_ =	shalt  }
0x68: {  	_ =	shalt  }
0x69: {  	_ =	shalt  }
0x6a: {  	_ =	shalt  }
0x6b: {  	_ =	shalt  }
0x6c: {  	_ =	shalt  }
0x6d: {  	_ =	shalt  }
0x6e: {  	_ =	shalt  }
0x6f: {  	_ =	shalt  }
0x70: {  	_ =	shalt  }
0x71: {  	_ =	shalt  }
0x72: {  	_ =	shalt  }
0x73: {  	_ =	shalt  }
0x74: {  	_ =	shalt  }
0x75: {  	_ =	shalt  }
0x76: {  	_ =	shalt  }
0x77: {  	_ =	shalt  }
0x78: {  	_ =	shalt  }
0x79: {  	_ =	shalt  }
0x7a: {  	_ =	shalt  }
0x7b: {  	_ =	shalt  }
0x7c: {  	_ =	shalt  }
0x7d: {  	_ =	shalt  }
0x7e: {  	_ =	shalt  }
0x7f: {  	_ =	shalt  }
0x80: {  	_ =	shalt  }
0x81: {  	_ =	shalt  }
0x82: {  	_ =	shalt  }
0x83: {  	_ =	shalt  }
0x84: {  	_ =	shalt  }
0x85: {  	_ =	shalt  }
0x86: {  	_ =	shalt  }
0x87: {  	_ =	shalt  }
.Lfunc_end0:
.L_simem_size_0:
called_computation_lowered:
.L_overlay_start_0:
0x88: {  	s2 =	sld [smem:$0x3FD9]  }
0x89: {  	s3 =	sld [smem:$0x3FFE];
	_ =	sdelay $0x1  }
0x8a: {  	s1 =	srdreg.scid  }
0x8b: {  	s0 =	sand.u32 $0x1, s1  }
0x8c: {  	s16 =	sshll.u32 s0, $0xA;
	s2 =	sadd.s32 s3, s2  }
0x8d: {  	s2 =	sadd.s32 s2, s16  }
0x8e: {  	[smem:$0x3FC0] =	sst s2  }
0x8f: {  	_ = 	snop  }
0x90: {  	(tm) =	ssettm $0x1  }
0x91: {  	s17 =	sld [smem:$0x3FFB];
	_ =	sdelay $0x3  }
0x92: {  	_ =	strace s17  }
0x93: {  	s2 =	sld [smem:$0x3FFC];
	_ =	sdelay $0x3  }
0x94: {  	_ =	strace s2  }
0x95: {  	s2 =	sld [smem:$0x3FFD];
	_ =	sdelay $0x3  }
0x96: {  	_ =	strace s2  }
0x97: {  	_ =	strace $0x8FFFFFFF  }
0x98: {  	s18 =	sld [smem:$0x3FDB];
	_ =	sdelay $0x1  }
0x99: {  	s19 =	simm.s32 $_scs_section_size  }
0x9a: {  	s4 =	simm.s32 $_size__tile_overlayer_lowered;
	s5 =	simm.s32 $_tile_overlayer_lowered  }
0x9b: {  	s22 =	simm.s32 $0x1BFF;
	s21 =	sshll.u32 s5, $0x1;
	s2 =	sadd.s32 s19, s18  }
0x9c: {  	s6 =	simm.s32 $0x0;
	s20 =	sshll.u32 s4, $0x1;
	s4 =	sadd.s32 s21, s2  }
0x9d: {  	[timem:s6], [sflag:s22] =	dma.local [hbm:s4], s20  }
0x9e: {  	_ =	swait.ge [sflag:s22], s20  }
0x9f: {  	s3 =	ssub.s32 $0x0, s20;
	[sflag:s22] =	ssyncset.done $0x0  }
0xa0: {  	[sflag:s22] =	ssyncadd.s32 s3;
	_ =	sdelay $0x1  }
0xa1: {  	s23 =	simm.s32 $0x1B8B  }
0xa2: {  	_ =	swait.ge [sflag:s23], $0x1  }
0xa3: {  	[sflag:s23] =	ssyncset.done $0x0  }
0xa4: {  	s25 =	simm.s32 $0x1B8E;
	s24 =	sld [smem:$0x3FFE];
	[sflag:s23] =	ssyncadd.s32 $0xFFFFFFFF  }
0xa5: {  	s26 =	simm.s32 $execute0_lowered;
	[smem:$0x3FD2] =	sst s25  }
0xa6: {  	s4 =	sshll.u32 s26, $0x1;
	_ =	strace $0x80000046;
	[dreg:$0x1] =	wrdreg $0xFFFFFFFF  }
0xa7: {  	s28 =	simm.s32 $_size_execute0_lowered;
	s2 =	sadd.s32 s2, s4;
	[dreg:$0x0] =	wrdreg $0x0  }
0xa8: {  	s4 =	sshll.u32 s28, $0x1;
	[dreg:$0x2] =	wrdreg s2  }
0xa9: {  	[dreg:$0x3] =	wrdreg s4  }
0xaa: {  	[dreg:$0x4] =	wrdreg $0xC0  }
0xab: {  	_ =	task [dreg:s6], $0x5FFFF  }
0xac: {  	[dreg:$0x1] =	wrdreg $0xFFFFFFFF  }
0xad: {  	[dreg:$0x0] =	wrdreg $0x60  }
0xae: {  	[dreg:$0x2] =	wrdreg s24  }
0xaf: {  	[dreg:$0x3] =	wrdreg $0xAC800  }
0xb0: {  	[dreg:$0x4] =	wrdreg $0x9  }
0xb1: {  	_ =	task.clear_ibuf [dreg:s6], $0x5FFFF;
	_ =	strace $0x90000046  }
0xb2: {  	s29 =	simm.s32 $0x9;
	_ =	strace $0x80000048  }
0xb3: {  	_ =	swait.ge [sflag:s29], $0x1  }
0xb4: {  	[sflag:s29] =	ssyncadd.s32 $0xFFFFFFFF  }
0xb5: {  	_ =	strace $0x90000048  }
0xb6: {  	_ =	sfence  }
0xb7: {  	s30 =	sld [smem:$0x0];
	_ =	sdelay $0x2  }
0xb8: {  	s31 =	sshll.u32 s1, $0xD;
	s1 =	sshrl.u32 s1, $0x2  }
0xb9: {  	s3 =	sand.u32 $0x4000, s31;
	s1 =	sadd.s32 s1, s30  }
0xba: {  	s0 =	sor.u32 s3, s0;
	s1 =	sshll.u32 s1, $0x11  }
0xbb: {  	s0 =	sor.u32 s1, s0  }
0xbc: {  	s0 =	sadd.s32 $0x8F2B, s0  }
0xbd: {  	[sflag:s0] =	ssyncadd.remote.s32 $0x1  }
0xbe: {  	_ =	sfence.sel $0xFFFF  }
0xbf: {  	[dreg:$0x0] =	wrdreg $0xFFFFFFFF;
	(pc) =	sbr.abs _section_cstart, $3  }
0xc0: {  	[dreg:$0x1] =	wrdreg $0xFFFFFFFF  }
0xc1: {  	_ =	task.clear_ibuf [dreg:s6], $0x2FFFF;
	_ =	strace $0x9FFFFFFF  }
0xc2: {  	(tm) =	ssettm $0x7FFFFFFF  }
0xc3: {  	_ =	shalt  }
tec
execute0_lowered:
.L_overlay_start_1:
0x0: {  	(tag) =	ssettag $0x1  }
0x1: {  	s0 =	rddreg [dreg:$0x0]  }
0x2: {  	s1 =	rddreg [dreg:$0x1];
	s2 =	simm.s32 $0x0;
	s3 =	srdreg.scid  }
0x3: {  	s21 =	stileid.u32;
	s29 =	simm.s32 $0x6;
	s28 =	simm.s32 $0x8  }
0x4: {  	s31 =	simm.s32 $0x9;
	[smem:$0x7FF] =	sst s2;
	s12 =	sadd.s32 $0x23600, s0  }
0x5: {  	s7 =	sand.u32 $0x1, s3;
	s9 =	sadd.s32 $0x3600, s0;
	s6 =	smul.u32 $0x13C00, s21  }
0x6: {  	s11 =	sadd.s32 $0xD9800, s0;
	s25 =	sshll.u32 s21, $0x10;
	_ =	strace $0x80000047  }
0x7: {  	s3 =	ssub.s32 $0x2, s7;
	s13 =	smul.u32 $0x13C000, s7;
	s15 =	sshll.u32 s7, $0xF  }
0x8: {  	s7 =	sshll.u32 s7, $0xC;
	s4 =	sshrl.u32 s3, $0x1;
	s5 =	sadd.s32 $0x4000, s6  }
0x9: {  	s3 =	ssub.s32 s3, s4;
	s4 =	sadd.s32 $0x2000, s6;
	s8 =	sadd.s32 s6, s13  }
0xa: {  	s14 =	sadd.s32 s13, s5;
	s10 =	sadd.s32 s13, s4;
	s8 =	sshrl.u32 s8, $0x3  }
0xb: {  	s14 =	sshrl.u32 s14, $0x3;
	s4 =	sadd.s32 s4, s1;
	s10 =	sshrl.u32 s10, $0x3  }
0xc: {  	s20 =	sadd.s32 s11, s8;
	s24 =	sadd.s32 s11, s14;
	s8 =	sadd.s32 $0x6000, s6  }
0xd: {  	s14 =	sor.u32 s15, s25;
	[dreg:$0x1c] =	wrdreg s4;
	s4 =	simm.s32 $0x40  }
0xe: {  	s22 =	sadd.s32 s11, s10;
	[dreg:$0x10] =	wrdreg s24;
	s16 =	sadd.s32 s13, s8  }
0xf: {  	s10 =	sadd.s32 $0x8000, s6;
	s17 =	sor.u32 $0x400, s14;
	s14 =	sshrl.u32 s14, $0x3  }
0x10: {  	s26 =	sshrl.u32 s16, $0x3;
	s30 =	sadd.s32 s13, s10;
	s25 =	sadd.s32 s14, s9  }
0x11: {  	s18 =	sshrl.u32 s17, $0x3;
	s15 =	sadd.s32 s11, s26;
	[dreg:$0x5] =	wrdreg s25  }
0x12: {  	s17 =	sadd.s32 $0xA000, s6;
	s19 =	sadd.s32 s18, s9;
	[dreg:$0x11] =	wrdreg s15  }
0x13: {  	s16 =	sshrl.u32 s30, $0x3;
	s23 =	sadd.s32 s18, s12;
	[dreg:$0x3] =	wrdreg s19  }
0x14: {  	s24 =	sadd.s32 s13, s17;
	s12 =	sadd.s32 s14, s12;
	[dreg:$0x4] =	wrdreg s23  }
0x15: {  	s30 =	simm.s32 $0x80;
	s14 =	simm.s32 $0x100;
	[dreg:$0x6] =	wrdreg s12  }
0x16: {  	s18 =	simm.s32 $0x180;
	s17 =	sadd.s32 s17, s1;
	[dreg:$0x7] =	wrdreg s30  }
0x17: {  	s15 =	sadd.s32 s11, s16;
	s16 =	sshrl.u32 s24, $0x3;
	[dreg:$0x8] =	wrdreg s14  }
0x18: {  	[dreg:$0x9] =	wrdreg s18;
	s19 =	simm.s32 $0x880;
	s18 =	sadd.s32 $0xE000, s6  }
0x19: {  	s12 =	sadd.s32 $0x10000, s6;
	s30 =	simm.s32 $0x900;
	[smem:$0x7F6] =	sst s17  }
0x1a: {  	s17 =	simm.s32 $0x3;
	[dreg:$0x12] =	wrdreg s15;
	s26 =	sadd.s32 s11, s16  }
0x1b: {  	s16 =	sadd.s32 $0xC000, s6;
	[dreg:$0xa] =	wrdreg s19;
	s23 =	sadd.s32 s13, s18  }
0x1c: {  	s24 =	sadd.s32 s13, s12;
	s19 =	sadd.s32 $0x12000, s6;
	[dreg:$0xb] =	wrdreg s30  }
0x1d: {  	s6 =	sshrl.u32 s6, $0x3;
	[dreg:$0x13] =	wrdreg s26;
	s15 =	sadd.s32 s13, s16  }
0x1e: {  	s13 =	sadd.s32 s13, s19;
	s26 =	sshll.u32 s21, $0xD;
	s6 =	sadd.s32 s6, s0  }
0x1f: {  	s14 =	sshrl.u32 s15, $0x3;
	s15 =	sshrl.u32 s24, $0x3;
	s24 =	simm.s32 $0xA00  }
0x20: {  	s13 =	sshrl.u32 s13, $0x3;
	s30 =	sadd.s32 $0xB2000, s6;
	[dreg:$0xd] =	wrdreg s24  }
0x21: {  	s9 =	sadd.s32 s26, s9;
	s6 =	sadd.s32 s5, s1;
	[dreg:$0x1b] =	wrdreg s30  }
0x22: {  	s5 =	simm.s32 $0x480;
	s14 =	sadd.s32 s11, s14;
	[dreg:$0x1d] =	wrdreg s6  }
0x23: {  	s25 =	sadd.s32 s11, s15;
	s15 =	simm.s32 $0x980;
	[dreg:$0x14] =	wrdreg s14  }
0x24: {  	s24 =	sadd.s32 s18, s1;
	s30 =	smax.u32 s3, $0x1;
	[dreg:$0x16] =	wrdreg s25  }
0x25: {  	s3 =	simm.s32 $0xC00;
	s6 =	simm.s32 $0x500;
	[dreg:$0xc] =	wrdreg s15  }
0x26: {  	s14 =	sshrl.u32 s23, $0x3;
	s23 =	smul.u32 $0x4F000, s21;
	[smem:$0x7F8] =	sst s24  }
0x27: {  	s15 =	sadd.s32 $0x6A800, s0;
	s25 =	sadd.s32 $0xB1C00, s0;
	[smem:$0x7FB] =	sst s30  }
0x28: {  	s14 =	sadd.s32 s11, s14;
	s11 =	sadd.s32 s11, s13;
	[dreg:$0x18] =	wrdreg s25  }
0x29: {  	s13 =	sadd.s32 s26, s0;
	s0 =	sadd.s32 $0xB1A00, s0;
	[dreg:$0x15] =	wrdreg s14  }
0x2a: {  	s25 =	sadd.s32 s12, s1;
	s12 =	simm.s32 $0x2;
	[dreg:$0x17] =	wrdreg s11  }
0x2b: {  	s14 =	sadd.s32 s7, s9;
	s7 =	sadd.s32 s7, s13;
	[dreg:$0x19] =	wrdreg s0  }
0x2c: {  	s13 =	smov.u32 s20;
	s9 =	sadd.s32 s8, s1;
	[smem:$0x7F9] =	sst s25  }
0x2d: {  	s26 =	sshrl.u32 s23, $0x2;
	s11 =	sadd.s32 s10, s1;
	[dreg:$0x1e] =	wrdreg s9  }
0x2e: {  	s20 =	sadd.s32 s16, s1;
	s0 =	simm.s32 $0xB;
	[dreg:$0x1f] =	wrdreg s11  }
0x2f: {  	s16 =	simm.s32 $0x400;
	s8 =	simm.s32 $0x600;
	[smem:$0x7F7] =	sst s20  }
0x30: {  	s10 =	simm.s32 $0x0;
	s23 =	sadd.s32 s26, s1;
	[dreg:$0xe] =	wrdreg s13  }
.Ltmp0:
0x31: {  	s26 =	sadd.s32 s19, s1;
	[smem:$0x7FC] =	sst s14;
	(pc) =	sbr.rel .LBB2_1-.Ltmp0, $4  }
0x32: {  	s25 =	simm.s32 $0x4C00;
	s19 =	smov.u32 s22;
	[smem:$0x7FA] =	sst s26  }
0x33: {  	s24 =	sadd.s32 $0x91A00, s7;
	s7 =	simm.s32 $0x580;
	[dreg:$0x1a] =	wrdreg s23  }
0x34: {  	s11 =	simm.s32 $0x1;
	s20 =	simm.s32 $0x4;
	[dreg:$0xf] =	wrdreg s19  }
0x35: {  	s22 =	simm.s32 $0x5;
	[smem:$0x7FD] =	sst s24;
	s26 =	simm.s32 $0x6C00  }
.LBB2_13:
0x36: {  	[bflag:$0x0] =	sbarrier.arrive $0xFFFF  }
0x37: {  	[tilespmem:s3], [sflag:$0xB] =	stream.linear.gather [spmem:s23], $0x2000, $0x38;
	[tilespmem:$0x1E880] =	vst v63  }
0x38: {  	_ =	swait.ge [sflag:s0], $0x2000  }
0x39: {  	[sflag:s0] =	ssyncset.done $0x0  }
0x3a: {  	[sflag:s0] =	ssyncadd.s32 $0xFFFFE000  }
0x3b: {  	[hbm4b:s13+s2] =	stream.linear.scatter [tilespmem:s3], [sflag:$0xB], $0x2000, $0x38;
	[tilespmem:$0x1E880] =	vst v63  }
0x3c: {  	_ =	swait.ge [sflag:s0], $0x2000  }
0x3d: {  	[sflag:s0] =	ssyncset.done $0x0  }
0x3e: {  	s9 =	rddreg [dreg:$0x1c];
	[sflag:s0] =	ssyncadd.s32 $0xFFFFE000  }
0x3f: {  	[tilespmem:s3], [sflag:$0xB] =	stream.linear.gather [spmem:s9], $0x2000, $0x38;
	[tilespmem:$0x1E880] =	vst v63  }
0x40: {  	_ =	swait.ge [sflag:s0], $0x2000  }
0x41: {  	[sflag:s0] =	ssyncset.done $0x0  }
0x42: {  	[sflag:s0] =	ssyncadd.s32 $0xFFFFE000  }
0x43: {  	[hbm4b:s19+s2] =	stream.linear.scatter [tilespmem:s3], [sflag:$0xB], $0x2000, $0x38;
	[tilespmem:$0x1E880] =	vst v63  }
0x44: {  	_ =	swait.ge [sflag:s0], $0x2000  }
0x45: {  	[sflag:s0] =	ssyncset.done $0x0  }
0x46: {  	s30 =	rddreg [dreg:$0x1d];
	[sflag:s0] =	ssyncadd.s32 $0xFFFFE000  }
0x47: {  	[tilespmem:s3], [sflag:$0xB] =	stream.linear.gather [spmem:s30], $0x2000, $0x38;
	[tilespmem:$0x1E880] =	vst v63  }
0x48: {  	_ =	swait.ge [sflag:s0], $0x2000  }
0x49: {  	[sflag:s0] =	ssyncset.done $0x0  }
0x4a: {  	s18 =	rddreg [dreg:$0x10];
	[sflag:s0] =	ssyncadd.s32 $0xFFFFE000  }
0x4b: {  	[hbm4b:s18+s2] =	stream.linear.scatter [tilespmem:s3], [sflag:$0xB], $0x2000, $0x38;
	[tilespmem:$0x1E880] =	vst v63  }
0x4c: {  	_ =	swait.ge [sflag:s0], $0x2000  }
0x4d: {  	[sflag:s0] =	ssyncset.done $0x0  }
0x4e: {  	s30 =	rddreg [dreg:$0x1e];
	[sflag:s0] =	ssyncadd.s32 $0xFFFFE000  }
0x4f: {  	[tilespmem:s3], [sflag:$0xB] =	stream.linear.gather [spmem:s30], $0x2000, $0x38;
	[tilespmem:$0x1E880] =	vst v63  }
0x50: {  	_ =	swait.ge [sflag:s0], $0x2000  }
0x51: {  	[sflag:s0] =	ssyncset.done $0x0  }
0x52: {  	s18 =	rddreg [dreg:$0x11];
	[sflag:s0] =	ssyncadd.s32 $0xFFFFE000  }
0x53: {  	[hbm4b:s18+s2] =	stream.linear.scatter [tilespmem:s3], [sflag:$0xB], $0x2000, $0x38;
	[tilespmem:$0x1E880] =	vst v63  }
0x54: {  	_ =	swait.ge [sflag:s0], $0x2000  }
0x55: {  	[sflag:s0] =	ssyncset.done $0x0  }
0x56: {  	s30 =	rddreg [dreg:$0x1f];
	[sflag:s0] =	ssyncadd.s32 $0xFFFFE000  }
0x57: {  	[tilespmem:s3], [sflag:$0xB] =	stream.linear.gather [spmem:s30], $0x2000, $0x38;
	[tilespmem:$0x1E880] =	vst v63  }
0x58: {  	_ =	swait.ge [sflag:s0], $0x2000  }
0x59: {  	[sflag:s0] =	ssyncset.done $0x0  }
0x5a: {  	s18 =	rddreg [dreg:$0x12];
	[sflag:s0] =	ssyncadd.s32 $0xFFFFE000  }
0x5b: {  	[hbm4b:s18+s2] =	stream.linear.scatter [tilespmem:s3], [sflag:$0xB], $0x2000, $0x38;
	[tilespmem:$0x1E880] =	vst v63  }
0x5c: {  	_ =	swait.ge [sflag:s0], $0x2000  }
0x5d: {  	s30 =	sld [smem:$0x7F6]  }
0x5e: {  	[sflag:s0] =	ssyncset.done $0x0  }
0x5f: {  	[sflag:s0] =	ssyncadd.s32 $0xFFFFE000  }
0x60: {  	[tilespmem:s3], [sflag:$0xB] =	stream.linear.gather [spmem:s30], $0x2000, $0x38;
	[tilespmem:$0x1E880] =	vst v63  }
0x61: {  	_ =	swait.ge [sflag:s0], $0x2000  }
0x62: {  	[sflag:s0] =	ssyncset.done $0x0  }
0x63: {  	s18 =	rddreg [dreg:$0x13];
	[sflag:s0] =	ssyncadd.s32 $0xFFFFE000  }
0x64: {  	[hbm4b:s18+s2] =	stream.linear.scatter [tilespmem:s3], [sflag:$0xB], $0x2000, $0x38;
	[tilespmem:$0x1E880] =	vst v63  }
0x65: {  	_ =	swait.ge [sflag:s0], $0x2000  }
0x66: {  	s30 =	sld [smem:$0x7F7]  }
0x67: {  	[sflag:s0] =	ssyncset.done $0x0  }
0x68: {  	[sflag:s0] =	ssyncadd.s32 $0xFFFFE000  }
0x69: {  	[tilespmem:s3], [sflag:$0xB] =	stream.linear.gather [spmem:s30], $0x2000, $0x38;
	[tilespmem:$0x1E880] =	vst v63  }
0x6a: {  	_ =	swait.ge [sflag:s0], $0x2000  }
0x6b: {  	[sflag:s0] =	ssyncset.done $0x0  }
0x6c: {  	s18 =	rddreg [dreg:$0x14];
	[sflag:s0] =	ssyncadd.s32 $0xFFFFE000  }
0x6d: {  	[hbm4b:s18+s2] =	stream.linear.scatter [tilespmem:s3], [sflag:$0xB], $0x2000, $0x38;
	[tilespmem:$0x1E880] =	vst v63  }
0x6e: {  	_ =	swait.ge [sflag:s0], $0x2000  }
0x6f: {  	s30 =	sld [smem:$0x7F8]  }
0x70: {  	[sflag:s0] =	ssyncset.done $0x0  }
0x71: {  	[sflag:s0] =	ssyncadd.s32 $0xFFFFE000  }
0x72: {  	[tilespmem:s3], [sflag:$0xB] =	stream.linear.gather [spmem:s30], $0x2000, $0x38;
	[tilespmem:$0x1E880] =	vst v63  }
0x73: {  	_ =	swait.ge [sflag:s0], $0x2000  }
0x74: {  	[sflag:s0] =	ssyncset.done $0x0  }
0x75: {  	s18 =	rddreg [dreg:$0x15];
	[sflag:s0] =	ssyncadd.s32 $0xFFFFE000  }
0x76: {  	[hbm4b:s18+s2] =	stream.linear.scatter [tilespmem:s3], [sflag:$0xB], $0x2000, $0x38;
	[tilespmem:$0x1E880] =	vst v63  }
0x77: {  	_ =	swait.ge [sflag:s0], $0x2000  }
0x78: {  	s30 =	sld [smem:$0x7F9]  }
0x79: {  	[sflag:s0] =	ssyncset.done $0x0  }
0x7a: {  	[sflag:s0] =	ssyncadd.s32 $0xFFFFE000  }
0x7b: {  	[tilespmem:s3], [sflag:$0xB] =	stream.linear.gather [spmem:s30], $0x2000, $0x38;
	[tilespmem:$0x1E880] =	vst v63  }
0x7c: {  	_ =	swait.ge [sflag:s0], $0x2000  }
0x7d: {  	[sflag:s0] =	ssyncset.done $0x0  }
0x7e: {  	s18 =	rddreg [dreg:$0x16];
	[sflag:s0] =	ssyncadd.s32 $0xFFFFE000  }
0x7f: {  	[hbm4b:s18+s2] =	stream.linear.scatter [tilespmem:s3], [sflag:$0xB], $0x2000, $0x38;
	[tilespmem:$0x1E880] =	vst v63  }
0x80: {  	_ =	swait.ge [sflag:s0], $0x2000  }
0x81: {  	s30 =	sld [smem:$0x7FA]  }
0x82: {  	[sflag:s0] =	ssyncset.done $0x0  }
0x83: {  	[sflag:s0] =	ssyncadd.s32 $0xFFFFE000  }
0x84: {  	[tilespmem:s3], [sflag:$0xB] =	stream.linear.gather [spmem:s30], $0x1C00, $0x38;
	[tilespmem:$0x1E880] =	vst v63  }
0x85: {  	_ =	swait.ge [sflag:s0], $0x1C00  }
0x86: {  	[sflag:s0] =	ssyncset.done $0x0  }
0x87: {  	s18 =	rddreg [dreg:$0x17];
	[sflag:s0] =	ssyncadd.s32 $0xFFFFE400  }
0x88: {  	[hbm4b:s18+s2] =	stream.linear.scatter [tilespmem:s3], [sflag:$0xB], $0x1C00, $0x38;
	[tilespmem:$0x1E880] =	vst v63  }
0x89: {  	_ =	swait.ge [sflag:s0], $0x1C00  }
0x8a: {  	s30 =	sld [smem:$0x7FB];
	_ =	sdelay $0x1  }
0x8b: {  	s10 =	sadd.s32 $0x1, s10  }
0x8c: {  	p0 =	sne.s32 s10, s30  }
.Ltmp1:
0x8d: {  	_ = 	snop;
	(pc) =	sbr.rel @!p0 .LBB2_14-.Ltmp1, $3  }
0x8e: {  	_ =	sdelay $0x1  }
0x8f: {  	[sflag:s0] =	ssyncset.done $0x0  }
0x90: {  	[sflag:s0] =	ssyncadd.s32 $0xFFFFE400  }
.LBB2_1:
0x91: {  	s9 =	rddreg [dreg:$0x19];
	s18 =	simm.s32 $0xAC00  }
0x92: {  	[tilespmem:s18], [sflag:$0xB] =	stream.linear.gather [hbm4b:s9+s2], $0x80, $0x38;
	[tilespmem:$0x1E880] =	vst v63  }
0x93: {  	s30 =	sshll.u32 s21, $0x6;
	_ =	swait.ge [sflag:s0], $0x80  }
0x94: {  	s9 =	sor.u32 $0x1C0B, s30;
	[sflag:s0] =	ssyncset.done $0x0  }
0x95: {  	s18 =	sshrl.u32 s23, $0x3;
	s30 =	rddreg [dreg:$0x1b];
	[sflag:s0] =	ssyncadd.s32 $0xFFFFFF80  }
0x96: {  	[spmem:s18], [sflag:s9] =	dma.local [hbm:s30], $0x2780  }
0x97: {  	_ =	swait.ge [sflag:s0], $0x2780  }
0x98: {  	[sflag:s0] =	ssyncset.done $0x0  }
0x99: {  	[sflag:s0] =	ssyncadd.s32 $0xFFFFD880  }
0x9a: {  	[bflag:$0x0] =	sbarrier.arrive $0xFFFF  }
0x9b: {  	v0 =	vld [tilespmem:$0xAC00];
	_ =	sdelay $0x4  }
0x9c: {  	(v2sf) =	vpush v0, $0x0;
	_ =	sdelay $0xe  }
0x9d: {  	s9 =	spop (v2sf)  }
0x9e: {  	p0 =	seq.s32 s9, $0x1  }
.Ltmp2:
0x9f: {  	_ = 	snop;
	(pc) =	sbr.rel @p0 .LBB2_6-.Ltmp2, $1  }
0xa0: {  	_ =	sdelay $0x3  }
0xa1: {  	p0 =	sne.s32 s9, $0x0  }
.Ltmp3:
0xa2: {  	_ = 	snop;
	(pc) =	sbr.rel @p0 .LBB2_9-.Ltmp3, $1  }
0xa3: {  	_ =	sdelay $0x3  }
0xa4: {  	s9 =	simm.s32 $0x0;
	s18 =	rddreg [dreg:$0x18]  }
0xa5: {  	[tilespmem:s3], [sflag:$0xB] =	stream.linear.gather [hbm4b:s18+s9], $0x2000, $0x38;
	[tilespmem:$0x1E880] =	vst v63  }
0xa6: {  	_ =	swait.ge [sflag:s0], $0x2000  }
0xa7: {  	[sflag:s0] =	ssyncset.done $0x0  }
0xa8: {  	s30 =	sadd.s32 $0x0, s24;
	[sflag:s0] =	ssyncadd.s32 $0xFFFFE000  }
0xa9: {  	[tilespmem:s16], [sflag:$0xB] =	stream.linear.gather [hbm4b:s30+s2], $0x280, $0x38;
	[tilespmem:$0x1E880] =	vst v63  }
0xaa: {  	_ =	swait.ge [sflag:s0], $0x280  }
0xab: {  	[sflag:s0] =	ssyncset.done $0x0  }
0xac: {  	[sflag:s0] =	ssyncadd.s32 $0xFFFFFD80  }
0xad: {  	[spmem:s1] =	stream.indirect.scatter.add.f32 [tilespmem:s3], [sflag:$0xB], $0x80, s16, s4, $0xb8;
	[tilespmem:$0x1E880] =	vst v63  }
0xae: {  	_ =	swait.ge [sflag:s0], $0x2000  }
0xaf: {  	[sflag:s0] =	ssyncset.done $0x0  }
0xb0: {  	[sflag:s0] =	ssyncadd.s32 $0xFFFFE000  }
0xb1: {  	[spmem:s1] =	stream.indirect.scatter.add.f32 [tilespmem:s3], [sflag:$0xB], $0x80, s5, s4, $0xb8;
	[tilespmem:$0x1E880] =	vst v63  }
0xb2: {  	_ =	swait.ge [sflag:s0], $0x2000  }
0xb3: {  	[sflag:s0] =	ssyncset.done $0x0  }
0xb4: {  	[sflag:s0] =	ssyncadd.s32 $0xFFFFE000  }
0xb5: {  	[spmem:s1] =	stream.indirect.scatter.add.f32 [tilespmem:s3], [sflag:$0xB], $0x80, s6, s4, $0xb8;
	[tilespmem:$0x1E880] =	vst v63  }
0xb6: {  	_ =	swait.ge [sflag:s0], $0x2000  }
0xb7: {  	[sflag:s0] =	ssyncset.done $0x0  }
0xb8: {  	[sflag:s0] =	ssyncadd.s32 $0xFFFFE000  }
0xb9: {  	[spmem:s1] =	stream.indirect.scatter.add.f32 [tilespmem:s3], [sflag:$0xB], $0x80, s7, s4, $0xb8;
	[tilespmem:$0x1E880] =	vst v63  }
0xba: {  	_ =	swait.ge [sflag:s0], $0x2000  }
0xbb: {  	[sflag:s0] =	ssyncset.done $0x0  }
0xbc: {  	[sflag:s0] =	ssyncadd.s32 $0xFFFFE000  }
0xbd: {  	[spmem:s1] =	stream.indirect.scatter.add.f32 [tilespmem:s3], [sflag:$0xB], $0x80, s8, s4, $0xb8;
	[tilespmem:$0x1E880] =	vst v63  }
0xbe: {  	_ =	swait.ge [sflag:s0], $0x2000  }
0xbf: {  	s9 =	simm.s32 $0x80;
	s18 =	simm.s32 $0x100;
	[sflag:s0] =	ssyncset.done $0x0  }
.LBB2_4:
0xc0: {  	s23 =	sadd.s32 s9, s24  }
0xc1: {  	[sflag:s0] =	ssyncadd.s32 $0xFFFFE000;
	s9 =	smov.u32 s18;
	s30 =	sadd.s32 $0x80, s18  }
0xc2: {  	[tilespmem:s16], [sflag:$0xB] =	stream.linear.gather [hbm4b:s23+s2], $0x280, $0x38;
	[tilespmem:$0x1E880] =	vst v63  }
0xc3: {  	p0 =	seq.s32 s18, $0xF80;
	_ =	swait.ge [sflag:s0], $0x280  }
0xc4: {  	[sflag:s0] =	ssyncset.done $0x0  }
0xc5: {  	[sflag:s0] =	ssyncadd.s32 $0xFFFFFD80  }
0xc6: {  	[spmem:s1] =	stream.indirect.scatter.add.f32 [tilespmem:s3], [sflag:$0xB], $0x80, s16, s4, $0xb8;
	[tilespmem:$0x1E880] =	vst v63  }
0xc7: {  	_ =	swait.ge [sflag:s0], $0x2000  }
0xc8: {  	[sflag:s0] =	ssyncset.done $0x0  }
0xc9: {  	[sflag:s0] =	ssyncadd.s32 $0xFFFFE000  }
0xca: {  	[spmem:s1] =	stream.indirect.scatter.add.f32 [tilespmem:s3], [sflag:$0xB], $0x80, s5, s4, $0xb8;
	[tilespmem:$0x1E880] =	vst v63  }
0xcb: {  	_ =	swait.ge [sflag:s0], $0x2000  }
0xcc: {  	[sflag:s0] =	ssyncset.done $0x0  }
0xcd: {  	[sflag:s0] =	ssyncadd.s32 $0xFFFFE000  }
0xce: {  	[spmem:s1] =	stream.indirect.scatter.add.f32 [tilespmem:s3], [sflag:$0xB], $0x80, s6, s4, $0xb8;
	[tilespmem:$0x1E880] =	vst v63  }
0xcf: {  	_ =	swait.ge [sflag:s0], $0x2000  }
0xd0: {  	[sflag:s0] =	ssyncset.done $0x0  }
0xd1: {  	[sflag:s0] =	ssyncadd.s32 $0xFFFFE000  }
0xd2: {  	[spmem:s1] =	stream.indirect.scatter.add.f32 [tilespmem:s3], [sflag:$0xB], $0x80, s7, s4, $0xb8;
	[tilespmem:$0x1E880] =	vst v63  }
0xd3: {  	_ =	swait.ge [sflag:s0], $0x2000  }
.Ltmp4:
0xd4: {  	[sflag:s0] =	ssyncset.done $0x0;
	(pc) =	sbr.rel @!p0 .LBB2_4-.Ltmp4, $4  }
0xd5: {  	[sflag:s0] =	ssyncadd.s32 $0xFFFFE000  }
0xd6: {  	[spmem:s1] =	stream.indirect.scatter.add.f32 [tilespmem:s3], [sflag:$0xB], $0x80, s8, s4, $0xb8;
	[tilespmem:$0x1E880] =	vst v63  }
0xd7: {  	_ =	swait.ge [sflag:s0], $0x2000  }
0xd8: {  	s18 =	smov.u32 s30;
	[sflag:s0] =	ssyncset.done $0x0  }
0xd9: {  	s9 =	sadd.s32 s9, s24;
	[sflag:s0] =	ssyncadd.s32 $0xFFFFE000  }
0xda: {  	[tilespmem:s16], [sflag:$0xB] =	stream.linear.gather [hbm4b:s9+s2], $0x280, $0x38;
	[tilespmem:$0x1E880] =	vst v63  }
0xdb: {  	_ =	swait.ge [sflag:s0], $0x280  }
0xdc: {  	[sflag:s0] =	ssyncset.done $0x0  }
0xdd: {  	[sflag:s0] =	ssyncadd.s32 $0xFFFFFD80  }
0xde: {  	[spmem:s1] =	stream.indirect.scatter.add.f32 [tilespmem:s3], [sflag:$0xB], $0x80, s16, s4, $0xb8;
	[tilespmem:$0x1E880] =	vst v63  }
0xdf: {  	_ =	swait.ge [sflag:s0], $0x2000  }
0xe0: {  	[sflag:s0] =	ssyncset.done $0x0  }
0xe1: {  	[sflag:s0] =	ssyncadd.s32 $0xFFFFE000  }
0xe2: {  	[spmem:s1] =	stream.indirect.scatter.add.f32 [tilespmem:s3], [sflag:$0xB], $0x80, s5, s4, $0xb8;
	[tilespmem:$0x1E880] =	vst v63  }
0xe3: {  	_ =	swait.ge [sflag:s0], $0x2000  }
0xe4: {  	[sflag:s0] =	ssyncset.done $0x0  }
0xe5: {  	[sflag:s0] =	ssyncadd.s32 $0xFFFFE000  }
0xe6: {  	[spmem:s1] =	stream.indirect.scatter.add.f32 [tilespmem:s3], [sflag:$0xB], $0x80, s6, s4, $0xb8;
	[tilespmem:$0x1E880] =	vst v63  }
0xe7: {  	_ =	swait.ge [sflag:s0], $0x2000  }
0xe8: {  	[sflag:s0] =	ssyncset.done $0x0  }
0xe9: {  	[sflag:s0] =	ssyncadd.s32 $0xFFFFE000  }
0xea: {  	[spmem:s1] =	stream.indirect.scatter.add.f32 [tilespmem:s3], [sflag:$0xB], $0x80, s7, s4, $0xb8;
	[tilespmem:$0x1E880] =	vst v63  }
0xeb: {  	_ =	swait.ge [sflag:s0], $0x2000  }
0xec: {  	[sflag:s0] =	ssyncset.done $0x0  }
.Ltmp5:
0xed: {  	[sflag:s0] =	ssyncadd.s32 $0xFFFFE000;
	(pc) =	sbr.rel .LBB2_13-.Ltmp5, $4  }
0xee: {  	[spmem:s1] =	stream.indirect.scatter.add.f32 [tilespmem:s3], [sflag:$0xB], $0x80, s8, s4, $0xb8;
	[tilespmem:$0x1E880] =	vst v63  }
0xef: {  	_ =	swait.ge [sflag:s0], $0x2000  }
0xf0: {  	[sflag:s0] =	ssyncset.done $0x0  }
0xf1: {  	s23 =	rddreg [dreg:$0x1a];
	[sflag:s0] =	ssyncadd.s32 $0xFFFFE000  }
.LBB2_6:
0xf2: {  	s9 =	simm.s32 $0x0;
	s18 =	rddreg [dreg:$0x18]  }
0xf3: {  	[tilespmem:s3], [sflag:$0xB] =	stream.linear.gather [hbm4b:s18+s9], $0x2000, $0x38;
	[tilespmem:$0x1E880] =	vst v63  }
0xf4: {  	_ =	swait.ge [sflag:s0], $0x2000  }
0xf5: {  	[sflag:s0] =	ssyncset.done $0x0  }
0xf6: {  	s30 =	sadd.s32 $0x0, s14;
	[sflag:s0] =	ssyncadd.s32 $0xFFFFE000  }
0xf7: {  	[tilespmem:s16], [sflag:$0xB] =	stream.linear.gather [hbm4b:s30+s2], $0x280, $0x38;
	[tilespmem:$0x1E880] =	vst v63  }
0xf8: {  	_ =	swait.ge [sflag:s0], $0x280  }
0xf9: {  	[sflag:s0] =	ssyncset.done $0x0  }
0xfa: {  	[sflag:s0] =	ssyncadd.s32 $0xFFFFFD80  }
0xfb: {  	[spmem:s1] =	stream.indirect.scatter.add.f32 [tilespmem:s3], [sflag:$0xB], $0x80, s16, s4, $0xb8;
	[tilespmem:$0x1E880] =	vst v63  }
0xfc: {  	_ =	swait.ge [sflag:s0], $0x2000  }
0xfd: {  	[sflag:s0] =	ssyncset.done $0x0  }
0xfe: {  	[sflag:s0] =	ssyncadd.s32 $0xFFFFE000  }
0xff: {  	[spmem:s1] =	stream.indirect.scatter.add.f32 [tilespmem:s3], [sflag:$0xB], $0x80, s5, s4, $0xb8;
	[tilespmem:$0x1E880] =	vst v63  }
0x100: {  	_ =	swait.ge [sflag:s0], $0x2000  }
0x101: {  	[sflag:s0] =	ssyncset.done $0x0  }
0x102: {  	[sflag:s0] =	ssyncadd.s32 $0xFFFFE000  }
0x103: {  	[spmem:s1] =	stream.indirect.scatter.add.f32 [tilespmem:s3], [sflag:$0xB], $0x80, s6, s4, $0xb8;
	[tilespmem:$0x1E880] =	vst v63  }
0x104: {  	_ =	swait.ge [sflag:s0], $0x2000  }
0x105: {  	[sflag:s0] =	ssyncset.done $0x0  }
0x106: {  	[sflag:s0] =	ssyncadd.s32 $0xFFFFE000  }
0x107: {  	[spmem:s1] =	stream.indirect.scatter.add.f32 [tilespmem:s3], [sflag:$0xB], $0x80, s7, s4, $0xb8;
	[tilespmem:$0x1E880] =	vst v63  }
0x108: {  	_ =	swait.ge [sflag:s0], $0x2000  }
0x109: {  	[sflag:s0] =	ssyncset.done $0x0  }
0x10a: {  	[sflag:s0] =	ssyncadd.s32 $0xFFFFE000  }
0x10b: {  	[spmem:s1] =	stream.indirect.scatter.add.f32 [tilespmem:s3], [sflag:$0xB], $0x80, s8, s4, $0xb8;
	[tilespmem:$0x1E880] =	vst v63  }
0x10c: {  	_ =	swait.ge [sflag:s0], $0x2000  }
0x10d: {  	s9 =	simm.s32 $0x80;
	s18 =	simm.s32 $0x100;
	[sflag:s0] =	ssyncset.done $0x0  }
.LBB2_7:
0x10e: {  	s23 =	sadd.s32 s9, s14  }
0x10f: {  	[sflag:s0] =	ssyncadd.s32 $0xFFFFE000;
	s9 =	smov.u32 s18;
	s30 =	sadd.s32 $0x80, s18  }
0x110: {  	[tilespmem:s16], [sflag:$0xB] =	stream.linear.gather [hbm4b:s23+s2], $0x280, $0x38;
	[tilespmem:$0x1E880] =	vst v63  }
0x111: {  	p0 =	seq.s32 s18, $0xF80;
	_ =	swait.ge [sflag:s0], $0x280  }
0x112: {  	[sflag:s0] =	ssyncset.done $0x0  }
0x113: {  	[sflag:s0] =	ssyncadd.s32 $0xFFFFFD80  }
0x114: {  	[spmem:s1] =	stream.indirect.scatter.add.f32 [tilespmem:s3], [sflag:$0xB], $0x80, s16, s4, $0xb8;
	[tilespmem:$0x1E880] =	vst v63  }
0x115: {  	_ =	swait.ge [sflag:s0], $0x2000  }
0x116: {  	[sflag:s0] =	ssyncset.done $0x0  }
0x117: {  	[sflag:s0] =	ssyncadd.s32 $0xFFFFE000  }
0x118: {  	[spmem:s1] =	stream.indirect.scatter.add.f32 [tilespmem:s3], [sflag:$0xB], $0x80, s5, s4, $0xb8;
	[tilespmem:$0x1E880] =	vst v63  }
0x119: {  	_ =	swait.ge [sflag:s0], $0x2000  }
0x11a: {  	[sflag:s0] =	ssyncset.done $0x0  }
0x11b: {  	[sflag:s0] =	ssyncadd.s32 $0xFFFFE000  }
0x11c: {  	[spmem:s1] =	stream.indirect.scatter.add.f32 [tilespmem:s3], [sflag:$0xB], $0x80, s6, s4, $0xb8;
	[tilespmem:$0x1E880] =	vst v63  }
0x11d: {  	_ =	swait.ge [sflag:s0], $0x2000  }
0x11e: {  	[sflag:s0] =	ssyncset.done $0x0  }
0x11f: {  	[sflag:s0] =	ssyncadd.s32 $0xFFFFE000  }
0x120: {  	[spmem:s1] =	stream.indirect.scatter.add.f32 [tilespmem:s3], [sflag:$0xB], $0x80, s7, s4, $0xb8;
	[tilespmem:$0x1E880] =	vst v63  }
0x121: {  	_ =	swait.ge [sflag:s0], $0x2000  }
.Ltmp6:
0x122: {  	[sflag:s0] =	ssyncset.done $0x0;
	(pc) =	sbr.rel @!p0 .LBB2_7-.Ltmp6, $4  }
0x123: {  	[sflag:s0] =	ssyncadd.s32 $0xFFFFE000  }
0x124: {  	[spmem:s1] =	stream.indirect.scatter.add.f32 [tilespmem:s3], [sflag:$0xB], $0x80, s8, s4, $0xb8;
	[tilespmem:$0x1E880] =	vst v63  }
0x125: {  	_ =	swait.ge [sflag:s0], $0x2000  }
0x126: {  	s18 =	smov.u32 s30;
	[sflag:s0] =	ssyncset.done $0x0  }
0x127: {  	s9 =	sadd.s32 s9, s14;
	[sflag:s0] =	ssyncadd.s32 $0xFFFFE000  }
0x128: {  	[tilespmem:s16], [sflag:$0xB] =	stream.linear.gather [hbm4b:s9+s2], $0x280, $0x38;
	[tilespmem:$0x1E880] =	vst v63  }
0x129: {  	_ =	swait.ge [sflag:s0], $0x280  }
0x12a: {  	[sflag:s0] =	ssyncset.done $0x0  }
0x12b: {  	[sflag:s0] =	ssyncadd.s32 $0xFFFFFD80  }
0x12c: {  	[spmem:s1] =	stream.indirect.scatter.add.f32 [tilespmem:s3], [sflag:$0xB], $0x80, s16, s4, $0xb8;
	[tilespmem:$0x1E880] =	vst v63  }
0x12d: {  	_ =	swait.ge [sflag:s0], $0x2000  }
0x12e: {  	[sflag:s0] =	ssyncset.done $0x0  }
0x12f: {  	[sflag:s0] =	ssyncadd.s32 $0xFFFFE000  }
0x130: {  	[spmem:s1] =	stream.indirect.scatter.add.f32 [tilespmem:s3], [sflag:$0xB], $0x80, s5, s4, $0xb8;
	[tilespmem:$0x1E880] =	vst v63  }
0x131: {  	_ =	swait.ge [sflag:s0], $0x2000  }
0x132: {  	[sflag:s0] =	ssyncset.done $0x0  }
0x133: {  	[sflag:s0] =	ssyncadd.s32 $0xFFFFE000  }
0x134: {  	[spmem:s1] =	stream.indirect.scatter.add.f32 [tilespmem:s3], [sflag:$0xB], $0x80, s6, s4, $0xb8;
	[tilespmem:$0x1E880] =	vst v63  }
0x135: {  	_ =	swait.ge [sflag:s0], $0x2000  }
0x136: {  	[sflag:s0] =	ssyncset.done $0x0  }
0x137: {  	[sflag:s0] =	ssyncadd.s32 $0xFFFFE000  }
0x138: {  	[spmem:s1] =	stream.indirect.scatter.add.f32 [tilespmem:s3], [sflag:$0xB], $0x80, s7, s4, $0xb8;
	[tilespmem:$0x1E880] =	vst v63  }
0x139: {  	_ =	swait.ge [sflag:s0], $0x2000  }
0x13a: {  	[sflag:s0] =	ssyncset.done $0x0  }
.Ltmp7:
0x13b: {  	[sflag:s0] =	ssyncadd.s32 $0xFFFFE000;
	(pc) =	sbr.rel .LBB2_13-.Ltmp7, $4  }
0x13c: {  	[spmem:s1] =	stream.indirect.scatter.add.f32 [tilespmem:s3], [sflag:$0xB], $0x80, s8, s4, $0xb8;
	[tilespmem:$0x1E880] =	vst v63  }
0x13d: {  	_ =	swait.ge [sflag:s0], $0x2000  }
0x13e: {  	[sflag:s0] =	ssyncset.done $0x0  }
0x13f: {  	s23 =	rddreg [dreg:$0x1a];
	[sflag:s0] =	ssyncadd.s32 $0xFFFFE000  }
.LBB2_9:
0x140: {  	p0 =	slt.s32 s9, $0x2  }
.Ltmp8:
0x141: {  	_ = 	snop;
	(pc) =	sbr.rel @p0 .LBB2_13-.Ltmp8, $1  }
0x142: {  	_ =	sdelay $0x3  }
0x143: {  	s9 =	rddreg [dreg:$0x6]  }
0x144: {  	[smem:$0x7F5] =	sst s10;
	s9 =	sadd.s32 $0x0, s9  }
0x145: {  	[tilespmem:s2], [sflag:$0xB] =	stream.linear.gather [hbm4b:s9+s2], $0x280, $0x38;
	[tilespmem:$0x1E880] =	vst v63  }
0x146: {  	_ =	swait.ge [sflag:s0], $0x280  }
0x147: {  	s21 =	rddreg [dreg:$0x5];
	[sflag:s0] =	ssyncset.done $0x0  }
0x148: {  	[sflag:s0] =	ssyncadd.s32 $0xFFFFFD80;
	s9 =	sadd.s32 $0x0, s21  }
0x149: {  	[tilespmem:s16], [sflag:$0xB] =	stream.linear.gather [hbm4b:s9+s2], $0x280, $0x38;
	[tilespmem:$0x1E880] =	vst v63  }
0x14a: {  	_ =	swait.ge [sflag:s0], $0x280  }
0x14b: {  	p0 =	por $0x0, $0x0;
	[sflag:s0] =	ssyncset.done $0x0  }
0x14c: {  	s9 =	simm.s32 @p0 $0x6;
	[sflag:s0] =	ssyncadd.s32 $0xFFFFFD80  }
0x14d: {  	_ =	swait.ge @p0 [sflag:s9], $0x2000  }
0x14e: {  	s18 =	simm.s32 @p0 $0xC00;
	s23 =	simm.s32 @p0 $0x7;
	[sflag:s9] =	ssyncset.done @p0 $0x0  }
0x14f: {  	s30 =	simm.s32 @p0 $0x0;
	[sflag:s9] =	ssyncadd.s32 @p0 $0xFFFFE000;
	s9 =	simm.s32 @p0 $0x40  }
0x150: {  	[tilespmem:s18], [sflag:$0x1] =	stream.indirect.gather @p0 [hbm4b:s15+s9], $0x80, s30, s9, $0xb8;
	[tilespmem:$0x1E880] =	vst v63  }
0x151: {  	_ =	swait.ge @p0 [sflag:s23], $0x2000  }
0x152: {  	s18 =	simm.s32 @p0 $0x8;
	[sflag:s23] =	ssyncset.done @p0 $0x0  }
0x153: {  	s30 =	simm.s32 @p0 $0x2C00;
	[sflag:s23] =	ssyncadd.s32 @p0 $0xFFFFE000;
	s23 =	simm.s32 @p0 $0x80  }
0x154: {  	[tilespmem:s30], [sflag:$0x2] =	stream.indirect.gather @p0 [hbm4b:s15+s9], $0x80, s23, s9, $0xb8;
	[tilespmem:$0x1E880] =	vst v63  }
0x155: {  	_ =	swait.ge @p0 [sflag:s18], $0x2000  }
0x156: {  	s23 =	simm.s32 @p0 $0x9;
	[sflag:s18] =	ssyncset.done @p0 $0x0  }
0x157: {  	s30 =	simm.s32 @p0 $0x4C00;
	[sflag:s18] =	ssyncadd.s32 @p0 $0xFFFFE000;
	s18 =	simm.s32 @p0 $0x100  }
0x158: {  	[tilespmem:s30], [sflag:$0x3] =	stream.indirect.gather @p0 [hbm4b:s15+s9], $0x80, s18, s9, $0xb8;
	[tilespmem:$0x1E880] =	vst v63  }
0x159: {  	_ =	swait.ge @p0 [sflag:s23], $0x2000  }
0x15a: {  	s18 =	simm.s32 @p0 $0xA;
	[sflag:s23] =	ssyncset.done @p0 $0x0  }
0x15b: {  	s30 =	simm.s32 @p0 $0x6C00;
	[sflag:s23] =	ssyncadd.s32 @p0 $0xFFFFE000;
	s23 =	simm.s32 @p0 $0x180  }
0x15c: {  	[tilespmem:s30], [sflag:$0x4] =	stream.indirect.gather @p0 [hbm4b:s15+s9], $0x80, s23, s9, $0xb8;
	[tilespmem:$0x1E880] =	vst v63  }
0x15d: {  	_ =	swait.ge @p0 [sflag:s18], $0x2000  }
0x15e: {  	s9 =	simm.s32 @!p0 $0xC00;
	[sflag:s18] =	ssyncset.done @p0 $0x0  }
0x15f: {  	s23 =	simm.s32 @!p0 $0x0;
	[sflag:s18] =	ssyncadd.s32 @p0 $0xFFFFE000;
	s18 =	simm.s32 @!p0 $0x40  }
0x160: {  	[tilespmem:s9], [sflag:$0x1] =	stream.indirect.gather @!p0 [hbm4b:s15+s18], $0x80, s23, s18, $0xb8;
	[tilespmem:$0x1E880] =	vst v63  }
0x161: {  	s9 =	simm.s32 @!p0 $0x80;
	s23 =	simm.s32 @!p0 $0x2C00  }
0x162: {  	[tilespmem:s23], [sflag:$0x2] =	stream.indirect.gather @!p0 [hbm4b:s15+s18], $0x80, s9, s18, $0xb8;
	[tilespmem:$0x1E880] =	vst v63  }
0x163: {  	s9 =	simm.s32 @!p0 $0x100;
	s23 =	simm.s32 @!p0 $0x4C00  }
0x164: {  	[tilespmem:s23], [sflag:$0x3] =	stream.indirect.gather @!p0 [hbm4b:s15+s18], $0x80, s9, s18, $0xb8;
	[tilespmem:$0x1E880] =	vst v63  }
0x165: {  	s9 =	simm.s32 @!p0 $0x180;
	s23 =	simm.s32 @!p0 $0x6C00  }
0x166: {  	[tilespmem:s23], [sflag:$0x4] =	stream.indirect.gather @!p0 [hbm4b:s15+s18], $0x80, s9, s18, $0xb8;
	[tilespmem:$0x1E880] =	vst v63  }
0x167: {  	s13 =	simm.s32 $0x200;
	s19 =	simm.s32 $0x8C00  }
0x168: {  	[tilespmem:s19], [sflag:$0x5] =	stream.indirect.gather [hbm4b:s15+s4], $0x80, s13, s4, $0xb8;
	[tilespmem:$0x1E880] =	vst v63  }
0x169: {  	_ =	swait.ge [sflag:s11], $0x2000  }
0x16a: {  	[sflag:s11] =	ssyncset.done $0x0  }
0x16b: {  	[sflag:s11] =	ssyncadd.s32 $0xFFFFE000  }
0x16c: {  	[spmem:s1] =	stream.indirect.scatter.add.f32 [tilespmem:s3], [sflag:$0x6], $0x80, s16, s4, $0xb8;
	[tilespmem:$0x1E880] =	vst v63  }
0x16d: {  	_ =	swait.ge [sflag:s12], $0x2000  }
0x16e: {  	[sflag:s12] =	ssyncset.done $0x0  }
0x16f: {  	s24 =	simm.s32 $0x2C00;
	[sflag:s12] =	ssyncadd.s32 $0xFFFFE000  }
0x170: {  	[spmem:s1] =	stream.indirect.scatter.add.f32 [tilespmem:s24], [sflag:$0x7], $0x80, s5, s4, $0xb8;
	[tilespmem:$0x1E880] =	vst v63  }
0x171: {  	_ =	swait.ge [sflag:s17], $0x2000  }
0x172: {  	[sflag:s17] =	ssyncset.done $0x0  }
0x173: {  	[sflag:s17] =	ssyncadd.s32 $0xFFFFE000  }
0x174: {  	[spmem:s1] =	stream.indirect.scatter.add.f32 [tilespmem:s25], [sflag:$0x8], $0x80, s6, s4, $0xb8;
	[tilespmem:$0x1E880] =	vst v63  }
0x175: {  	_ =	swait.ge [sflag:s20], $0x2000  }
0x176: {  	[sflag:s20] =	ssyncset.done $0x0  }
0x177: {  	[sflag:s20] =	ssyncadd.s32 $0xFFFFE000  }
0x178: {  	[spmem:s1] =	stream.indirect.scatter.add.f32 [tilespmem:s26], [sflag:$0x9], $0x80, s7, s4, $0xb8;
	[tilespmem:$0x1E880] =	vst v63  }
0x179: {  	_ =	swait.ge [sflag:s22], $0x2000  }
0x17a: {  	[sflag:s22] =	ssyncset.done $0x0  }
0x17b: {  	s23 =	rddreg [dreg:$0x4];
	[sflag:s22] =	ssyncadd.s32 $0xFFFFE000  }
0x17c: {  	[spmem:s1] =	stream.indirect.scatter.add.f32 [tilespmem:s19], [sflag:$0xA], $0x80, s8, s4, $0xb8;
	[tilespmem:$0x1E880] =	vst v63  }
0x17d: {  	s9 =	sadd.s32 $0x0, s23  }
0x17e: {  	[tilespmem:s2], [sflag:$0xB] =	stream.linear.gather [hbm4b:s9+s2], $0x280, $0x38;
	[tilespmem:$0x1E880] =	vst v63  }
0x17f: {  	_ =	swait.ge [sflag:s0], $0x280  }
0x180: {  	s21 =	rddreg [dreg:$0x3];
	[sflag:s0] =	ssyncset.done $0x0  }
0x181: {  	s18 =	simm.s32 $0x800;
	[sflag:s0] =	ssyncadd.s32 $0xFFFFFD80;
	s9 =	sadd.s32 $0x0, s21  }
0x182: {  	[tilespmem:s18], [sflag:$0xB] =	stream.linear.gather [hbm4b:s9+s2], $0x280, $0x38;
	[tilespmem:$0x1E880] =	vst v63  }
0x183: {  	_ =	swait.ge [sflag:s0], $0x280  }
0x184: {  	[sflag:s0] =	ssyncset.done $0x0  }
0x185: {  	[sflag:s0] =	ssyncadd.s32 $0xFFFFFD80  }
0x186: {  	_ =	swait.ge [sflag:s29], $0x2000  }
0x187: {  	[sflag:s29] =	ssyncset.done $0x0  }
0x188: {  	s14 =	simm.s32 $0x7;
	[sflag:s29] =	ssyncadd.s32 $0xFFFFE000  }
0x189: {  	[tilespmem:s3], [sflag:$0x1] =	stream.indirect.gather [hbm4b:s15+s4], $0x80, s2, s4, $0xb8;
	[tilespmem:$0x1E880] =	vst v63  }
0x18a: {  	_ =	swait.ge [sflag:s14], $0x2000  }
0x18b: {  	[sflag:s14] =	ssyncset.done $0x0  }
0x18c: {  	s23 =	rddreg [dreg:$0x7];
	[sflag:s14] =	ssyncadd.s32 $0xFFFFE000  }
0x18d: {  	[tilespmem:s24], [sflag:$0x2] =	stream.indirect.gather [hbm4b:s15+s4], $0x80, s23, s4, $0xb8;
	[tilespmem:$0x1E880] =	vst v63  }
0x18e: {  	_ =	swait.ge [sflag:s28], $0x2000  }
0x18f: {  	[sflag:s28] =	ssyncset.done $0x0  }
0x190: {  	s21 =	rddreg [dreg:$0x8];
	[sflag:s28] =	ssyncadd.s32 $0xFFFFE000  }
0x191: {  	[tilespmem:s25], [sflag:$0x3] =	stream.indirect.gather [hbm4b:s15+s4], $0x80, s21, s4, $0xb8;
	[tilespmem:$0x1E880] =	vst v63  }
0x192: {  	_ =	swait.ge [sflag:s31], $0x2000  }
0x193: {  	[sflag:s31] =	ssyncset.done $0x0  }
0x194: {  	s10 =	simm.s32 $0xA;
	s23 =	rddreg [dreg:$0x9];
	[sflag:s31] =	ssyncadd.s32 $0xFFFFE000  }
0x195: {  	[tilespmem:s26], [sflag:$0x4] =	stream.indirect.gather [hbm4b:s15+s4], $0x80, s23, s4, $0xb8;
	[tilespmem:$0x1E880] =	vst v63  }
0x196: {  	_ =	swait.ge [sflag:s10], $0x2000  }
0x197: {  	[sflag:s10] =	ssyncset.done $0x0  }
0x198: {  	[sflag:s10] =	ssyncadd.s32 $0xFFFFE000  }
0x199: {  	[tilespmem:s19], [sflag:$0x5] =	stream.indirect.gather [hbm4b:s15+s4], $0x80, s13, s4, $0xb8;
	[tilespmem:$0x1E880] =	vst v63  }
0x19a: {  	_ =	swait.ge [sflag:s11], $0x2000  }
0x19b: {  	[sflag:s11] =	ssyncset.done $0x0  }
0x19c: {  	[sflag:s11] =	ssyncadd.s32 $0xFFFFE000  }
0x19d: {  	[spmem:s1] =	stream.indirect.scatter.add.f32 [tilespmem:s3], [sflag:$0x6], $0x80, s18, s4, $0xb8;
	[tilespmem:$0x1E880] =	vst v63  }
0x19e: {  	_ =	swait.ge [sflag:s12], $0x2000  }
0x19f: {  	[sflag:s12] =	ssyncset.done $0x0  }
0x1a0: {  	s18 =	rddreg [dreg:$0xa];
	[sflag:s12] =	ssyncadd.s32 $0xFFFFE000  }
0x1a1: {  	[spmem:s1] =	stream.indirect.scatter.add.f32 [tilespmem:s24], [sflag:$0x7], $0x80, s18, s4, $0xb8;
	[tilespmem:$0x1E880] =	vst v63  }
0x1a2: {  	_ =	swait.ge [sflag:s17], $0x2000  }
0x1a3: {  	[sflag:s17] =	ssyncset.done $0x0  }
0x1a4: {  	s21 =	rddreg [dreg:$0xb];
	[sflag:s17] =	ssyncadd.s32 $0xFFFFE000  }
0x1a5: {  	[spmem:s1] =	stream.indirect.scatter.add.f32 [tilespmem:s25], [sflag:$0x8], $0x80, s21, s4, $0xb8;
	[tilespmem:$0x1E880] =	vst v63  }
0x1a6: {  	_ =	swait.ge [sflag:s20], $0x2000  }
0x1a7: {  	[sflag:s20] =	ssyncset.done $0x0  }
0x1a8: {  	s23 =	rddreg [dreg:$0xc];
	[sflag:s20] =	ssyncadd.s32 $0xFFFFE000  }
0x1a9: {  	[spmem:s1] =	stream.indirect.scatter.add.f32 [tilespmem:s26], [sflag:$0x9], $0x80, s23, s4, $0xb8;
	[tilespmem:$0x1E880] =	vst v63  }
0x1aa: {  	_ =	swait.ge [sflag:s22], $0x2000  }
0x1ab: {  	s30 =	simm.s32 $0x200;
	[sflag:s22] =	ssyncset.done $0x0;
	s9 =	rddreg [dreg:$0xd]  }
0x1ac: {  	s18 =	simm.s32 $0x100;
	s23 =	rddreg [dreg:$0x6];
	[sflag:s22] =	ssyncadd.s32 $0xFFFFE000  }
.LBB2_11:
0x1ad: {  	[spmem:s1] =	stream.indirect.scatter.add.f32 [tilespmem:s19], [sflag:$0xA], $0x80, s9, s4, $0xb8;
	[tilespmem:$0x1E880] =	vst v63  }
0x1ae: {  	s23 =	sadd.s32 s18, s23  }
0x1af: {  	[tilespmem:s2], [sflag:$0xB] =	stream.linear.gather [hbm4b:s23+s2], $0x280, $0x38;
	[tilespmem:$0x1E880] =	vst v63  }
0x1b0: {  	_ =	swait.ge [sflag:s0], $0x280  }
0x1b1: {  	s21 =	rddreg [dreg:$0x5];
	[sflag:s0] =	ssyncset.done $0x0  }
0x1b2: {  	[sflag:s0] =	ssyncadd.s32 $0xFFFFFD80;
	s23 =	sadd.s32 s18, s21  }
0x1b3: {  	[tilespmem:s16], [sflag:$0xB] =	stream.linear.gather [hbm4b:s23+s2], $0x280, $0x38;
	[tilespmem:$0x1E880] =	vst v63  }
0x1b4: {  	_ =	swait.ge [sflag:s0], $0x280  }
0x1b5: {  	p1 =	sne.s32 s18, $0x0;
	[sflag:s0] =	ssyncset.done $0x0  }
0x1b6: {  	s23 =	simm.s32 @p1 $0x6;
	[sflag:s0] =	ssyncadd.s32 $0xFFFFFD80  }
0x1b7: {  	_ =	swait.ge @p1 [sflag:s23], $0x2000  }
0x1b8: {  	s13 =	simm.s32 @p1 $0xC00;
	s19 =	simm.s32 @p1 $0x7;
	[sflag:s23] =	ssyncset.done @p1 $0x0  }
0x1b9: {  	s21 =	simm.s32 @p1 $0x0;
	[sflag:s23] =	ssyncadd.s32 @p1 $0xFFFFE000;
	s23 =	simm.s32 @p1 $0x40  }
0x1ba: {  	[tilespmem:s13], [sflag:$0x1] =	stream.indirect.gather @p1 [hbm4b:s15+s23], $0x80, s21, s23, $0xb8;
	[tilespmem:$0x1E880] =	vst v63  }
0x1bb: {  	_ =	swait.ge @p1 [sflag:s19], $0x2000  }
0x1bc: {  	s13 =	simm.s32 @p1 $0x8;
	[sflag:s19] =	ssyncset.done @p1 $0x0  }
0x1bd: {  	s21 =	simm.s32 @p1 $0x2C00;
	[sflag:s19] =	ssyncadd.s32 @p1 $0xFFFFE000;
	s19 =	simm.s32 @p1 $0x80  }
0x1be: {  	[tilespmem:s21], [sflag:$0x2] =	stream.indirect.gather @p1 [hbm4b:s15+s23], $0x80, s19, s23, $0xb8;
	[tilespmem:$0x1E880] =	vst v63  }
0x1bf: {  	_ =	swait.ge @p1 [sflag:s13], $0x2000  }
0x1c0: {  	s19 =	simm.s32 @p1 $0x9;
	[sflag:s13] =	ssyncset.done @p1 $0x0  }
0x1c1: {  	s21 =	simm.s32 @p1 $0x4C00;
	[sflag:s13] =	ssyncadd.s32 @p1 $0xFFFFE000;
	s13 =	simm.s32 @p1 $0x100  }
0x1c2: {  	[tilespmem:s21], [sflag:$0x3] =	stream.indirect.gather @p1 [hbm4b:s15+s23], $0x80, s13, s23, $0xb8;
	[tilespmem:$0x1E880] =	vst v63  }
0x1c3: {  	_ =	swait.ge @p1 [sflag:s19], $0x2000  }
0x1c4: {  	s13 =	simm.s32 @p1 $0xA;
	[sflag:s19] =	ssyncset.done @p1 $0x0  }
0x1c5: {  	s21 =	simm.s32 @p1 $0x6C00;
	[sflag:s19] =	ssyncadd.s32 @p1 $0xFFFFE000;
	s19 =	simm.s32 @p1 $0x180  }
0x1c6: {  	[tilespmem:s21], [sflag:$0x4] =	stream.indirect.gather @p1 [hbm4b:s15+s23], $0x80, s19, s23, $0xb8;
	[tilespmem:$0x1E880] =	vst v63  }
0x1c7: {  	_ =	swait.ge @p1 [sflag:s13], $0x2000  }
0x1c8: {  	s19 =	simm.s32 @!p1 $0xC00;
	[sflag:s13] =	ssyncset.done @p1 $0x0  }
0x1c9: {  	s21 =	simm.s32 @!p1 $0x0;
	[sflag:s13] =	ssyncadd.s32 @p1 $0xFFFFE000;
	s13 =	simm.s32 @!p1 $0x40  }
0x1ca: {  	[tilespmem:s19], [sflag:$0x1] =	stream.indirect.gather @!p1 [hbm4b:s15+s13], $0x80, s21, s13, $0xb8;
	[tilespmem:$0x1E880] =	vst v63  }
0x1cb: {  	s19 =	simm.s32 @!p1 $0x80;
	s21 =	simm.s32 @!p1 $0x2C00  }
0x1cc: {  	[tilespmem:s21], [sflag:$0x2] =	stream.indirect.gather @!p1 [hbm4b:s15+s13], $0x80, s19, s13, $0xb8;
	[tilespmem:$0x1E880] =	vst v63  }
0x1cd: {  	s19 =	simm.s32 @!p1 $0x100;
	s21 =	simm.s32 @!p1 $0x4C00  }
0x1ce: {  	[tilespmem:s21], [sflag:$0x3] =	stream.indirect.gather @!p1 [hbm4b:s15+s13], $0x80, s19, s13, $0xb8;
	[tilespmem:$0x1E880] =	vst v63  }
0x1cf: {  	s19 =	simm.s32 @!p1 $0x180;
	s21 =	simm.s32 @!p1 $0x6C00  }
0x1d0: {  	[tilespmem:s21], [sflag:$0x4] =	stream.indirect.gather @!p1 [hbm4b:s15+s13], $0x80, s19, s13, $0xb8;
	[tilespmem:$0x1E880] =	vst v63  }
0x1d1: {  	s19 =	simm.s32 $0x8C00;
	s21 =	simm.s32 $0x200  }
0x1d2: {  	[tilespmem:s19], [sflag:$0x5] =	stream.indirect.gather [hbm4b:s15+s4], $0x80, s21, s4, $0xb8;
	[tilespmem:$0x1E880] =	vst v63  }
0x1d3: {  	_ =	swait.ge [sflag:s11], $0x2000  }
0x1d4: {  	[sflag:s11] =	ssyncset.done $0x0  }
0x1d5: {  	[sflag:s11] =	ssyncadd.s32 $0xFFFFE000  }
0x1d6: {  	[spmem:s1] =	stream.indirect.scatter.add.f32 [tilespmem:s3], [sflag:$0x6], $0x80, s16, s4, $0xb8;
	[tilespmem:$0x1E880] =	vst v63  }
0x1d7: {  	_ =	swait.ge [sflag:s12], $0x2000  }
0x1d8: {  	[sflag:s12] =	ssyncset.done $0x0  }
0x1d9: {  	[sflag:s12] =	ssyncadd.s32 $0xFFFFE000  }
0x1da: {  	[spmem:s1] =	stream.indirect.scatter.add.f32 [tilespmem:s24], [sflag:$0x7], $0x80, s5, s4, $0xb8;
	[tilespmem:$0x1E880] =	vst v63  }
0x1db: {  	_ =	swait.ge [sflag:s17], $0x2000  }
0x1dc: {  	[sflag:s17] =	ssyncset.done $0x0  }
0x1dd: {  	[sflag:s17] =	ssyncadd.s32 $0xFFFFE000  }
0x1de: {  	[spmem:s1] =	stream.indirect.scatter.add.f32 [tilespmem:s25], [sflag:$0x8], $0x80, s6, s4, $0xb8;
	[tilespmem:$0x1E880] =	vst v63  }
0x1df: {  	_ =	swait.ge [sflag:s20], $0x2000  }
0x1e0: {  	[sflag:s20] =	ssyncset.done $0x0  }
0x1e1: {  	[sflag:s20] =	ssyncadd.s32 $0xFFFFE000  }
0x1e2: {  	[spmem:s1] =	stream.indirect.scatter.add.f32 [tilespmem:s26], [sflag:$0x9], $0x80, s7, s4, $0xb8;
	[tilespmem:$0x1E880] =	vst v63  }
0x1e3: {  	_ =	swait.ge [sflag:s22], $0x2000  }
0x1e4: {  	[sflag:s22] =	ssyncset.done $0x0  }
0x1e5: {  	s23 =	rddreg [dreg:$0x4];
	[sflag:s22] =	ssyncadd.s32 $0xFFFFE000  }
0x1e6: {  	[spmem:s1] =	stream.indirect.scatter.add.f32 [tilespmem:s19], [sflag:$0xA], $0x80, s8, s4, $0xb8;
	[tilespmem:$0x1E880] =	vst v63  }
0x1e7: {  	s13 =	sadd.s32 s18, s23  }
0x1e8: {  	[tilespmem:s2], [sflag:$0xB] =	stream.linear.gather [hbm4b:s13+s2], $0x280, $0x38;
	[tilespmem:$0x1E880] =	vst v63  }
0x1e9: {  	_ =	swait.ge [sflag:s0], $0x280  }
0x1ea: {  	s23 =	rddreg [dreg:$0x3];
	[sflag:s0] =	ssyncset.done $0x0  }
0x1eb: {  	[sflag:s0] =	ssyncadd.s32 $0xFFFFFD80;
	s13 =	sadd.s32 s18, s23;
	s23 =	simm.s32 $0x800  }
0x1ec: {  	[tilespmem:s23], [sflag:$0xB] =	stream.linear.gather [hbm4b:s13+s2], $0x280, $0x38;
	[tilespmem:$0x1E880] =	vst v63  }
0x1ed: {  	_ =	swait.ge [sflag:s0], $0x280  }
0x1ee: {  	[sflag:s0] =	ssyncset.done $0x0  }
0x1ef: {  	[sflag:s0] =	ssyncadd.s32 $0xFFFFFD80  }
0x1f0: {  	_ =	swait.ge [sflag:s29], $0x2000  }
0x1f1: {  	[sflag:s29] =	ssyncset.done $0x0  }
0x1f2: {  	[sflag:s29] =	ssyncadd.s32 $0xFFFFE000  }
0x1f3: {  	[tilespmem:s3], [sflag:$0x1] =	stream.indirect.gather [hbm4b:s15+s4], $0x80, s2, s4, $0xb8;
	[tilespmem:$0x1E880] =	vst v63  }
0x1f4: {  	_ =	swait.ge [sflag:s14], $0x2000  }
0x1f5: {  	[sflag:s14] =	ssyncset.done $0x0  }
0x1f6: {  	s13 =	rddreg [dreg:$0x7];
	[sflag:s14] =	ssyncadd.s32 $0xFFFFE000  }
0x1f7: {  	[tilespmem:s24], [sflag:$0x2] =	stream.indirect.gather [hbm4b:s15+s4], $0x80, s13, s4, $0xb8;
	[tilespmem:$0x1E880] =	vst v63  }
0x1f8: {  	_ =	swait.ge [sflag:s28], $0x2000  }
0x1f9: {  	[sflag:s28] =	ssyncset.done $0x0  }
0x1fa: {  	s13 =	rddreg [dreg:$0x8];
	[sflag:s28] =	ssyncadd.s32 $0xFFFFE000  }
0x1fb: {  	[tilespmem:s25], [sflag:$0x3] =	stream.indirect.gather [hbm4b:s15+s4], $0x80, s13, s4, $0xb8;
	[tilespmem:$0x1E880] =	vst v63  }
0x1fc: {  	_ =	swait.ge [sflag:s31], $0x2000  }
0x1fd: {  	[sflag:s31] =	ssyncset.done $0x0  }
0x1fe: {  	s13 =	rddreg [dreg:$0x9];
	[sflag:s31] =	ssyncadd.s32 $0xFFFFE000  }
0x1ff: {  	[tilespmem:s26], [sflag:$0x4] =	stream.indirect.gather [hbm4b:s15+s4], $0x80, s13, s4, $0xb8;
	[tilespmem:$0x1E880] =	vst v63  }
0x200: {  	_ =	swait.ge [sflag:s10], $0x2000  }
0x201: {  	[sflag:s10] =	ssyncset.done $0x0  }
0x202: {  	[sflag:s10] =	ssyncadd.s32 $0xFFFFE000  }
0x203: {  	[tilespmem:s19], [sflag:$0x5] =	stream.indirect.gather [hbm4b:s15+s4], $0x80, s21, s4, $0xb8;
	[tilespmem:$0x1E880] =	vst v63  }
0x204: {  	_ =	swait.ge [sflag:s11], $0x2000  }
0x205: {  	[sflag:s11] =	ssyncset.done $0x0  }
0x206: {  	[sflag:s11] =	ssyncadd.s32 $0xFFFFE000  }
0x207: {  	[spmem:s1] =	stream.indirect.scatter.add.f32 [tilespmem:s3], [sflag:$0x6], $0x80, s23, s4, $0xb8;
	[tilespmem:$0x1E880] =	vst v63  }
0x208: {  	_ =	swait.ge [sflag:s12], $0x2000  }
0x209: {  	[sflag:s12] =	ssyncset.done $0x0  }
0x20a: {  	s23 =	rddreg [dreg:$0xa];
	[sflag:s12] =	ssyncadd.s32 $0xFFFFE000  }
0x20b: {  	[spmem:s1] =	stream.indirect.scatter.add.f32 [tilespmem:s24], [sflag:$0x7], $0x80, s23, s4, $0xb8;
	[tilespmem:$0x1E880] =	vst v63  }
0x20c: {  	_ =	swait.ge [sflag:s17], $0x2000  }
0x20d: {  	[sflag:s17] =	ssyncset.done $0x0  }
0x20e: {  	s13 =	rddreg [dreg:$0xb];
	[sflag:s17] =	ssyncadd.s32 $0xFFFFE000  }
0x20f: {  	[spmem:s1] =	stream.indirect.scatter.add.f32 [tilespmem:s25], [sflag:$0x8], $0x80, s13, s4, $0xb8;
	[tilespmem:$0x1E880] =	vst v63  }
0x210: {  	s9 =	smov.u32 s30;
	s30 =	sadd.s32 $0x100, s30;
	_ =	swait.ge [sflag:s20], $0x2000  }
0x211: {  	p0 =	sne.s32 s30, $0x1000;
	[sflag:s20] =	ssyncset.done $0x0  }
.Ltmp9:
0x212: {  	s23 =	rddreg [dreg:$0xc];
	[sflag:s20] =	ssyncadd.s32 $0xFFFFE000;
	(pc) =	sbr.rel @p0 .LBB2_11-.Ltmp9, $4  }
0x213: {  	[spmem:s1] =	stream.indirect.scatter.add.f32 [tilespmem:s26], [sflag:$0x9], $0x80, s23, s4, $0xb8;
	[tilespmem:$0x1E880] =	vst v63  }
0x214: {  	_ =	swait.ge [sflag:s22], $0x2000  }
0x215: {  	s18 =	smov.u32 s9;
	[sflag:s22] =	ssyncset.done $0x0;
	s9 =	rddreg [dreg:$0xd]  }
0x216: {  	s23 =	rddreg [dreg:$0x6];
	[sflag:s22] =	ssyncadd.s32 $0xFFFFE000  }
0x217: {  	[spmem:s1] =	stream.indirect.scatter.add.f32 [tilespmem:s19], [sflag:$0xA], $0x80, s9, s4, $0xb8;
	[tilespmem:$0x1E880] =	vst v63  }
0x218: {  	s19 =	sadd.s32 s18, s23  }
0x219: {  	[tilespmem:s2], [sflag:$0xB] =	stream.linear.gather [hbm4b:s19+s2], $0x280, $0x38;
	[tilespmem:$0x1E880] =	vst v63  }
0x21a: {  	_ =	swait.ge [sflag:s0], $0x280  }
0x21b: {  	s23 =	rddreg [dreg:$0x5];
	[sflag:s0] =	ssyncset.done $0x0  }
0x21c: {  	[sflag:s0] =	ssyncadd.s32 $0xFFFFFD80;
	s9 =	sadd.s32 s18, s23  }
0x21d: {  	[tilespmem:s16], [sflag:$0xB] =	stream.linear.gather [hbm4b:s9+s2], $0x280, $0x38;
	[tilespmem:$0x1E880] =	vst v63  }
0x21e: {  	_ =	swait.ge [sflag:s0], $0x280  }
0x21f: {  	p0 =	sne.s32 s18, $0x0;
	[sflag:s0] =	ssyncset.done $0x0  }
0x220: {  	s9 =	simm.s32 @p0 $0x6;
	[sflag:s0] =	ssyncadd.s32 $0xFFFFFD80  }
0x221: {  	_ =	swait.ge @p0 [sflag:s9], $0x2000  }
0x222: {  	s13 =	simm.s32 @p0 $0xC00;
	[sflag:s9] =	ssyncset.done @p0 $0x0  }
0x223: {  	s19 =	simm.s32 @p0 $0x0;
	[sflag:s9] =	ssyncadd.s32 @p0 $0xFFFFE000;
	s9 =	simm.s32 @p0 $0x40  }
0x224: {  	[tilespmem:s13], [sflag:$0x1] =	stream.indirect.gather @p0 [hbm4b:s15+s9], $0x80, s19, s9, $0xb8;
	[tilespmem:$0x1E880] =	vst v63  }
0x225: {  	s13 =	simm.s32 @p0 $0x7  }
0x226: {  	_ =	swait.ge @p0 [sflag:s13], $0x2000  }
0x227: {  	[sflag:s13] =	ssyncset.done @p0 $0x0  }
0x228: {  	s19 =	simm.s32 @p0 $0x2C00;
	[sflag:s13] =	ssyncadd.s32 @p0 $0xFFFFE000;
	s13 =	simm.s32 @p0 $0x80  }
0x229: {  	[tilespmem:s19], [sflag:$0x2] =	stream.indirect.gather @p0 [hbm4b:s15+s9], $0x80, s13, s9, $0xb8;
	[tilespmem:$0x1E880] =	vst v63  }
0x22a: {  	s13 =	simm.s32 @p0 $0x8  }
0x22b: {  	_ =	swait.ge @p0 [sflag:s13], $0x2000  }
0x22c: {  	[sflag:s13] =	ssyncset.done @p0 $0x0  }
0x22d: {  	s19 =	simm.s32 @p0 $0x4C00;
	[sflag:s13] =	ssyncadd.s32 @p0 $0xFFFFE000;
	s13 =	simm.s32 @p0 $0x100  }
0x22e: {  	[tilespmem:s19], [sflag:$0x3] =	stream.indirect.gather @p0 [hbm4b:s15+s9], $0x80, s13, s9, $0xb8;
	[tilespmem:$0x1E880] =	vst v63  }
0x22f: {  	s13 =	simm.s32 @p0 $0x9  }
0x230: {  	_ =	swait.ge @p0 [sflag:s13], $0x2000  }
0x231: {  	[sflag:s13] =	ssyncset.done @p0 $0x0  }
0x232: {  	s19 =	simm.s32 @p0 $0x6C00;
	[sflag:s13] =	ssyncadd.s32 @p0 $0xFFFFE000;
	s13 =	simm.s32 @p0 $0x180  }
0x233: {  	[tilespmem:s19], [sflag:$0x4] =	stream.indirect.gather @p0 [hbm4b:s15+s9], $0x80, s13, s9, $0xb8;
	[tilespmem:$0x1E880] =	vst v63  }
0x234: {  	s9 =	simm.s32 @p0 $0xA  }
0x235: {  	_ =	swait.ge @p0 [sflag:s9], $0x2000  }
0x236: {  	s13 =	simm.s32 @!p0 $0xC00;
	[sflag:s9] =	ssyncset.done @p0 $0x0  }
0x237: {  	s19 =	simm.s32 @!p0 $0x0;
	[sflag:s9] =	ssyncadd.s32 @p0 $0xFFFFE000;
	s9 =	simm.s32 @!p0 $0x40  }
0x238: {  	[tilespmem:s13], [sflag:$0x1] =	stream.indirect.gather @!p0 [hbm4b:s15+s9], $0x80, s19, s9, $0xb8;
	[tilespmem:$0x1E880] =	vst v63  }
0x239: {  	s13 =	simm.s32 @!p0 $0x80;
	s19 =	simm.s32 @!p0 $0x2C00  }
0x23a: {  	[tilespmem:s19], [sflag:$0x2] =	stream.indirect.gather @!p0 [hbm4b:s15+s9], $0x80, s13, s9, $0xb8;
	[tilespmem:$0x1E880] =	vst v63  }
0x23b: {  	s13 =	simm.s32 @!p0 $0x100;
	s19 =	simm.s32 @!p0 $0x4C00  }
0x23c: {  	[tilespmem:s19], [sflag:$0x3] =	stream.indirect.gather @!p0 [hbm4b:s15+s9], $0x80, s13, s9, $0xb8;
	[tilespmem:$0x1E880] =	vst v63  }
0x23d: {  	s13 =	simm.s32 @!p0 $0x180;
	s19 =	simm.s32 @!p0 $0x6C00  }
0x23e: {  	[tilespmem:s19], [sflag:$0x4] =	stream.indirect.gather @!p0 [hbm4b:s15+s9], $0x80, s13, s9, $0xb8;
	[tilespmem:$0x1E880] =	vst v63  }
0x23f: {  	s23 =	simm.s32 $0x8C00  }
0x240: {  	[tilespmem:s23], [sflag:$0x5] =	stream.indirect.gather [hbm4b:s15+s4], $0x80, s21, s4, $0xb8;
	[tilespmem:$0x1E880] =	vst v63  }
0x241: {  	_ =	swait.ge [sflag:s11], $0x2000  }
0x242: {  	[sflag:s11] =	ssyncset.done $0x0  }
0x243: {  	[sflag:s11] =	ssyncadd.s32 $0xFFFFE000  }
0x244: {  	[spmem:s1] =	stream.indirect.scatter.add.f32 [tilespmem:s3], [sflag:$0x6], $0x80, s16, s4, $0xb8;
	[tilespmem:$0x1E880] =	vst v63  }
0x245: {  	_ =	swait.ge [sflag:s12], $0x2000  }
0x246: {  	[sflag:s12] =	ssyncset.done $0x0  }
0x247: {  	[sflag:s12] =	ssyncadd.s32 $0xFFFFE000  }
0x248: {  	[spmem:s1] =	stream.indirect.scatter.add.f32 [tilespmem:s24], [sflag:$0x7], $0x80, s5, s4, $0xb8;
	[tilespmem:$0x1E880] =	vst v63  }
0x249: {  	_ =	swait.ge [sflag:s17], $0x2000  }
0x24a: {  	[sflag:s17] =	ssyncset.done $0x0  }
0x24b: {  	[sflag:s17] =	ssyncadd.s32 $0xFFFFE000  }
0x24c: {  	[spmem:s1] =	stream.indirect.scatter.add.f32 [tilespmem:s25], [sflag:$0x8], $0x80, s6, s4, $0xb8;
	[tilespmem:$0x1E880] =	vst v63  }
0x24d: {  	_ =	swait.ge [sflag:s20], $0x2000  }
0x24e: {  	[sflag:s20] =	ssyncset.done $0x0  }
0x24f: {  	[sflag:s20] =	ssyncadd.s32 $0xFFFFE000  }
0x250: {  	[spmem:s1] =	stream.indirect.scatter.add.f32 [tilespmem:s26], [sflag:$0x9], $0x80, s7, s4, $0xb8;
	[tilespmem:$0x1E880] =	vst v63  }
0x251: {  	_ =	swait.ge [sflag:s22], $0x2000  }
0x252: {  	[sflag:s22] =	ssyncset.done $0x0  }
0x253: {  	s30 =	rddreg [dreg:$0x4];
	[sflag:s22] =	ssyncadd.s32 $0xFFFFE000  }
0x254: {  	[spmem:s1] =	stream.indirect.scatter.add.f32 [tilespmem:s23], [sflag:$0xA], $0x80, s8, s4, $0xb8;
	[tilespmem:$0x1E880] =	vst v63  }
0x255: {  	s9 =	sadd.s32 s18, s30  }
0x256: {  	[tilespmem:s2], [sflag:$0xB] =	stream.linear.gather [hbm4b:s9+s2], $0x280, $0x38;
	[tilespmem:$0x1E880] =	vst v63  }
0x257: {  	_ =	swait.ge [sflag:s0], $0x280  }
0x258: {  	s13 =	rddreg [dreg:$0x3];
	[sflag:s0] =	ssyncset.done $0x0  }
0x259: {  	s9 =	sadd.s32 s18, s13;
	[sflag:s0] =	ssyncadd.s32 $0xFFFFFD80;
	s13 =	simm.s32 $0x800  }
0x25a: {  	[tilespmem:s13], [sflag:$0xB] =	stream.linear.gather [hbm4b:s9+s2], $0x280, $0x38;
	[tilespmem:$0x1E880] =	vst v63  }
0x25b: {  	_ =	swait.ge [sflag:s0], $0x280  }
0x25c: {  	[sflag:s0] =	ssyncset.done $0x0  }
0x25d: {  	[sflag:s0] =	ssyncadd.s32 $0xFFFFFD80  }
0x25e: {  	_ =	swait.ge [sflag:s29], $0x2000  }
0x25f: {  	[sflag:s29] =	ssyncset.done $0x0  }
0x260: {  	[sflag:s29] =	ssyncadd.s32 $0xFFFFE000  }
0x261: {  	[tilespmem:s3], [sflag:$0x1] =	stream.indirect.gather [hbm4b:s15+s4], $0x80, s2, s4, $0xb8;
	[tilespmem:$0x1E880] =	vst v63  }
0x262: {  	_ =	swait.ge [sflag:s14], $0x2000  }
0x263: {  	[sflag:s14] =	ssyncset.done $0x0  }
0x264: {  	s19 =	rddreg [dreg:$0x7];
	[sflag:s14] =	ssyncadd.s32 $0xFFFFE000  }
0x265: {  	[tilespmem:s24], [sflag:$0x2] =	stream.indirect.gather [hbm4b:s15+s4], $0x80, s19, s4, $0xb8;
	[tilespmem:$0x1E880] =	vst v63  }
0x266: {  	_ =	swait.ge [sflag:s28], $0x2000  }
0x267: {  	[sflag:s28] =	ssyncset.done $0x0  }
0x268: {  	s30 =	rddreg [dreg:$0x8];
	[sflag:s28] =	ssyncadd.s32 $0xFFFFE000  }
0x269: {  	[tilespmem:s25], [sflag:$0x3] =	stream.indirect.gather [hbm4b:s15+s4], $0x80, s30, s4, $0xb8;
	[tilespmem:$0x1E880] =	vst v63  }
0x26a: {  	_ =	swait.ge [sflag:s31], $0x2000  }
0x26b: {  	[sflag:s31] =	ssyncset.done $0x0  }
0x26c: {  	s18 =	rddreg [dreg:$0x9];
	[sflag:s31] =	ssyncadd.s32 $0xFFFFE000  }
0x26d: {  	[tilespmem:s26], [sflag:$0x4] =	stream.indirect.gather [hbm4b:s15+s4], $0x80, s18, s4, $0xb8;
	[tilespmem:$0x1E880] =	vst v63  }
0x26e: {  	_ =	swait.ge [sflag:s10], $0x2000  }
0x26f: {  	[sflag:s10] =	ssyncset.done $0x0  }
0x270: {  	[sflag:s10] =	ssyncadd.s32 $0xFFFFE000  }
0x271: {  	[tilespmem:s23], [sflag:$0x5] =	stream.indirect.gather [hbm4b:s15+s4], $0x80, s21, s4, $0xb8;
	[tilespmem:$0x1E880] =	vst v63  }
0x272: {  	_ =	swait.ge [sflag:s11], $0x2000  }
0x273: {  	[sflag:s11] =	ssyncset.done $0x0  }
0x274: {  	[sflag:s11] =	ssyncadd.s32 $0xFFFFE000  }
0x275: {  	[spmem:s1] =	stream.indirect.scatter.add.f32 [tilespmem:s3], [sflag:$0x6], $0x80, s13, s4, $0xb8;
	[tilespmem:$0x1E880] =	vst v63  }
0x276: {  	_ =	swait.ge [sflag:s12], $0x2000  }
0x277: {  	[sflag:s12] =	ssyncset.done $0x0  }
0x278: {  	s19 =	rddreg [dreg:$0xa];
	[sflag:s12] =	ssyncadd.s32 $0xFFFFE000  }
0x279: {  	[spmem:s1] =	stream.indirect.scatter.add.f32 [tilespmem:s24], [sflag:$0x7], $0x80, s19, s4, $0xb8;
	[tilespmem:$0x1E880] =	vst v63  }
0x27a: {  	_ =	swait.ge [sflag:s17], $0x2000  }
0x27b: {  	[sflag:s17] =	ssyncset.done $0x0  }
0x27c: {  	s21 =	rddreg [dreg:$0xb];
	[sflag:s17] =	ssyncadd.s32 $0xFFFFE000  }
0x27d: {  	[spmem:s1] =	stream.indirect.scatter.add.f32 [tilespmem:s25], [sflag:$0x8], $0x80, s21, s4, $0xb8;
	[tilespmem:$0x1E880] =	vst v63  }
0x27e: {  	_ =	swait.ge [sflag:s20], $0x2000  }
0x27f: {  	[sflag:s20] =	ssyncset.done $0x0  }
0x280: {  	s24 =	rddreg [dreg:$0xc];
	[sflag:s20] =	ssyncadd.s32 $0xFFFFE000  }
0x281: {  	[spmem:s1] =	stream.indirect.scatter.add.f32 [tilespmem:s26], [sflag:$0x9], $0x80, s24, s4, $0xb8;
	[tilespmem:$0x1E880] =	vst v63  }
0x282: {  	_ =	swait.ge [sflag:s22], $0x2000  }
0x283: {  	[sflag:s22] =	ssyncset.done $0x0  }
0x284: {  	s30 =	rddreg [dreg:$0xd];
	[sflag:s22] =	ssyncadd.s32 $0xFFFFE000  }
0x285: {  	[spmem:s1] =	stream.indirect.scatter.add.f32 [tilespmem:s23], [sflag:$0xA], $0x80, s30, s4, $0xb8;
	[tilespmem:$0x1E880] =	vst v63  }
0x286: {  	_ =	swait.ge [sflag:s29], $0x2000  }
0x287: {  	[sflag:s29] =	ssyncset.done $0x0  }
0x288: {  	[sflag:s29] =	ssyncadd.s32 $0xFFFFE000  }
0x289: {  	_ =	swait.ge [sflag:s14], $0x2000  }
0x28a: {  	[sflag:s14] =	ssyncset.done $0x0  }
0x28b: {  	[sflag:s14] =	ssyncadd.s32 $0xFFFFE000  }
0x28c: {  	_ =	swait.ge [sflag:s28], $0x2000  }
0x28d: {  	[sflag:s28] =	ssyncset.done $0x0  }
0x28e: {  	[sflag:s28] =	ssyncadd.s32 $0xFFFFE000  }
0x28f: {  	_ =	swait.ge [sflag:s31], $0x2000  }
0x290: {  	[sflag:s31] =	ssyncset.done $0x0  }
0x291: {  	[sflag:s31] =	ssyncadd.s32 $0xFFFFE000  }
0x292: {  	_ =	swait.ge [sflag:s10], $0x2000  }
0x293: {  	s13 =	rddreg [dreg:$0xe]  }
.Ltmp10:
0x294: {  	s19 =	rddreg [dreg:$0xf];
	(pc) =	sbr.rel .LBB2_13-.Ltmp10, $4  }
0x295: {  	s14 =	sld [smem:$0x7FC]  }
0x296: {  	s24 =	sld [smem:$0x7FD]  }
0x297: {  	[sflag:s10] =	ssyncset.done $0x0;
	s23 =	rddreg [dreg:$0x1a]  }
0x298: {  	s21 =	stileid.u32;
	[sflag:s10] =	ssyncadd.s32 $0xFFFFE000;
	s10 =	sld [smem:$0x7F5]  }
.LBB2_14:
0x299: {  	_ =	sfence.sel $0x180000  }
0x29a: {  	[bflag:$0x0] =	sbarrier.arrive $0xFFFF  }
0x29b: {  	_ =	strace $0x90000047  }
0x29c: {  	[bflag:$0x2] =	sbarrier.arrive $0xFFFF  }
0x29d: {  	p0 =	sne.s32 s21, $0x0;
	s0 =	rddreg [dreg:$0x2]  }
0x29e: {  	s0 =	sadd.s32 @!p0 $0x100000, s0  }
0x29f: {  	[sflag:s0] =	ssyncadd.tile.s32 @!p0 $0x1;
	_ =	shalt  }
.Lfunc_end2:
_tile_overlayer_lowered:
.L_overlay_start_2:
0x2a0: {  	(tag) =	ssettag $0x2  }
0x2a1: {  	s0 =	rddreg [dreg:$0x0];
	s2 =	stileid.u32  }
0x2a2: {  	s1 =	rddreg [dreg:$0x1];
	p0 =	sne.s32 s2, $0x0  }
0x2a3: {  	s3 =	rddreg [dreg:$0x2];
	[bflag:$0x3] =	sbarrier.arrive $0xFFFF;
	s2 =	simm.s32 @!p0 $0x1C0B  }
0x2a4: {  	[timem:s3], [sflag:s2] =	dma.local @!p0 [hbm:s0], s1  }
0x2a5: {  	s0 =	simm.s32 @!p0 $0xB  }
0x2a6: {  	_ =	swait.ge @!p0 [sflag:s0], s1  }
0x2a7: {  	s1 =	ssub.s32 @!p0 $0x0, s1;
	[sflag:s0] =	ssyncset.done @!p0 $0x0  }
0x2a8: {  	[sflag:s0] =	ssyncadd.s32 @!p0 s1  }
0x2a9: {  	[bflag:$0x3] =	sbarrier.arrive $0xFFFF  }
0x2aa: {  	_ =	shalt  }

</sc_bundles>
